<compile_context>
chip_gen: v7x
topology: tpu7x:2x2x1
jax: 0.10.2.dev20260603
libtpu: 0.0.44.dev20260713+nightly
codegen_flags: <defaults>
</compile_context>

<pallas_src>
import functools

import jax
import jax.numpy as jnp
from jax import lax
from jax.experimental import pallas as pl
from jax.experimental.pallas import tpu as pltpu
from jax.experimental.pallas import tpu_sc as plsc

N = 100000
D = 128
B = 4096
MOM = 0.1
L = 16
NC = 2
NS = 16
NW = NC * NS
BP = B // NW


def _rsqrt(t):
    i = plsc.bitcast(t, jnp.int32)
    i = jnp.int32(0x5F3759DF) - (i >> 1)
    y = plsc.bitcast(i, jnp.float32)
    for _ in range(3):
        y = y * (1.5 - 0.5 * t * y * y)
    return y


@functools.partial(
    pl.kernel,
    out_type=(),
    mesh=plsc.VectorSubcoreMesh(
        core_axis_name="c", subcore_axis_name="s",
        num_cores=NC, num_subcores=NS),
    compiler_params=pltpu.CompilerParams(needs_layout_passes=False),
    scratch_types=[
        pltpu.VMEM((BP,), jnp.int32),
        pltpu.VMEM((BP, D), jnp.float32),
        pltpu.VMEM((BP, D), jnp.float32),
        pltpu.SemaphoreType.DMA,
        pltpu.SemaphoreType.DMA,
        pltpu.SemaphoreType.DMA,
    ],
)
def _mb_update(inputs_hbm, targets_hbm, features_hbm, bank_hbm,
               tgt_v, xbuf_v, obuf_v, gsem, xsem, hsem):
    wid = lax.axis_index("s") * NC + lax.axis_index("c")
    base = wid * BP

    H = BP // 2
    x = pltpu.async_copy(inputs_hbm.at[pl.ds(base, BP)], xbuf_v, xsem)
    pltpu.sync_copy(targets_hbm.at[pl.ds(base, BP)], tgt_v)
    g0 = pltpu.async_copy(features_hbm.at[tgt_v.at[pl.ds(0, H)]],
                          obuf_v.at[pl.ds(0, H)], gsem)
    g1 = pltpu.async_copy(features_hbm.at[tgt_v.at[pl.ds(H, H)]],
                          obuf_v.at[pl.ds(H, H)], hsem)
    g0.wait()
    x.wait()

    UNROLL = 4

    def make_body(r0):
        def row_body(r2, _):
            for k in range(UNROLL):
                r = r0 + r2 * UNROLL + k
                acc = jnp.zeros((L,), jnp.float32)
                nvs = []
                for f in range(D // L):
                    old = obuf_v[r, pl.ds(f * L, L)]
                    xv = xbuf_v[r, pl.ds(f * L, L)]
                    nv = MOM * old + (1.0 - MOM) * xv
                    nvs.append(nv)
                    acc = acc + nv * nv
                y = _rsqrt(jnp.broadcast_to(jnp.sum(acc), (L,)))
                for f in range(D // L):
                    obuf_v[r, pl.ds(f * L, L)] = nvs[f] * y
            return 0
        return row_body

    lax.fori_loop(0, H // UNROLL, make_body(0), 0)
    g1.wait()
    lax.fori_loop(0, H // UNROLL, make_body(H), 0)
    pltpu.async_copy(obuf_v, bank_hbm.at[tgt_v], gsem).wait()


def kernel(inputs, targets, features):
    bank = jax.new_ref(features)
    _mb_update(inputs, targets.astype(jnp.int32), features, bank)
    return bank[...]

# --- scband reference (transcript-rebuilt; emitter-appended) ---
"""Pipeline reference for scband-memory-bank-60017872994504 (READ-ONLY COPY).

The authoritative reference and input builder live on the scoring server;
editing this copy changes nothing except your own understanding.
"""

import jax, jax.numpy as jnp
import numpy as np

NUM_SAMPLES = 100000
NUM_FEATURES = 128
BATCH = 4096
MOMENTUM = 0.1


def setup_inputs(seed: int = 0) -> dict:
    key = jax.random.key(seed)
    k1, k2, k3 = jax.random.split(key, 3)
    inputs = jax.random.normal(k1, (BATCH, NUM_FEATURES), dtype=jnp.float32)
    targets = jax.random.randint(k2, (BATCH,), 0, NUM_SAMPLES)
    # memory bank buffer state (torch registers zeros; use randn so rows are non-degenerate)
    features = jax.random.normal(k3, (NUM_SAMPLES, NUM_FEATURES), dtype=jnp.float32)
    return {"inputs": inputs, "targets": targets, "features": features}


def reference(inputs, targets, features):
    # momentum_update: features[y] = m * features[y] + (1-m) * x; then L2-normalize the row.
    # Vectorized over the batch (equivalent to the python loop for unique targets).
    old = jnp.take(features, targets, axis=0)              # gather  [B, d]
    new = MOMENTUM * old + (1.0 - MOMENTUM) * inputs       # momentum blend
    norms = jnp.linalg.norm(new, axis=1, keepdims=True)
    new = new / norms                                      # per-row L2 normalize
    updated = features.at[targets].set(new)                # scatter-overwrite
    return updated

if __name__ == "__main__":
    import jax
    _d = setup_inputs()
    print(jax.jit(kernel)(*tuple(_d.values())))

</pallas_src>

<mosaic_0001>
#map = affine_map<(d0, d1) -> (0, 0)>
#map1 = affine_map<(d0, d1) -> (0)>
module attributes {stable_mosaic.version = 14 : i64} {
  func.func @new_body(%arg0: i32, %arg1: i32, %arg2: memref<4096x128xf32, #tpu.memory_space<hbm>>, %arg3: memref<4096xi32, #tpu.memory_space<hbm>>, %arg4: memref<100000x128xf32, #tpu.memory_space<hbm>>, %arg5: memref<100000x128xf32, #tpu.memory_space<hbm>>, %arg6: memref<100000x128xf32, #tpu.memory_space<hbm>>, %arg7: memref<128xi32, #tpu.memory_space<vmem>>, %arg8: memref<128x128xf32, #tpu.memory_space<vmem>>, %arg9: memref<128x128xf32, #tpu.memory_space<vmem>>, %arg10: memref<!tpu.dma_semaphore, #tpu.memory_space<semaphore_mem>>, %arg11: memref<!tpu.dma_semaphore, #tpu.memory_space<semaphore_mem>>, %arg12: memref<!tpu.dma_semaphore, #tpu.memory_space<semaphore_mem>>) attributes {dimension_semantics = [#tpu.dimension_semantics<core_parallel>, #tpu.dimension_semantics<subcore_parallel>], iteration_bounds = array<i64: 2, 16>, scalar_prefetch = 0 : i64, scratch_operands = 6 : i64, tpu.core_type = #tpu.core_type<sc_vector_subcore>, window_params = [{transform_indices = #map}, {transform_indices = #map1}, {transform_indices = #map}, {transform_indices = #map}, {transform_indices = #map}]} {
    %mul3A = arith.constant 2 : i32
    %mul3A_0 = arith.muli %arg1, %mul3A : i32
    %add3A = arith.addi %mul3A_0, %arg0 : i32
    %mul3A_1 = arith.constant 128 : i32
    %mul3A_2 = arith.muli %add3A, %mul3A_1 : i32
    %dma_start3A = arith.constant 0 : i32
    %dma_start3A_3 = tpu.memref_slice %arg2[%mul3A_2, %dma_start3A] : memref<4096x128xf32, #tpu.memory_space<hbm>> -> memref<128x128xf32, #tpu.memory_space<hbm>>
    %dma_start3A_4 = arith.constant 0 : i32
    %dma_start3A_5 = tpu.memref_slice %arg2[%mul3A_2, %dma_start3A_4] : memref<4096x128xf32, #tpu.memory_space<hbm>> -> memref<128x128xf32, #tpu.memory_space<hbm>>
    tpu.enqueue_dma source(%dma_start3A_5 : memref<128x128xf32, #tpu.memory_space<hbm>>) target(%arg8 : memref<128x128xf32, #tpu.memory_space<vmem>>) target_semaphore(%arg11 : memref<!tpu.dma_semaphore, #tpu.memory_space<semaphore_mem>>)
    "tpu.region"() ({
      %run_scoped3A = tpu.sem_alloc : memref<!tpu.dma_semaphore, #tpu.memory_space<semaphore_mem>>
      %dma_start3A_60 = tpu.memref_slice %arg3[%mul3A_2] : memref<4096xi32, #tpu.memory_space<hbm>> -> memref<128xi32, #tpu.memory_space<hbm>>
      %dma_start3A_61 = tpu.memref_slice %arg3[%mul3A_2] : memref<4096xi32, #tpu.memory_space<hbm>> -> memref<128xi32, #tpu.memory_space<hbm>>
      tpu.enqueue_dma source(%dma_start3A_61 : memref<128xi32, #tpu.memory_space<hbm>>) target(%arg7 : memref<128xi32, #tpu.memory_space<vmem>>) target_semaphore(%run_scoped3A : memref<!tpu.dma_semaphore, #tpu.memory_space<semaphore_mem>>)
      %dma_wait3A_62 = tpu.memref_slice %arg3[%mul3A_2] : memref<4096xi32, #tpu.memory_space<hbm>> -> memref<128xi32, #tpu.memory_space<hbm>>
      %dma_wait3A_63 = tpu.memref_slice %arg3[%mul3A_2] : memref<4096xi32, #tpu.memory_space<hbm>> -> memref<128xi32, #tpu.memory_space<hbm>>
      tpu.wait_dma2 semaphore(%run_scoped3A : memref<!tpu.dma_semaphore, #tpu.memory_space<semaphore_mem>>) src(%dma_wait3A_63 : memref<128xi32, #tpu.memory_space<hbm>>) dst(%arg7 : memref<128xi32, #tpu.memory_space<vmem>>)
      tpu.yield
    }) : () -> ()
    %dma_start3A_6 = arith.constant 0 : i32
    %dma_start3A_7 = arith.constant 0 : i32
    %dma_start3A_8 = tpu.memref_slice %arg9[%dma_start3A_6, %dma_start3A_7] : memref<128x128xf32, #tpu.memory_space<vmem>> -> memref<64x128xf32, #tpu.memory_space<vmem>>
    %dma_start3A_9 = arith.constant 0 : i32
    %dma_start3A_10 = tpu.memref_slice %arg7[%dma_start3A_9] : memref<128xi32, #tpu.memory_space<vmem>> -> memref<64xi32, #tpu.memory_space<vmem>>
    %dma_start3A_11 = arith.constant 0 : i32
    %dma_start3A_12 = arith.constant 0 : i32
    %dma_start3A_13 = tpu.memref_slice %arg4[%dma_start3A_11, %dma_start3A_12] : memref<100000x128xf32, #tpu.memory_space<hbm>> -> memref<100000x128xf32, #tpu.memory_space<hbm>>
    tpu.enqueue_indirect_dma source(%dma_start3A_13 : memref<100000x128xf32, #tpu.memory_space<hbm>>) target(%dma_start3A_8 : memref<64x128xf32, #tpu.memory_space<vmem>>) offsets(%dma_start3A_10 : memref<64xi32, #tpu.memory_space<vmem>>) semaphore(%arg10 : memref<!tpu.dma_semaphore, #tpu.memory_space<semaphore_mem>>)
    %dma_start3A_14 = arith.constant 64 : i32
    %dma_start3A_15 = arith.constant 0 : i32
    %dma_start3A_16 = tpu.memref_slice %arg9[%dma_start3A_14, %dma_start3A_15] : memref<128x128xf32, #tpu.memory_space<vmem>> -> memref<64x128xf32, #tpu.memory_space<vmem>>
    %dma_start3A_17 = arith.constant 64 : i32
    %dma_start3A_18 = tpu.memref_slice %arg7[%dma_start3A_17] : memref<128xi32, #tpu.memory_space<vmem>> -> memref<64xi32, #tpu.memory_space<vmem>>
    %dma_start3A_19 = arith.constant 0 : i32
    %dma_start3A_20 = arith.constant 0 : i32
    %dma_start3A_21 = tpu.memref_slice %arg4[%dma_start3A_19, %dma_start3A_20] : memref<100000x128xf32, #tpu.memory_space<hbm>> -> memref<100000x128xf32, #tpu.memory_space<hbm>>
    tpu.enqueue_indirect_dma source(%dma_start3A_21 : memref<100000x128xf32, #tpu.memory_space<hbm>>) target(%dma_start3A_16 : memref<64x128xf32, #tpu.memory_space<vmem>>) offsets(%dma_start3A_18 : memref<64xi32, #tpu.memory_space<vmem>>) semaphore(%arg12 : memref<!tpu.dma_semaphore, #tpu.memory_space<semaphore_mem>>)
    %dma_wait3A = arith.constant 0 : i32
    %dma_wait3A_22 = arith.constant 0 : i32
    %dma_wait3A_23 = tpu.memref_slice %arg9[%dma_wait3A, %dma_wait3A_22] : memref<128x128xf32, #tpu.memory_space<vmem>> -> memref<64x128xf32, #tpu.memory_space<vmem>>
    %dma_wait3A_24 = arith.constant 0 : i32
    %dma_wait3A_25 = tpu.memref_slice %arg7[%dma_wait3A_24] : memref<128xi32, #tpu.memory_space<vmem>> -> memref<64xi32, #tpu.memory_space<vmem>>
    %dma_wait3A_26 = arith.constant 0 : i32
    %dma_wait3A_27 = arith.constant 0 : i32
    %dma_wait3A_28 = tpu.memref_slice %arg4[%dma_wait3A_26, %dma_wait3A_27] : memref<100000x128xf32, #tpu.memory_space<hbm>> -> memref<100000x128xf32, #tpu.memory_space<hbm>>
    tpu.wait_indirect_dma semaphore(%arg10 : memref<!tpu.dma_semaphore, #tpu.memory_space<semaphore_mem>>) src(%dma_wait3A_28 : memref<100000x128xf32, #tpu.memory_space<hbm>>) dst(%dma_wait3A_23 : memref<64x128xf32, #tpu.memory_space<vmem>>)
    %dma_wait3A_29 = arith.constant 0 : i32
    %dma_wait3A_30 = tpu.memref_slice %arg2[%mul3A_2, %dma_wait3A_29] : memref<4096x128xf32, #tpu.memory_space<hbm>> -> memref<128x128xf32, #tpu.memory_space<hbm>>
    %dma_wait3A_31 = arith.constant 0 : i32
    %dma_wait3A_32 = tpu.memref_slice %arg2[%mul3A_2, %dma_wait3A_31] : memref<4096x128xf32, #tpu.memory_space<hbm>> -> memref<128x128xf32, #tpu.memory_space<hbm>>
    tpu.wait_dma2 semaphore(%arg11 : memref<!tpu.dma_semaphore, #tpu.memory_space<semaphore_mem>>) src(%dma_wait3A_32 : memref<128x128xf32, #tpu.memory_space<hbm>>) dst(%arg8 : memref<128x128xf32, #tpu.memory_space<vmem>>)
    %scan3A = arith.constant 0 : i32
    %scan3A_33 = arith.constant 0 : i32
    %scan3A_34 = arith.constant 16 : i32
    %scan3A_35 = arith.addi %scan3A_33, %scan3A_34 : i32
    %scan3A_36 = arith.constant 1 : i32
    %scan3A_37 = scf.for %scan3A_60 = %scan3A_33 to %scan3A_35 step %scan3A_36 iter_args(%scan3A_61 = %scan3A) -> (i32)  : i32 {
      %mul3A_62 = arith.constant 4 : i32
      %mul3A_63 = arith.muli %scan3A_60, %mul3A_62 : i32
      %add3A_64 = arith.constant 0 : i32
      %add3A_65 = arith.addi %add3A_64, %mul3A_63 : i32
      %add3A_66 = arith.constant 0 : i32
      %add3A_67 = arith.addi %add3A_65, %add3A_66 : i32
      %broadcast_in_dim3A = arith.constant 0.000000e+00 : f32
      %broadcast_in_dim3A_68 = vector.broadcast %broadcast_in_dim3A : f32 to vector<16xf32>
      %get3A = arith.index_cast %add3A_67 : i32 to index
      %get3A_69 = arith.constant 0 : index
      %get3A_70 = tpu.vector_load %arg9[%get3A, %get3A_69] {strides = array<i32>} : memref<128x128xf32, #tpu.memory_space<vmem>>, vector<16xf32>,
      %get3A_71 = arith.index_cast %add3A_67 : i32 to index
      %get3A_72 = arith.constant 0 : index
      %get3A_73 = tpu.vector_load %arg8[%get3A_71, %get3A_72] {strides = array<i32>} : memref<128x128xf32, #tpu.memory_space<vmem>>, vector<16xf32>,
      %mul3A_74 = arith.constant 1.000000e-01 : f32
      %mul3A_75 = vector.broadcast %mul3A_74 : f32 to vector<16xf32>
      %mul3A_76 = arith.mulf %mul3A_75, %get3A_70 : vector<16xf32>
      %mul3A_77 = arith.constant 0.899999976 : f32
      %mul3A_78 = vector.broadcast %mul3A_77 : f32 to vector<16xf32>
      %mul3A_79 = arith.mulf %mul3A_78, %get3A_73 : vector<16xf32>
      %add3A_80 = arith.addf %mul3A_76, %mul3A_79 : vector<16xf32>
      %mul3A_81 = arith.mulf %add3A_80, %add3A_80 : vector<16xf32>
      %add3A_82 = arith.addf %broadcast_in_dim3A_68, %mul3A_81 : vector<16xf32>
      %get3A_83 = arith.index_cast %add3A_67 : i32 to index
      %get3A_84 = arith.constant 16 : index
      %get3A_85 = tpu.vector_load %arg9[%get3A_83, %get3A_84] {strides = array<i32>} : memref<128x128xf32, #tpu.memory_space<vmem>>, vector<16xf32>,
      %get3A_86 = arith.index_cast %add3A_67 : i32 to index
      %get3A_87 = arith.constant 16 : index
      %get3A_88 = tpu.vector_load %arg8[%get3A_86, %get3A_87] {strides = array<i32>} : memref<128x128xf32, #tpu.memory_space<vmem>>, vector<16xf32>,
      %mul3A_89 = arith.constant 1.000000e-01 : f32
      %mul3A_90 = vector.broadcast %mul3A_89 : f32 to vector<16xf32>
      %mul3A_91 = arith.mulf %mul3A_90, %get3A_85 : vector<16xf32>
      %mul3A_92 = arith.constant 0.899999976 : f32
      %mul3A_93 = vector.broadcast %mul3A_92 : f32 to vector<16xf32>
      %mul3A_94 = arith.mulf %mul3A_93, %get3A_88 : vector<16xf32>
      %add3A_95 = arith.addf %mul3A_91, %mul3A_94 : vector<16xf32>
      %mul3A_96 = arith.mulf %add3A_95, %add3A_95 : vector<16xf32>
      %add3A_97 = arith.addf %add3A_82, %mul3A_96 : vector<16xf32>
      %get3A_98 = arith.index_cast %add3A_67 : i32 to index
      %get3A_99 = arith.constant 32 : index
      %get3A_100 = tpu.vector_load %arg9[%get3A_98, %get3A_99] {strides = array<i32>} : memref<128x128xf32, #tpu.memory_space<vmem>>, vector<16xf32>,
      %get3A_101 = arith.index_cast %add3A_67 : i32 to index
      %get3A_102 = arith.constant 32 : index
      %get3A_103 = tpu.vector_load %arg8[%get3A_101, %get3A_102] {strides = array<i32>} : memref<128x128xf32, #tpu.memory_space<vmem>>, vector<16xf32>,
      %mul3A_104 = arith.constant 1.000000e-01 : f32
      %mul3A_105 = vector.broadcast %mul3A_104 : f32 to vector<16xf32>
      %mul3A_106 = arith.mulf %mul3A_105, %get3A_100 : vector<16xf32>
      %mul3A_107 = arith.constant 0.899999976 : f32
      %mul3A_108 = vector.broadcast %mul3A_107 : f32 to vector<16xf32>
      %mul3A_109 = arith.mulf %mul3A_108, %get3A_103 : vector<16xf32>
      %add3A_110 = arith.addf %mul3A_106, %mul3A_109 : vector<16xf32>
      %mul3A_111 = arith.mulf %add3A_110, %add3A_110 : vector<16xf32>
      %add3A_112 = arith.addf %add3A_97, %mul3A_111 : vector<16xf32>
      %get3A_113 = arith.index_cast %add3A_67 : i32 to index
      %get3A_114 = arith.constant 48 : index
      %get3A_115 = tpu.vector_load %arg9[%get3A_113, %get3A_114] {strides = array<i32>} : memref<128x128xf32, #tpu.memory_space<vmem>>, vector<16xf32>,
      %get3A_116 = arith.index_cast %add3A_67 : i32 to index
      %get3A_117 = arith.constant 48 : index
      %get3A_118 = tpu.vector_load %arg8[%get3A_116, %get3A_117] {strides = array<i32>} : memref<128x128xf32, #tpu.memory_space<vmem>>, vector<16xf32>,
      %mul3A_119 = arith.constant 1.000000e-01 : f32
      %mul3A_120 = vector.broadcast %mul3A_119 : f32 to vector<16xf32>
      %mul3A_121 = arith.mulf %mul3A_120, %get3A_115 : vector<16xf32>
      %mul3A_122 = arith.constant 0.899999976 : f32
      %mul3A_123 = vector.broadcast %mul3A_122 : f32 to vector<16xf32>
      %mul3A_124 = arith.mulf %mul3A_123, %get3A_118 : vector<16xf32>
      %add3A_125 = arith.addf %mul3A_121, %mul3A_124 : vector<16xf32>
      %mul3A_126 = arith.mulf %add3A_125, %add3A_125 : vector<16xf32>
      %add3A_127 = arith.addf %add3A_112, %mul3A_126 : vector<16xf32>
      %get3A_128 = arith.index_cast %add3A_67 : i32 to index
      %get3A_129 = arith.constant 64 : index
      %get3A_130 = tpu.vector_load %arg9[%get3A_128, %get3A_129] {strides = array<i32>} : memref<128x128xf32, #tpu.memory_space<vmem>>, vector<16xf32>,
      %get3A_131 = arith.index_cast %add3A_67 : i32 to index
      %get3A_132 = arith.constant 64 : index
      %get3A_133 = tpu.vector_load %arg8[%get3A_131, %get3A_132] {strides = array<i32>} : memref<128x128xf32, #tpu.memory_space<vmem>>, vector<16xf32>,
      %mul3A_134 = arith.constant 1.000000e-01 : f32
      %mul3A_135 = vector.broadcast %mul3A_134 : f32 to vector<16xf32>
      %mul3A_136 = arith.mulf %mul3A_135, %get3A_130 : vector<16xf32>
      %mul3A_137 = arith.constant 0.899999976 : f32
      %mul3A_138 = vector.broadcast %mul3A_137 : f32 to vector<16xf32>
      %mul3A_139 = arith.mulf %mul3A_138, %get3A_133 : vector<16xf32>
      %add3A_140 = arith.addf %mul3A_136, %mul3A_139 : vector<16xf32>
      %mul3A_141 = arith.mulf %add3A_140, %add3A_140 : vector<16xf32>
      %add3A_142 = arith.addf %add3A_127, %mul3A_141 : vector<16xf32>
      %get3A_143 = arith.index_cast %add3A_67 : i32 to index
      %get3A_144 = arith.constant 80 : index
      %get3A_145 = tpu.vector_load %arg9[%get3A_143, %get3A_144] {strides = array<i32>} : memref<128x128xf32, #tpu.memory_space<vmem>>, vector<16xf32>,
      %get3A_146 = arith.index_cast %add3A_67 : i32 to index
      %get3A_147 = arith.constant 80 : index
      %get3A_148 = tpu.vector_load %arg8[%get3A_146, %get3A_147] {strides = array<i32>} : memref<128x128xf32, #tpu.memory_space<vmem>>, vector<16xf32>,
      %mul3A_149 = arith.constant 1.000000e-01 : f32
      %mul3A_150 = vector.broadcast %mul3A_149 : f32 to vector<16xf32>
      %mul3A_151 = arith.mulf %mul3A_150, %get3A_145 : vector<16xf32>
      %mul3A_152 = arith.constant 0.899999976 : f32
      %mul3A_153 = vector.broadcast %mul3A_152 : f32 to vector<16xf32>
      %mul3A_154 = arith.mulf %mul3A_153, %get3A_148 : vector<16xf32>
      %add3A_155 = arith.addf %mul3A_151, %mul3A_154 : vector<16xf32>
      %mul3A_156 = arith.mulf %add3A_155, %add3A_155 : vector<16xf32>
      %add3A_157 = arith.addf %add3A_142, %mul3A_156 : vector<16xf32>
      %get3A_158 = arith.index_cast %add3A_67 : i32 to index
      %get3A_159 = arith.constant 96 : index
      %get3A_160 = tpu.vector_load %arg9[%get3A_158, %get3A_159] {strides = array<i32>} : memref<128x128xf32, #tpu.memory_space<vmem>>, vector<16xf32>,
      %get3A_161 = arith.index_cast %add3A_67 : i32 to index
      %get3A_162 = arith.constant 96 : index
      %get3A_163 = tpu.vector_load %arg8[%get3A_161, %get3A_162] {strides = array<i32>} : memref<128x128xf32, #tpu.memory_space<vmem>>, vector<16xf32>,
      %mul3A_164 = arith.constant 1.000000e-01 : f32
      %mul3A_165 = vector.broadcast %mul3A_164 : f32 to vector<16xf32>
      %mul3A_166 = arith.mulf %mul3A_165, %get3A_160 : vector<16xf32>
      %mul3A_167 = arith.constant 0.899999976 : f32
      %mul3A_168 = vector.broadcast %mul3A_167 : f32 to vector<16xf32>
      %mul3A_169 = arith.mulf %mul3A_168, %get3A_163 : vector<16xf32>
      %add3A_170 = arith.addf %mul3A_166, %mul3A_169 : vector<16xf32>
      %mul3A_171 = arith.mulf %add3A_170, %add3A_170 : vector<16xf32>
      %add3A_172 = arith.addf %add3A_157, %mul3A_171 : vector<16xf32>
      %get3A_173 = arith.index_cast %add3A_67 : i32 to index
      %get3A_174 = arith.constant 112 : index
      %get3A_175 = tpu.vector_load %arg9[%get3A_173, %get3A_174] {strides = array<i32>} : memref<128x128xf32, #tpu.memory_space<vmem>>, vector<16xf32>,
      %get3A_176 = arith.index_cast %add3A_67 : i32 to index
      %get3A_177 = arith.constant 112 : index
      %get3A_178 = tpu.vector_load %arg8[%get3A_176, %get3A_177] {strides = array<i32>} : memref<128x128xf32, #tpu.memory_space<vmem>>, vector<16xf32>,
      %mul3A_179 = arith.constant 1.000000e-01 : f32
      %mul3A_180 = vector.broadcast %mul3A_179 : f32 to vector<16xf32>
      %mul3A_181 = arith.mulf %mul3A_180, %get3A_175 : vector<16xf32>
      %mul3A_182 = arith.constant 0.899999976 : f32
      %mul3A_183 = vector.broadcast %mul3A_182 : f32 to vector<16xf32>
      %mul3A_184 = arith.mulf %mul3A_183, %get3A_178 : vector<16xf32>
      %add3A_185 = arith.addf %mul3A_181, %mul3A_184 : vector<16xf32>
      %mul3A_186 = arith.mulf %add3A_185, %add3A_185 : vector<16xf32>
      %add3A_187 = arith.addf %add3A_172, %mul3A_186 : vector<16xf32>
      %reduce_sum3A = arith.constant true
      %reduce_sum3A_188 = vector.broadcast %reduce_sum3A : i1 to vector<16xi1>
      %reduce_sum3A_189 = tpu.scan <sum>, %add3A_187 masked %reduce_sum3A_188 : vector<16xf32>, vector<16xi1> -> vector<16xf32>
      %reduce_sum3A_190 = vector.extract %reduce_sum3A_189[15] : f32 from vector<16xf32>
      %broadcast_in_dim3A_191 = vector.broadcast %reduce_sum3A_190 : f32 to vector<16xf32>
      %bitcast3A = vector.bitcast %broadcast_in_dim3A_191 : vector<16xf32> to vector<16xi32>
      %shift_right_arithmetic3A = arith.constant 1 : i32
      %shift_right_arithmetic3A_192 = vector.broadcast %shift_right_arithmetic3A : i32 to vector<16xi32>
      %shift_right_arithmetic3A_193 = arith.shrsi %bitcast3A, %shift_right_arithmetic3A_192 : vector<16xi32>
      %sub3A = arith.constant 1597463007 : i32
      %sub3A_194 = vector.broadcast %sub3A : i32 to vector<16xi32>
      %sub3A_195 = arith.subi %sub3A_194, %shift_right_arithmetic3A_193 : vector<16xi32>
      %bitcast3A_196 = vector.bitcast %sub3A_195 : vector<16xi32> to vector<16xf32>
      %mul3A_197 = arith.constant 5.000000e-01 : f32
      %mul3A_198 = vector.broadcast %mul3A_197 : f32 to vector<16xf32>
      %mul3A_199 = arith.mulf %mul3A_198, %broadcast_in_dim3A_191 : vector<16xf32>
      %mul3A_200 = arith.mulf %mul3A_199, %bitcast3A_196 : vector<16xf32>
      %mul3A_201 = arith.mulf %mul3A_200, %bitcast3A_196 : vector<16xf32>
      %sub3A_202 = arith.constant 1.500000e+00 : f32
      %sub3A_203 = vector.broadcast %sub3A_202 : f32 to vector<16xf32>
      %sub3A_204 = arith.subf %sub3A_203, %mul3A_201 : vector<16xf32>
      %mul3A_205 = arith.mulf %bitcast3A_196, %sub3A_204 : vector<16xf32>
      %mul3A_206 = arith.constant 5.000000e-01 : f32
      %mul3A_207 = vector.broadcast %mul3A_206 : f32 to vector<16xf32>
      %mul3A_208 = arith.mulf %mul3A_207, %broadcast_in_dim3A_191 : vector<16xf32>
      %mul3A_209 = arith.mulf %mul3A_208, %mul3A_205 : vector<16xf32>
      %mul3A_210 = arith.mulf %mul3A_209, %mul3A_205 : vector<16xf32>
      %sub3A_211 = arith.constant 1.500000e+00 : f32
      %sub3A_212 = vector.broadcast %sub3A_211 : f32 to vector<16xf32>
      %sub3A_213 = arith.subf %sub3A_212, %mul3A_210 : vector<16xf32>
      %mul3A_214 = arith.mulf %mul3A_205, %sub3A_213 : vector<16xf32>
      %mul3A_215 = arith.constant 5.000000e-01 : f32
      %mul3A_216 = vector.broadcast %mul3A_215 : f32 to vector<16xf32>
      %mul3A_217 = arith.mulf %mul3A_216, %broadcast_in_dim3A_191 : vector<16xf32>
      %mul3A_218 = arith.mulf %mul3A_217, %mul3A_214 : vector<16xf32>
      %mul3A_219 = arith.mulf %mul3A_218, %mul3A_214 : vector<16xf32>
      %sub3A_220 = arith.constant 1.500000e+00 : f32
      %sub3A_221 = vector.broadcast %sub3A_220 : f32 to vector<16xf32>
      %sub3A_222 = arith.subf %sub3A_221, %mul3A_219 : vector<16xf32>
      %mul3A_223 = arith.mulf %mul3A_214, %sub3A_222 : vector<16xf32>
      %mul3A_224 = arith.mulf %add3A_80, %mul3A_223 : vector<16xf32>
      %swap3A = arith.index_cast %add3A_67 : i32 to index
      %swap3A_225 = arith.constant 0 : index
      %swap3A_226 = tpu.vector_load %arg9[%swap3A, %swap3A_225] {strides = array<i32>} : memref<128x128xf32, #tpu.memory_space<vmem>>, vector<16xf32>,
      tpu.vector_store %arg9[%swap3A, %swap3A_225], %mul3A_224 {strides = array<i32>} : memref<128x128xf32, #tpu.memory_space<vmem>>, vector<16xf32>,
      %mul3A_227 = arith.mulf %add3A_95, %mul3A_223 : vector<16xf32>
      %swap3A_228 = arith.index_cast %add3A_67 : i32 to index
      %swap3A_229 = arith.constant 16 : index
      %swap3A_230 = tpu.vector_load %arg9[%swap3A_228, %swap3A_229] {strides = array<i32>} : memref<128x128xf32, #tpu.memory_space<vmem>>, vector<16xf32>,
      tpu.vector_store %arg9[%swap3A_228, %swap3A_229], %mul3A_227 {strides = array<i32>} : memref<128x128xf32, #tpu.memory_space<vmem>>, vector<16xf32>,
      %mul3A_231 = arith.mulf %add3A_110, %mul3A_223 : vector<16xf32>
      %swap3A_232 = arith.index_cast %add3A_67 : i32 to index
      %swap3A_233 = arith.constant 32 : index
      %swap3A_234 = tpu.vector_load %arg9[%swap3A_232, %swap3A_233] {strides = array<i32>} : memref<128x128xf32, #tpu.memory_space<vmem>>, vector<16xf32>,
      tpu.vector_store %arg9[%swap3A_232, %swap3A_233], %mul3A_231 {strides = array<i32>} : memref<128x128xf32, #tpu.memory_space<vmem>>, vector<16xf32>,
      %mul3A_235 = arith.mulf %add3A_125, %mul3A_223 : vector<16xf32>
      %swap3A_236 = arith.index_cast %add3A_67 : i32 to index
      %swap3A_237 = arith.constant 48 : index
      %swap3A_238 = tpu.vector_load %arg9[%swap3A_236, %swap3A_237] {strides = array<i32>} : memref<128x128xf32, #tpu.memory_space<vmem>>, vector<16xf32>,
      tpu.vector_store %arg9[%swap3A_236, %swap3A_237], %mul3A_235 {strides = array<i32>} : memref<128x128xf32, #tpu.memory_space<vmem>>, vector<16xf32>,
      %mul3A_239 = arith.mulf %add3A_140, %mul3A_223 : vector<16xf32>
      %swap3A_240 = arith.index_cast %add3A_67 : i32 to index
      %swap3A_241 = arith.constant 64 : index
      %swap3A_242 = tpu.vector_load %arg9[%swap3A_240, %swap3A_241] {strides = array<i32>} : memref<128x128xf32, #tpu.memory_space<vmem>>, vector<16xf32>,
      tpu.vector_store %arg9[%swap3A_240, %swap3A_241], %mul3A_239 {strides = array<i32>} : memref<128x128xf32, #tpu.memory_space<vmem>>, vector<16xf32>,
      %mul3A_243 = arith.mulf %add3A_155, %mul3A_223 : vector<16xf32>
      %swap3A_244 = arith.index_cast %add3A_67 : i32 to index
      %swap3A_245 = arith.constant 80 : index
      %swap3A_246 = tpu.vector_load %arg9[%swap3A_244, %swap3A_245] {strides = array<i32>} : memref<128x128xf32, #tpu.memory_space<vmem>>, vector<16xf32>,
      tpu.vector_store %arg9[%swap3A_244, %swap3A_245], %mul3A_243 {strides = array<i32>} : memref<128x128xf32, #tpu.memory_space<vmem>>, vector<16xf32>,
      %mul3A_247 = arith.mulf %add3A_170, %mul3A_223 : vector<16xf32>
      %swap3A_248 = arith.index_cast %add3A_67 : i32 to index
      %swap3A_249 = arith.constant 96 : index
      %swap3A_250 = tpu.vector_load %arg9[%swap3A_248, %swap3A_249] {strides = array<i32>} : memref<128x128xf32, #tpu.memory_space<vmem>>, vector<16xf32>,
      tpu.vector_store %arg9[%swap3A_248, %swap3A_249], %mul3A_247 {strides = array<i32>} : memref<128x128xf32, #tpu.memory_space<vmem>>, vector<16xf32>,
      %mul3A_251 = arith.mulf %add3A_185, %mul3A_223 : vector<16xf32>
      %swap3A_252 = arith.index_cast %add3A_67 : i32 to index
      %swap3A_253 = arith.constant 112 : index
      %swap3A_254 = tpu.vector_load %arg9[%swap3A_252, %swap3A_253] {strides = array<i32>} : memref<128x128xf32, #tpu.memory_space<vmem>>, vector<16xf32>,
      tpu.vector_store %arg9[%swap3A_252, %swap3A_253], %mul3A_251 {strides = array<i32>} : memref<128x128xf32, #tpu.memory_space<vmem>>, vector<16xf32>,
      %mul3A_255 = arith.constant 4 : i32
      %mul3A_256 = arith.muli %scan3A_60, %mul3A_255 : i32
      %add3A_257 = arith.constant 0 : i32
      %add3A_258 = arith.addi %add3A_257, %mul3A_256 : i32
      %add3A_259 = arith.constant 1 : i32
      %add3A_260 = arith.addi %add3A_258, %add3A_259 : i32
      %broadcast_in_dim3A_261 = arith.constant 0.000000e+00 : f32
      %broadcast_in_dim3A_262 = vector.broadcast %broadcast_in_dim3A_261 : f32 to vector<16xf32>
      %get3A_263 = arith.index_cast %add3A_260 : i32 to index
      %get3A_264 = arith.constant 0 : index
      %get3A_265 = tpu.vector_load %arg9[%get3A_263, %get3A_264] {strides = array<i32>} : memref<128x128xf32, #tpu.memory_space<vmem>>, vector<16xf32>,
      %get3A_266 = arith.index_cast %add3A_260 : i32 to index
      %get3A_267 = arith.constant 0 : index
      %get3A_268 = tpu.vector_load %arg8[%get3A_266, %get3A_267] {strides = array<i32>} : memref<128x128xf32, #tpu.memory_space<vmem>>, vector<16xf32>,
      %mul3A_269 = arith.constant 1.000000e-01 : f32
      %mul3A_270 = vector.broadcast %mul3A_269 : f32 to vector<16xf32>
      %mul3A_271 = arith.mulf %mul3A_270, %get3A_265 : vector<16xf32>
      %mul3A_272 = arith.constant 0.899999976 : f32
      %mul3A_273 = vector.broadcast %mul3A_272 : f32 to vector<16xf32>
      %mul3A_274 = arith.mulf %mul3A_273, %get3A_268 : vector<16xf32>
      %add3A_275 = arith.addf %mul3A_271, %mul3A_274 : vector<16xf32>
      %mul3A_276 = arith.mulf %add3A_275, %add3A_275 : vector<16xf32>
      %add3A_277 = arith.addf %broadcast_in_dim3A_262, %mul3A_276 : vector<16xf32>
      %get3A_278 = arith.index_cast %add3A_260 : i32 to index
      %get3A_279 = arith.constant 16 : index
      %get3A_280 = tpu.vector_load %arg9[%get3A_278, %get3A_279] {strides = array<i32>} : memref<128x128xf32, #tpu.memory_space<vmem>>, vector<16xf32>,
      %get3A_281 = arith.index_cast %add3A_260 : i32 to index
      %get3A_282 = arith.constant 16 : index
      %get3A_283 = tpu.vector_load %arg8[%get3A_281, %get3A_282] {strides = array<i32>} : memref<128x128xf32, #tpu.memory_space<vmem>>, vector<16xf32>,
      %mul3A_284 = arith.constant 1.000000e-01 : f32
      %mul3A_285 = vector.broadcast %mul3A_284 : f32 to vector<16xf32>
      %mul3A_286 = arith.mulf %mul3A_285, %get3A_280 : vector<16xf32>
      %mul3A_287 = arith.constant 0.899999976 : f32
      %mul3A_288 = vector.broadcast %mul3A_287 : f32 to vector<16xf32>
      %mul3A_289 = arith.mulf %mul3A_288, %get3A_283 : vector<16xf32>
      %add3A_290 = arith.addf %mul3A_286, %mul3A_289 : vector<16xf32>
      %mul3A_291 = arith.mulf %add3A_290, %add3A_290 : vector<16xf32>
      %add3A_292 = arith.addf %add3A_277, %mul3A_291 : vector<16xf32>
      %get3A_293 = arith.index_cast %add3A_260 : i32 to index
      %get3A_294 = arith.constant 32 : index
      %get3A_295 = tpu.vector_load %arg9[%get3A_293, %get3A_294] {strides = array<i32>} : memref<128x128xf32, #tpu.memory_space<vmem>>, vector<16xf32>,
      %get3A_296 = arith.index_cast %add3A_260 : i32 to index
      %get3A_297 = arith.constant 32 : index
      %get3A_298 = tpu.vector_load %arg8[%get3A_296, %get3A_297] {strides = array<i32>} : memref<128x128xf32, #tpu.memory_space<vmem>>, vector<16xf32>,
      %mul3A_299 = arith.constant 1.000000e-01 : f32
      %mul3A_300 = vector.broadcast %mul3A_299 : f32 to vector<16xf32>
      %mul3A_301 = arith.mulf %mul3A_300, %get3A_295 : vector<16xf32>
      %mul3A_302 = arith.constant 0.899999976 : f32
      %mul3A_303 = vector.broadcast %mul3A_302 : f32 to vector<16xf32>
      %mul3A_304 = arith.mulf %mul3A_303, %get3A_298 : vector<16xf32>
      %add3A_305 = arith.addf %mul3A_301, %mul3A_304 : vector<16xf32>
      %mul3A_306 = arith.mulf %add3A_305, %add3A_305 : vector<16xf32>
      %add3A_307 = arith.addf %add3A_292, %mul3A_306 : vector<16xf32>
      %get3A_308 = arith.index_cast %add3A_260 : i32 to index
      %get3A_309 = arith.constant 48 : index
      %get3A_310 = tpu.vector_load %arg9[%get3A_308, %get3A_309] {strides = array<i32>} : memref<128x128xf32, #tpu.memory_space<vmem>>, vector<16xf32>,
      %get3A_311 = arith.index_cast %add3A_260 : i32 to index
      %get3A_312 = arith.constant 48 : index
      %get3A_313 = tpu.vector_load %arg8[%get3A_311, %get3A_312] {strides = array<i32>} : memref<128x128xf32, #tpu.memory_space<vmem>>, vector<16xf32>,
      %mul3A_314 = arith.constant 1.000000e-01 : f32
      %mul3A_315 = vector.broadcast %mul3A_314 : f32 to vector<16xf32>
      %mul3A_316 = arith.mulf %mul3A_315, %get3A_310 : vector<16xf32>
      %mul3A_317 = arith.constant 0.899999976 : f32
      %mul3A_318 = vector.broadcast %mul3A_317 : f32 to vector<16xf32>
      %mul3A_319 = arith.mulf %mul3A_318, %get3A_313 : vector<16xf32>
      %add3A_320 = arith.addf %mul3A_316, %mul3A_319 : vector<16xf32>
      %mul3A_321 = arith.mulf %add3A_320, %add3A_320 : vector<16xf32>
      %add3A_322 = arith.addf %add3A_307, %mul3A_321 : vector<16xf32>
      %get3A_323 = arith.index_cast %add3A_260 : i32 to index
      %get3A_324 = arith.constant 64 : index
      %get3A_325 = tpu.vector_load %arg9[%get3A_323, %get3A_324] {strides = array<i32>} : memref<128x128xf32, #tpu.memory_space<vmem>>, vector<16xf32>,
      %get3A_326 = arith.index_cast %add3A_260 : i32 to index
      %get3A_327 = arith.constant 64 : index
      %get3A_328 = tpu.vector_load %arg8[%get3A_326, %get3A_327] {strides = array<i32>} : memref<128x128xf32, #tpu.memory_space<vmem>>, vector<16xf32>,
      %mul3A_329 = arith.constant 1.000000e-01 : f32
      %mul3A_330 = vector.broadcast %mul3A_329 : f32 to vector<16xf32>
      %mul3A_331 = arith.mulf %mul3A_330, %get3A_325 : vector<16xf32>
      %mul3A_332 = arith.constant 0.899999976 : f32
      %mul3A_333 = vector.broadcast %mul3A_332 : f32 to vector<16xf32>
      %mul3A_334 = arith.mulf %mul3A_333, %get3A_328 : vector<16xf32>
      %add3A_335 = arith.addf %mul3A_331, %mul3A_334 : vector<16xf32>
      %mul3A_336 = arith.mulf %add3A_335, %add3A_335 : vector<16xf32>
      %add3A_337 = arith.addf %add3A_322, %mul3A_336 : vector<16xf32>
      %get3A_338 = arith.index_cast %add3A_260 : i32 to index
      %get3A_339 = arith.constant 80 : index
      %get3A_340 = tpu.vector_load %arg9[%get3A_338, %get3A_339] {strides = array<i32>} : memref<128x128xf32, #tpu.memory_space<vmem>>, vector<16xf32>,
      %get3A_341 = arith.index_cast %add3A_260 : i32 to index
      %get3A_342 = arith.constant 80 : index
      %get3A_343 = tpu.vector_load %arg8[%get3A_341, %get3A_342] {strides = array<i32>} : memref<128x128xf32, #tpu.memory_space<vmem>>, vector<16xf32>,
      %mul3A_344 = arith.constant 1.000000e-01 : f32
      %mul3A_345 = vector.broadcast %mul3A_344 : f32 to vector<16xf32>
      %mul3A_346 = arith.mulf %mul3A_345, %get3A_340 : vector<16xf32>
      %mul3A_347 = arith.constant 0.899999976 : f32
      %mul3A_348 = vector.broadcast %mul3A_347 : f32 to vector<16xf32>
      %mul3A_349 = arith.mulf %mul3A_348, %get3A_343 : vector<16xf32>
      %add3A_350 = arith.addf %mul3A_346, %mul3A_349 : vector<16xf32>
      %mul3A_351 = arith.mulf %add3A_350, %add3A_350 : vector<16xf32>
      %add3A_352 = arith.addf %add3A_337, %mul3A_351 : vector<16xf32>
      %get3A_353 = arith.index_cast %add3A_260 : i32 to index
      %get3A_354 = arith.constant 96 : index
      %get3A_355 = tpu.vector_load %arg9[%get3A_353, %get3A_354] {strides = array<i32>} : memref<128x128xf32, #tpu.memory_space<vmem>>, vector<16xf32>,
      %get3A_356 = arith.index_cast %add3A_260 : i32 to index
      %get3A_357 = arith.constant 96 : index
      %get3A_358 = tpu.vector_load %arg8[%get3A_356, %get3A_357] {strides = array<i32>} : memref<128x128xf32, #tpu.memory_space<vmem>>, vector<16xf32>,
      %mul3A_359 = arith.constant 1.000000e-01 : f32
      %mul3A_360 = vector.broadcast %mul3A_359 : f32 to vector<16xf32>
      %mul3A_361 = arith.mulf %mul3A_360, %get3A_355 : vector<16xf32>
      %mul3A_362 = arith.constant 0.899999976 : f32
      %mul3A_363 = vector.broadcast %mul3A_362 : f32 to vector<16xf32>
      %mul3A_364 = arith.mulf %mul3A_363, %get3A_358 : vector<16xf32>
      %add3A_365 = arith.addf %mul3A_361, %mul3A_364 : vector<16xf32>
      %mul3A_366 = arith.mulf %add3A_365, %add3A_365 : vector<16xf32>
      %add3A_367 = arith.addf %add3A_352, %mul3A_366 : vector<16xf32>
      %get3A_368 = arith.index_cast %add3A_260 : i32 to index
      %get3A_369 = arith.constant 112 : index
      %get3A_370 = tpu.vector_load %arg9[%get3A_368, %get3A_369] {strides = array<i32>} : memref<128x128xf32, #tpu.memory_space<vmem>>, vector<16xf32>,
      %get3A_371 = arith.index_cast %add3A_260 : i32 to index
      %get3A_372 = arith.constant 112 : index
      %get3A_373 = tpu.vector_load %arg8[%get3A_371, %get3A_372] {strides = array<i32>} : memref<128x128xf32, #tpu.memory_space<vmem>>, vector<16xf32>,
      %mul3A_374 = arith.constant 1.000000e-01 : f32
      %mul3A_375 = vector.broadcast %mul3A_374 : f32 to vector<16xf32>
      %mul3A_376 = arith.mulf %mul3A_375, %get3A_370 : vector<16xf32>
      %mul3A_377 = arith.constant 0.899999976 : f32
      %mul3A_378 = vector.broadcast %mul3A_377 : f32 to vector<16xf32>
      %mul3A_379 = arith.mulf %mul3A_378, %get3A_373 : vector<16xf32>
      %add3A_380 = arith.addf %mul3A_376, %mul3A_379 : vector<16xf32>
      %mul3A_381 = arith.mulf %add3A_380, %add3A_380 : vector<16xf32>
      %add3A_382 = arith.addf %add3A_367, %mul3A_381 : vector<16xf32>
      %reduce_sum3A_383 = arith.constant true
      %reduce_sum3A_384 = vector.broadcast %reduce_sum3A_383 : i1 to vector<16xi1>
      %reduce_sum3A_385 = tpu.scan <sum>, %add3A_382 masked %reduce_sum3A_384 : vector<16xf32>, vector<16xi1> -> vector<16xf32>
      %reduce_sum3A_386 = vector.extract %reduce_sum3A_385[15] : f32 from vector<16xf32>
      %broadcast_in_dim3A_387 = vector.broadcast %reduce_sum3A_386 : f32 to vector<16xf32>
      %bitcast3A_388 = vector.bitcast %broadcast_in_dim3A_387 : vector<16xf32> to vector<16xi32>
      %shift_right_arithmetic3A_389 = arith.constant 1 : i32
      %shift_right_arithmetic3A_390 = vector.broadcast %shift_right_arithmetic3A_389 : i32 to vector<16xi32>
      %shift_right_arithmetic3A_391 = arith.shrsi %bitcast3A_388, %shift_right_arithmetic3A_390 : vector<16xi32>
      %sub3A_392 = arith.constant 1597463007 : i32
      %sub3A_393 = vector.broadcast %sub3A_392 : i32 to vector<16xi32>
      %sub3A_394 = arith.subi %sub3A_393, %shift_right_arithmetic3A_391 : vector<16xi32>
      %bitcast3A_395 = vector.bitcast %sub3A_394 : vector<16xi32> to vector<16xf32>
      %mul3A_396 = arith.constant 5.000000e-01 : f32
      %mul3A_397 = vector.broadcast %mul3A_396 : f32 to vector<16xf32>
      %mul3A_398 = arith.mulf %mul3A_397, %broadcast_in_dim3A_387 : vector<16xf32>
      %mul3A_399 = arith.mulf %mul3A_398, %bitcast3A_395 : vector<16xf32>
      %mul3A_400 = arith.mulf %mul3A_399, %bitcast3A_395 : vector<16xf32>
      %sub3A_401 = arith.constant 1.500000e+00 : f32
      %sub3A_402 = vector.broadcast %sub3A_401 : f32 to vector<16xf32>
      %sub3A_403 = arith.subf %sub3A_402, %mul3A_400 : vector<16xf32>
      %mul3A_404 = arith.mulf %bitcast3A_395, %sub3A_403 : vector<16xf32>
      %mul3A_405 = arith.constant 5.000000e-01 : f32
      %mul3A_406 = vector.broadcast %mul3A_405 : f32 to vector<16xf32>
      %mul3A_407 = arith.mulf %mul3A_406, %broadcast_in_dim3A_387 : vector<16xf32>
      %mul3A_408 = arith.mulf %mul3A_407, %mul3A_404 : vector<16xf32>
      %mul3A_409 = arith.mulf %mul3A_408, %mul3A_404 : vector<16xf32>
      %sub3A_410 = arith.constant 1.500000e+00 : f32
      %sub3A_411 = vector.broadcast %sub3A_410 : f32 to vector<16xf32>
      %sub3A_412 = arith.subf %sub3A_411, %mul3A_409 : vector<16xf32>
      %mul3A_413 = arith.mulf %mul3A_404, %sub3A_412 : vector<16xf32>
      %mul3A_414 = arith.constant 5.000000e-01 : f32
      %mul3A_415 = vector.broadcast %mul3A_414 : f32 to vector<16xf32>
      %mul3A_416 = arith.mulf %mul3A_415, %broadcast_in_dim3A_387 : vector<16xf32>
      %mul3A_417 = arith.mulf %mul3A_416, %mul3A_413 : vector<16xf32>
      %mul3A_418 = arith.mulf %mul3A_417, %mul3A_413 : vector<16xf32>
      %sub3A_419 = arith.constant 1.500000e+00 : f32
      %sub3A_420 = vector.broadcast %sub3A_419 : f32 to vector<16xf32>
      %sub3A_421 = arith.subf %sub3A_420, %mul3A_418 : vector<16xf32>
      %mul3A_422 = arith.mulf %mul3A_413, %sub3A_421 : vector<16xf32>
      %mul3A_423 = arith.mulf %add3A_275, %mul3A_422 : vector<16xf32>
      %swap3A_424 = arith.index_cast %add3A_260 : i32 to index
      %swap3A_425 = arith.constant 0 : index
      %swap3A_426 = tpu.vector_load %arg9[%swap3A_424, %swap3A_425] {strides = array<i32>} : memref<128x128xf32, #tpu.memory_space<vmem>>, vector<16xf32>,
      tpu.vector_store %arg9[%swap3A_424, %swap3A_425], %mul3A_423 {strides = array<i32>} : memref<128x128xf32, #tpu.memory_space<vmem>>, vector<16xf32>,
      %mul3A_427 = arith.mulf %add3A_290, %mul3A_422 : vector<16xf32>
      %swap3A_428 = arith.index_cast %add3A_260 : i32 to index
      %swap3A_429 = arith.constant 16 : index
      %swap3A_430 = tpu.vector_load %arg9[%swap3A_428, %swap3A_429] {strides = array<i32>} : memref<128x128xf32, #tpu.memory_space<vmem>>, vector<16xf32>,
      tpu.vector_store %arg9[%swap3A_428, %swap3A_429], %mul3A_427 {strides = array<i32>} : memref<128x128xf32, #tpu.memory_space<vmem>>, vector<16xf32>,
      %mul3A_431 = arith.mulf %add3A_305, %mul3A_422 : vector<16xf32>
      %swap3A_432 = arith.index_cast %add3A_260 : i32 to index
      %swap3A_433 = arith.constant 32 : index
      %swap3A_434 = tpu.vector_load %arg9[%swap3A_432, %swap3A_433] {strides = array<i32>} : memref<128x128xf32, #tpu.memory_space<vmem>>, vector<16xf32>,
      tpu.vector_store %arg9[%swap3A_432, %swap3A_433], %mul3A_431 {strides = array<i32>} : memref<128x128xf32, #tpu.memory_space<vmem>>, vector<16xf32>,
      %mul3A_435 = arith.mulf %add3A_320, %mul3A_422 : vector<16xf32>
      %swap3A_436 = arith.index_cast %add3A_260 : i32 to index
      %swap3A_437 = arith.constant 48 : index
      %swap3A_438 = tpu.vector_load %arg9[%swap3A_436, %swap3A_437] {strides = array<i32>} : memref<128x128xf32, #tpu.memory_space<vmem>>, vector<16xf32>,
      tpu.vector_store %arg9[%swap3A_436, %swap3A_437], %mul3A_435 {strides = array<i32>} : memref<128x128xf32, #tpu.memory_space<vmem>>, vector<16xf32>,
      %mul3A_439 = arith.mulf %add3A_335, %mul3A_422 : vector<16xf32>
      %swap3A_440 = arith.index_cast %add3A_260 : i32 to index
      %swap3A_441 = arith.constant 64 : index
      %swap3A_442 = tpu.vector_load %arg9[%swap3A_440, %swap3A_441] {strides = array<i32>} : memref<128x128xf32, #tpu.memory_space<vmem>>, vector<16xf32>,
      tpu.vector_store %arg9[%swap3A_440, %swap3A_441], %mul3A_439 {strides = array<i32>} : memref<128x128xf32, #tpu.memory_space<vmem>>, vector<16xf32>,
      %mul3A_443 = arith.mulf %add3A_350, %mul3A_422 : vector<16xf32>
      %swap3A_444 = arith.index_cast %add3A_260 : i32 to index
      %swap3A_445 = arith.constant 80 : index
      %swap3A_446 = tpu.vector_load %arg9[%swap3A_444, %swap3A_445] {strides = array<i32>} : memref<128x128xf32, #tpu.memory_space<vmem>>, vector<16xf32>,
      tpu.vector_store %arg9[%swap3A_444, %swap3A_445], %mul3A_443 {strides = array<i32>} : memref<128x128xf32, #tpu.memory_space<vmem>>, vector<16xf32>,
      %mul3A_447 = arith.mulf %add3A_365, %mul3A_422 : vector<16xf32>
      %swap3A_448 = arith.index_cast %add3A_260 : i32 to index
      %swap3A_449 = arith.constant 96 : index
      %swap3A_450 = tpu.vector_load %arg9[%swap3A_448, %swap3A_449] {strides = array<i32>} : memref<128x128xf32, #tpu.memory_space<vmem>>, vector<16xf32>,
      tpu.vector_store %arg9[%swap3A_448, %swap3A_449], %mul3A_447 {strides = array<i32>} : memref<128x128xf32, #tpu.memory_space<vmem>>, vector<16xf32>,
      %mul3A_451 = arith.mulf %add3A_380, %mul3A_422 : vector<16xf32>
      %swap3A_452 = arith.index_cast %add3A_260 : i32 to index
      %swap3A_453 = arith.constant 112 : index
      %swap3A_454 = tpu.vector_load %arg9[%swap3A_452, %swap3A_453] {strides = array<i32>} : memref<128x128xf32, #tpu.memory_space<vmem>>, vector<16xf32>,
      tpu.vector_store %arg9[%swap3A_452, %swap3A_453], %mul3A_451 {strides = array<i32>} : memref<128x128xf32, #tpu.memory_space<vmem>>, vector<16xf32>,
      %mul3A_455 = arith.constant 4 : i32
      %mul3A_456 = arith.muli %scan3A_60, %mul3A_455 : i32
      %add3A_457 = arith.constant 0 : i32
      %add3A_458 = arith.addi %add3A_457, %mul3A_456 : i32
      %add3A_459 = arith.constant 2 : i32
      %add3A_460 = arith.addi %add3A_458, %add3A_459 : i32
      %broadcast_in_dim3A_461 = arith.constant 0.000000e+00 : f32
      %broadcast_in_dim3A_462 = vector.broadcast %broadcast_in_dim3A_461 : f32 to vector<16xf32>
      %get3A_463 = arith.index_cast %add3A_460 : i32 to index
      %get3A_464 = arith.constant 0 : index
      %get3A_465 = tpu.vector_load %arg9[%get3A_463, %get3A_464] {strides = array<i32>} : memref<128x128xf32, #tpu.memory_space<vmem>>, vector<16xf32>,
      %get3A_466 = arith.index_cast %add3A_460 : i32 to index
      %get3A_467 = arith.constant 0 : index
      %get3A_468 = tpu.vector_load %arg8[%get3A_466, %get3A_467] {strides = array<i32>} : memref<128x128xf32, #tpu.memory_space<vmem>>, vector<16xf32>,
      %mul3A_469 = arith.constant 1.000000e-01 : f32
      %mul3A_470 = vector.broadcast %mul3A_469 : f32 to vector<16xf32>
      %mul3A_471 = arith.mulf %mul3A_470, %get3A_465 : vector<16xf32>
      %mul3A_472 = arith.constant 0.899999976 : f32
      %mul3A_473 = vector.broadcast %mul3A_472 : f32 to vector<16xf32>
      %mul3A_474 = arith.mulf %mul3A_473, %get3A_468 : vector<16xf32>
      %add3A_475 = arith.addf %mul3A_471, %mul3A_474 : vector<16xf32>
      %mul3A_476 = arith.mulf %add3A_475, %add3A_475 : vector<16xf32>
      %add3A_477 = arith.addf %broadcast_in_dim3A_462, %mul3A_476 : vector<16xf32>
      %get3A_478 = arith.index_cast %add3A_460 : i32 to index
      %get3A_479 = arith.constant 16 : index
      %get3A_480 = tpu.vector_load %arg9[%get3A_478, %get3A_479] {strides = array<i32>} : memref<128x128xf32, #tpu.memory_space<vmem>>, vector<16xf32>,
      %get3A_481 = arith.index_cast %add3A_460 : i32 to index
      %get3A_482 = arith.constant 16 : index
      %get3A_483 = tpu.vector_load %arg8[%get3A_481, %get3A_482] {strides = array<i32>} : memref<128x128xf32, #tpu.memory_space<vmem>>, vector<16xf32>,
      %mul3A_484 = arith.constant 1.000000e-01 : f32
      %mul3A_485 = vector.broadcast %mul3A_484 : f32 to vector<16xf32>
      %mul3A_486 = arith.mulf %mul3A_485, %get3A_480 : vector<16xf32>
      %mul3A_487 = arith.constant 0.899999976 : f32
      %mul3A_488 = vector.broadcast %mul3A_487 : f32 to vector<16xf32>
      %mul3A_489 = arith.mulf %mul3A_488, %get3A_483 : vector<16xf32>
      %add3A_490 = arith.addf %mul3A_486, %mul3A_489 : vector<16xf32>
      %mul3A_491 = arith.mulf %add3A_490, %add3A_490 : vector<16xf32>
      %add3A_492 = arith.addf %add3A_477, %mul3A_491 : vector<16xf32>
      %get3A_493 = arith.index_cast %add3A_460 : i32 to index
      %get3A_494 = arith.constant 32 : index
      %get3A_495 = tpu.vector_load %arg9[%get3A_493, %get3A_494] {strides = array<i32>} : memref<128x128xf32, #tpu.memory_space<vmem>>, vector<16xf32>,
      %get3A_496 = arith.index_cast %add3A_460 : i32 to index
      %get3A_497 = arith.constant 32 : index
      %get3A_498 = tpu.vector_load %arg8[%get3A_496, %get3A_497] {strides = array<i32>} : memref<128x128xf32, #tpu.memory_space<vmem>>, vector<16xf32>,
      %mul3A_499 = arith.constant 1.000000e-01 : f32
      %mul3A_500 = vector.broadcast %mul3A_499 : f32 to vector<16xf32>
      %mul3A_501 = arith.mulf %mul3A_500, %get3A_495 : vector<16xf32>
      %mul3A_502 = arith.constant 0.899999976 : f32
      %mul3A_503 = vector.broadcast %mul3A_502 : f32 to vector<16xf32>
      %mul3A_504 = arith.mulf %mul3A_503, %get3A_498 : vector<16xf32>
      %add3A_505 = arith.addf %mul3A_501, %mul3A_504 : vector<16xf32>
      %mul3A_506 = arith.mulf %add3A_505, %add3A_505 : vector<16xf32>
      %add3A_507 = arith.addf %add3A_492, %mul3A_506 : vector<16xf32>
      %get3A_508 = arith.index_cast %add3A_460 : i32 to index
      %get3A_509 = arith.constant 48 : index
      %get3A_510 = tpu.vector_load %arg9[%get3A_508, %get3A_509] {strides = array<i32>} : memref<128x128xf32, #tpu.memory_space<vmem>>, vector<16xf32>,
      %get3A_511 = arith.index_cast %add3A_460 : i32 to index
      %get3A_512 = arith.constant 48 : index
      %get3A_513 = tpu.vector_load %arg8[%get3A_511, %get3A_512] {strides = array<i32>} : memref<128x128xf32, #tpu.memory_space<vmem>>, vector<16xf32>,
      %mul3A_514 = arith.constant 1.000000e-01 : f32
      %mul3A_515 = vector.broadcast %mul3A_514 : f32 to vector<16xf32>
      %mul3A_516 = arith.mulf %mul3A_515, %get3A_510 : vector<16xf32>
      %mul3A_517 = arith.constant 0.899999976 : f32
      %mul3A_518 = vector.broadcast %mul3A_517 : f32 to vector<16xf32>
      %mul3A_519 = arith.mulf %mul3A_518, %get3A_513 : vector<16xf32>
      %add3A_520 = arith.addf %mul3A_516, %mul3A_519 : vector<16xf32>
      %mul3A_521 = arith.mulf %add3A_520, %add3A_520 : vector<16xf32>
      %add3A_522 = arith.addf %add3A_507, %mul3A_521 : vector<16xf32>
      %get3A_523 = arith.index_cast %add3A_460 : i32 to index
      %get3A_524 = arith.constant 64 : index
      %get3A_525 = tpu.vector_load %arg9[%get3A_523, %get3A_524] {strides = array<i32>} : memref<128x128xf32, #tpu.memory_space<vmem>>, vector<16xf32>,
      %get3A_526 = arith.index_cast %add3A_460 : i32 to index
      %get3A_527 = arith.constant 64 : index
      %get3A_528 = tpu.vector_load %arg8[%get3A_526, %get3A_527] {strides = array<i32>} : memref<128x128xf32, #tpu.memory_space<vmem>>, vector<16xf32>,
      %mul3A_529 = arith.constant 1.000000e-01 : f32
      %mul3A_530 = vector.broadcast %mul3A_529 : f32 to vector<16xf32>
      %mul3A_531 = arith.mulf %mul3A_530, %get3A_525 : vector<16xf32>
      %mul3A_532 = arith.constant 0.899999976 : f32
      %mul3A_533 = vector.broadcast %mul3A_532 : f32 to vector<16xf32>
      %mul3A_534 = arith.mulf %mul3A_533, %get3A_528 : vector<16xf32>
      %add3A_535 = arith.addf %mul3A_531, %mul3A_534 : vector<16xf32>
      %mul3A_536 = arith.mulf %add3A_535, %add3A_535 : vector<16xf32>
      %add3A_537 = arith.addf %add3A_522, %mul3A_536 : vector<16xf32>
      %get3A_538 = arith.index_cast %add3A_460 : i32 to index
      %get3A_539 = arith.constant 80 : index
      %get3A_540 = tpu.vector_load %arg9[%get3A_538, %get3A_539] {strides = array<i32>} : memref<128x128xf32, #tpu.memory_space<vmem>>, vector<16xf32>,
      %get3A_541 = arith.index_cast %add3A_460 : i32 to index
      %get3A_542 = arith.constant 80 : index
      %get3A_543 = tpu.vector_load %arg8[%get3A_541, %get3A_542] {strides = array<i32>} : memref<128x128xf32, #tpu.memory_space<vmem>>, vector<16xf32>,
      %mul3A_544 = arith.constant 1.000000e-01 : f32
      %mul3A_545 = vector.broadcast %mul3A_544 : f32 to vector<16xf32>
      %mul3A_546 = arith.mulf %mul3A_545, %get3A_540 : vector<16xf32>
      %mul3A_547 = arith.constant 0.899999976 : f32
      %mul3A_548 = vector.broadcast %mul3A_547 : f32 to vector<16xf32>
      %mul3A_549 = arith.mulf %mul3A_548, %get3A_543 : vector<16xf32>
      %add3A_550 = arith.addf %mul3A_546, %mul3A_549 : vector<16xf32>
      %mul3A_551 = arith.mulf %add3A_550, %add3A_550 : vector<16xf32>
      %add3A_552 = arith.addf %add3A_537, %mul3A_551 : vector<16xf32>
      %get3A_553 = arith.index_cast %add3A_460 : i32 to index
      %get3A_554 = arith.constant 96 : index
      %get3A_555 = tpu.vector_load %arg9[%get3A_553, %get3A_554] {strides = array<i32>} : memref<128x128xf32, #tpu.memory_space<vmem>>, vector<16xf32>,
      %get3A_556 = arith.index_cast %add3A_460 : i32 to index
      %get3A_557 = arith.constant 96 : index
      %get3A_558 = tpu.vector_load %arg8[%get3A_556, %get3A_557] {strides = array<i32>} : memref<128x128xf32, #tpu.memory_space<vmem>>, vector<16xf32>,
      %mul3A_559 = arith.constant 1.000000e-01 : f32
      %mul3A_560 = vector.broadcast %mul3A_559 : f32 to vector<16xf32>
      %mul3A_561 = arith.mulf %mul3A_560, %get3A_555 : vector<16xf32>
      %mul3A_562 = arith.constant 0.899999976 : f32
      %mul3A_563 = vector.broadcast %mul3A_562 : f32 to vector<16xf32>
      %mul3A_564 = arith.mulf %mul3A_563, %get3A_558 : vector<16xf32>
      %add3A_565 = arith.addf %mul3A_561, %mul3A_564 : vector<16xf32>
      %mul3A_566 = arith.mulf %add3A_565, %add3A_565 : vector<16xf32>
      %add3A_567 = arith.addf %add3A_552, %mul3A_566 : vector<16xf32>
      %get3A_568 = arith.index_cast %add3A_460 : i32 to index
      %get3A_569 = arith.constant 112 : index
      %get3A_570 = tpu.vector_load %arg9[%get3A_568, %get3A_569] {strides = array<i32>} : memref<128x128xf32, #tpu.memory_space<vmem>>, vector<16xf32>,
      %get3A_571 = arith.index_cast %add3A_460 : i32 to index
      %get3A_572 = arith.constant 112 : index
      %get3A_573 = tpu.vector_load %arg8[%get3A_571, %get3A_572] {strides = array<i32>} : memref<128x128xf32, #tpu.memory_space<vmem>>, vector<16xf32>,
      %mul3A_574 = arith.constant 1.000000e-01 : f32
      %mul3A_575 = vector.broadcast %mul3A_574 : f32 to vector<16xf32>
      %mul3A_576 = arith.mulf %mul3A_575, %get3A_570 : vector<16xf32>
      %mul3A_577 = arith.constant 0.899999976 : f32
      %mul3A_578 = vector.broadcast %mul3A_577 : f32 to vector<16xf32>
      %mul3A_579 = arith.mulf %mul3A_578, %get3A_573 : vector<16xf32>
      %add3A_580 = arith.addf %mul3A_576, %mul3A_579 : vector<16xf32>
      %mul3A_581 = arith.mulf %add3A_580, %add3A_580 : vector<16xf32>
      %add3A_582 = arith.addf %add3A_567, %mul3A_581 : vector<16xf32>
      %reduce_sum3A_583 = arith.constant true
      %reduce_sum3A_584 = vector.broadcast %reduce_sum3A_583 : i1 to vector<16xi1>
      %reduce_sum3A_585 = tpu.scan <sum>, %add3A_582 masked %reduce_sum3A_584 : vector<16xf32>, vector<16xi1> -> vector<16xf32>
      %reduce_sum3A_586 = vector.extract %reduce_sum3A_585[15] : f32 from vector<16xf32>
      %broadcast_in_dim3A_587 = vector.broadcast %reduce_sum3A_586 : f32 to vector<16xf32>
      %bitcast3A_588 = vector.bitcast %broadcast_in_dim3A_587 : vector<16xf32> to vector<16xi32>
      %shift_right_arithmetic3A_589 = arith.constant 1 : i32
      %shift_right_arithmetic3A_590 = vector.broadcast %shift_right_arithmetic3A_589 : i32 to vector<16xi32>
      %shift_right_arithmetic3A_591 = arith.shrsi %bitcast3A_588, %shift_right_arithmetic3A_590 : vector<16xi32>
      %sub3A_592 = arith.constant 1597463007 : i32
      %sub3A_593 = vector.broadcast %sub3A_592 : i32 to vector<16xi32>
      %sub3A_594 = arith.subi %sub3A_593, %shift_right_arithmetic3A_591 : vector<16xi32>
      %bitcast3A_595 = vector.bitcast %sub3A_594 : vector<16xi32> to vector<16xf32>
      %mul3A_596 = arith.constant 5.000000e-01 : f32
      %mul3A_597 = vector.broadcast %mul3A_596 : f32 to vector<16xf32>
      %mul3A_598 = arith.mulf %mul3A_597, %broadcast_in_dim3A_587 : vector<16xf32>
      %mul3A_599 = arith.mulf %mul3A_598, %bitcast3A_595 : vector<16xf32>
      %mul3A_600 = arith.mulf %mul3A_599, %bitcast3A_595 : vector<16xf32>
      %sub3A_601 = arith.constant 1.500000e+00 : f32
      %sub3A_602 = vector.broadcast %sub3A_601 : f32 to vector<16xf32>
      %sub3A_603 = arith.subf %sub3A_602, %mul3A_600 : vector<16xf32>
      %mul3A_604 = arith.mulf %bitcast3A_595, %sub3A_603 : vector<16xf32>
      %mul3A_605 = arith.constant 5.000000e-01 : f32
      %mul3A_606 = vector.broadcast %mul3A_605 : f32 to vector<16xf32>
      %mul3A_607 = arith.mulf %mul3A_606, %broadcast_in_dim3A_587 : vector<16xf32>
      %mul3A_608 = arith.mulf %mul3A_607, %mul3A_604 : vector<16xf32>
      %mul3A_609 = arith.mulf %mul3A_608, %mul3A_604 : vector<16xf32>
      %sub3A_610 = arith.constant 1.500000e+00 : f32
      %sub3A_611 = vector.broadcast %sub3A_610 : f32 to vector<16xf32>
      %sub3A_612 = arith.subf %sub3A_611, %mul3A_609 : vector<16xf32>
      %mul3A_613 = arith.mulf %mul3A_604, %sub3A_612 : vector<16xf32>
      %mul3A_614 = arith.constant 5.000000e-01 : f32
      %mul3A_615 = vector.broadcast %mul3A_614 : f32 to vector<16xf32>
      %mul3A_616 = arith.mulf %mul3A_615, %broadcast_in_dim3A_587 : vector<16xf32>
      %mul3A_617 = arith.mulf %mul3A_616, %mul3A_613 : vector<16xf32>
      %mul3A_618 = arith.mulf %mul3A_617, %mul3A_613 : vector<16xf32>
      %sub3A_619 = arith.constant 1.500000e+00 : f32
      %sub3A_620 = vector.broadcast %sub3A_619 : f32 to vector<16xf32>
      %sub3A_621 = arith.subf %sub3A_620, %mul3A_618 : vector<16xf32>
      %mul3A_622 = arith.mulf %mul3A_613, %sub3A_621 : vector<16xf32>
      %mul3A_623 = arith.mulf %add3A_475, %mul3A_622 : vector<16xf32>
      %swap3A_624 = arith.index_cast %add3A_460 : i32 to index
      %swap3A_625 = arith.constant 0 : index
      %swap3A_626 = tpu.vector_load %arg9[%swap3A_624, %swap3A_625] {strides = array<i32>} : memref<128x128xf32, #tpu.memory_space<vmem>>, vector<16xf32>,
      tpu.vector_store %arg9[%swap3A_624, %swap3A_625], %mul3A_623 {strides = array<i32>} : memref<128x128xf32, #tpu.memory_space<vmem>>, vector<16xf32>,
      %mul3A_627 = arith.mulf %add3A_490, %mul3A_622 : vector<16xf32>
      %swap3A_628 = arith.index_cast %add3A_460 : i32 to index
      %swap3A_629 = arith.constant 16 : index
      %swap3A_630 = tpu.vector_load %arg9[%swap3A_628, %swap3A_629] {strides = array<i32>} : memref<128x128xf32, #tpu.memory_space<vmem>>, vector<16xf32>,
      tpu.vector_store %arg9[%swap3A_628, %swap3A_629], %mul3A_627 {strides = array<i32>} : memref<128x128xf32, #tpu.memory_space<vmem>>, vector<16xf32>,
      %mul3A_631 = arith.mulf %add3A_505, %mul3A_622 : vector<16xf32>
      %swap3A_632 = arith.index_cast %add3A_460 : i32 to index
      %swap3A_633 = arith.constant 32 : index
      %swap3A_634 = tpu.vector_load %arg9[%swap3A_632, %swap3A_633] {strides = array<i32>} : memref<128x128xf32, #tpu.memory_space<vmem>>, vector<16xf32>,
      tpu.vector_store %arg9[%swap3A_632, %swap3A_633], %mul3A_631 {strides = array<i32>} : memref<128x128xf32, #tpu.memory_space<vmem>>, vector<16xf32>,
      %mul3A_635 = arith.mulf %add3A_520, %mul3A_622 : vector<16xf32>
      %swap3A_636 = arith.index_cast %add3A_460 : i32 to index
      %swap3A_637 = arith.constant 48 : index
      %swap3A_638 = tpu.vector_load %arg9[%swap3A_636, %swap3A_637] {strides = array<i32>} : memref<128x128xf32, #tpu.memory_space<vmem>>, vector<16xf32>,
      tpu.vector_store %arg9[%swap3A_636, %swap3A_637], %mul3A_635 {strides = array<i32>} : memref<128x128xf32, #tpu.memory_space<vmem>>, vector<16xf32>,
      %mul3A_639 = arith.mulf %add3A_535, %mul3A_622 : vector<16xf32>
      %swap3A_640 = arith.index_cast %add3A_460 : i32 to index
      %swap3A_641 = arith.constant 64 : index
      %swap3A_642 = tpu.vector_load %arg9[%swap3A_640, %swap3A_641] {strides = array<i32>} : memref<128x128xf32, #tpu.memory_space<vmem>>, vector<16xf32>,
      tpu.vector_store %arg9[%swap3A_640, %swap3A_641], %mul3A_639 {strides = array<i32>} : memref<128x128xf32, #tpu.memory_space<vmem>>, vector<16xf32>,
      %mul3A_643 = arith.mulf %add3A_550, %mul3A_622 : vector<16xf32>
      %swap3A_644 = arith.index_cast %add3A_460 : i32 to index
      %swap3A_645 = arith.constant 80 : index
      %swap3A_646 = tpu.vector_load %arg9[%swap3A_644, %swap3A_645] {strides = array<i32>} : memref<128x128xf32, #tpu.memory_space<vmem>>, vector<16xf32>,
      tpu.vector_store %arg9[%swap3A_644, %swap3A_645], %mul3A_643 {strides = array<i32>} : memref<128x128xf32, #tpu.memory_space<vmem>>, vector<16xf32>,
      %mul3A_647 = arith.mulf %add3A_565, %mul3A_622 : vector<16xf32>
      %swap3A_648 = arith.index_cast %add3A_460 : i32 to index
      %swap3A_649 = arith.constant 96 : index
      %swap3A_650 = tpu.vector_load %arg9[%swap3A_648, %swap3A_649] {strides = array<i32>} : memref<128x128xf32, #tpu.memory_space<vmem>>, vector<16xf32>,
      tpu.vector_store %arg9[%swap3A_648, %swap3A_649], %mul3A_647 {strides = array<i32>} : memref<128x128xf32, #tpu.memory_space<vmem>>, vector<16xf32>,
      %mul3A_651 = arith.mulf %add3A_580, %mul3A_622 : vector<16xf32>
      %swap3A_652 = arith.index_cast %add3A_460 : i32 to index
      %swap3A_653 = arith.constant 112 : index
      %swap3A_654 = tpu.vector_load %arg9[%swap3A_652, %swap3A_653] {strides = array<i32>} : memref<128x128xf32, #tpu.memory_space<vmem>>, vector<16xf32>,
      tpu.vector_store %arg9[%swap3A_652, %swap3A_653], %mul3A_651 {strides = array<i32>} : memref<128x128xf32, #tpu.memory_space<vmem>>, vector<16xf32>,
      %mul3A_655 = arith.constant 4 : i32
      %mul3A_656 = arith.muli %scan3A_60, %mul3A_655 : i32
      %add3A_657 = arith.constant 0 : i32
      %add3A_658 = arith.addi %add3A_657, %mul3A_656 : i32
      %add3A_659 = arith.constant 3 : i32
      %add3A_660 = arith.addi %add3A_658, %add3A_659 : i32
      %broadcast_in_dim3A_661 = arith.constant 0.000000e+00 : f32
      %broadcast_in_dim3A_662 = vector.broadcast %broadcast_in_dim3A_661 : f32 to vector<16xf32>
      %get3A_663 = arith.index_cast %add3A_660 : i32 to index
      %get3A_664 = arith.constant 0 : index
      %get3A_665 = tpu.vector_load %arg9[%get3A_663, %get3A_664] {strides = array<i32>} : memref<128x128xf32, #tpu.memory_space<vmem>>, vector<16xf32>,
      %get3A_666 = arith.index_cast %add3A_660 : i32 to index
      %get3A_667 = arith.constant 0 : index
      %get3A_668 = tpu.vector_load %arg8[%get3A_666, %get3A_667] {strides = array<i32>} : memref<128x128xf32, #tpu.memory_space<vmem>>, vector<16xf32>,
      %mul3A_669 = arith.constant 1.000000e-01 : f32
      %mul3A_670 = vector.broadcast %mul3A_669 : f32 to vector<16xf32>
      %mul3A_671 = arith.mulf %mul3A_670, %get3A_665 : vector<16xf32>
      %mul3A_672 = arith.constant 0.899999976 : f32
      %mul3A_673 = vector.broadcast %mul3A_672 : f32 to vector<16xf32>
      %mul3A_674 = arith.mulf %mul3A_673, %get3A_668 : vector<16xf32>
      %add3A_675 = arith.addf %mul3A_671, %mul3A_674 : vector<16xf32>
      %mul3A_676 = arith.mulf %add3A_675, %add3A_675 : vector<16xf32>
      %add3A_677 = arith.addf %broadcast_in_dim3A_662, %mul3A_676 : vector<16xf32>
      %get3A_678 = arith.index_cast %add3A_660 : i32 to index
      %get3A_679 = arith.constant 16 : index
      %get3A_680 = tpu.vector_load %arg9[%get3A_678, %get3A_679] {strides = array<i32>} : memref<128x128xf32, #tpu.memory_space<vmem>>, vector<16xf32>,
      %get3A_681 = arith.index_cast %add3A_660 : i32 to index
      %get3A_682 = arith.constant 16 : index
      %get3A_683 = tpu.vector_load %arg8[%get3A_681, %get3A_682] {strides = array<i32>} : memref<128x128xf32, #tpu.memory_space<vmem>>, vector<16xf32>,
      %mul3A_684 = arith.constant 1.000000e-01 : f32
      %mul3A_685 = vector.broadcast %mul3A_684 : f32 to vector<16xf32>
      %mul3A_686 = arith.mulf %mul3A_685, %get3A_680 : vector<16xf32>
      %mul3A_687 = arith.constant 0.899999976 : f32
      %mul3A_688 = vector.broadcast %mul3A_687 : f32 to vector<16xf32>
      %mul3A_689 = arith.mulf %mul3A_688, %get3A_683 : vector<16xf32>
      %add3A_690 = arith.addf %mul3A_686, %mul3A_689 : vector<16xf32>
      %mul3A_691 = arith.mulf %add3A_690, %add3A_690 : vector<16xf32>
      %add3A_692 = arith.addf %add3A_677, %mul3A_691 : vector<16xf32>
      %get3A_693 = arith.index_cast %add3A_660 : i32 to index
      %get3A_694 = arith.constant 32 : index
      %get3A_695 = tpu.vector_load %arg9[%get3A_693, %get3A_694] {strides = array<i32>} : memref<128x128xf32, #tpu.memory_space<vmem>>, vector<16xf32>,
      %get3A_696 = arith.index_cast %add3A_660 : i32 to index
      %get3A_697 = arith.constant 32 : index
      %get3A_698 = tpu.vector_load %arg8[%get3A_696, %get3A_697] {strides = array<i32>} : memref<128x128xf32, #tpu.memory_space<vmem>>, vector<16xf32>,
      %mul3A_699 = arith.constant 1.000000e-01 : f32
      %mul3A_700 = vector.broadcast %mul3A_699 : f32 to vector<16xf32>
      %mul3A_701 = arith.mulf %mul3A_700, %get3A_695 : vector<16xf32>
      %mul3A_702 = arith.constant 0.899999976 : f32
      %mul3A_703 = vector.broadcast %mul3A_702 : f32 to vector<16xf32>
      %mul3A_704 = arith.mulf %mul3A_703, %get3A_698 : vector<16xf32>
      %add3A_705 = arith.addf %mul3A_701, %mul3A_704 : vector<16xf32>
      %mul3A_706 = arith.mulf %add3A_705, %add3A_705 : vector<16xf32>
      %add3A_707 = arith.addf %add3A_692, %mul3A_706 : vector<16xf32>
      %get3A_708 = arith.index_cast %add3A_660 : i32 to index
      %get3A_709 = arith.constant 48 : index
      %get3A_710 = tpu.vector_load %arg9[%get3A_708, %get3A_709] {strides = array<i32>} : memref<128x128xf32, #tpu.memory_space<vmem>>, vector<16xf32>,
      %get3A_711 = arith.index_cast %add3A_660 : i32 to index
      %get3A_712 = arith.constant 48 : index
      %get3A_713 = tpu.vector_load %arg8[%get3A_711, %get3A_712] {strides = array<i32>} : memref<128x128xf32, #tpu.memory_space<vmem>>, vector<16xf32>,
      %mul3A_714 = arith.constant 1.000000e-01 : f32
      %mul3A_715 = vector.broadcast %mul3A_714 : f32 to vector<16xf32>
      %mul3A_716 = arith.mulf %mul3A_715, %get3A_710 : vector<16xf32>
      %mul3A_717 = arith.constant 0.899999976 : f32
      %mul3A_718 = vector.broadcast %mul3A_717 : f32 to vector<16xf32>
      %mul3A_719 = arith.mulf %mul3A_718, %get3A_713 : vector<16xf32>
      %add3A_720 = arith.addf %mul3A_716, %mul3A_719 : vector<16xf32>
      %mul3A_721 = arith.mulf %add3A_720, %add3A_720 : vector<16xf32>
      %add3A_722 = arith.addf %add3A_707, %mul3A_721 : vector<16xf32>
      %get3A_723 = arith.index_cast %add3A_660 : i32 to index
      %get3A_724 = arith.constant 64 : index
      %get3A_725 = tpu.vector_load %arg9[%get3A_723, %get3A_724] {strides = array<i32>} : memref<128x128xf32, #tpu.memory_space<vmem>>, vector<16xf32>,
      %get3A_726 = arith.index_cast %add3A_660 : i32 to index
      %get3A_727 = arith.constant 64 : index
      %get3A_728 = tpu.vector_load %arg8[%get3A_726, %get3A_727] {strides = array<i32>} : memref<128x128xf32, #tpu.memory_space<vmem>>, vector<16xf32>,
      %mul3A_729 = arith.constant 1.000000e-01 : f32
      %mul3A_730 = vector.broadcast %mul3A_729 : f32 to vector<16xf32>
      %mul3A_731 = arith.mulf %mul3A_730, %get3A_725 : vector<16xf32>
      %mul3A_732 = arith.constant 0.899999976 : f32
      %mul3A_733 = vector.broadcast %mul3A_732 : f32 to vector<16xf32>
      %mul3A_734 = arith.mulf %mul3A_733, %get3A_728 : vector<16xf32>
      %add3A_735 = arith.addf %mul3A_731, %mul3A_734 : vector<16xf32>
      %mul3A_736 = arith.mulf %add3A_735, %add3A_735 : vector<16xf32>
      %add3A_737 = arith.addf %add3A_722, %mul3A_736 : vector<16xf32>
      %get3A_738 = arith.index_cast %add3A_660 : i32 to index
      %get3A_739 = arith.constant 80 : index
      %get3A_740 = tpu.vector_load %arg9[%get3A_738, %get3A_739] {strides = array<i32>} : memref<128x128xf32, #tpu.memory_space<vmem>>, vector<16xf32>,
      %get3A_741 = arith.index_cast %add3A_660 : i32 to index
      %get3A_742 = arith.constant 80 : index
      %get3A_743 = tpu.vector_load %arg8[%get3A_741, %get3A_742] {strides = array<i32>} : memref<128x128xf32, #tpu.memory_space<vmem>>, vector<16xf32>,
      %mul3A_744 = arith.constant 1.000000e-01 : f32
      %mul3A_745 = vector.broadcast %mul3A_744 : f32 to vector<16xf32>
      %mul3A_746 = arith.mulf %mul3A_745, %get3A_740 : vector<16xf32>
      %mul3A_747 = arith.constant 0.899999976 : f32
      %mul3A_748 = vector.broadcast %mul3A_747 : f32 to vector<16xf32>
      %mul3A_749 = arith.mulf %mul3A_748, %get3A_743 : vector<16xf32>
      %add3A_750 = arith.addf %mul3A_746, %mul3A_749 : vector<16xf32>
      %mul3A_751 = arith.mulf %add3A_750, %add3A_750 : vector<16xf32>
      %add3A_752 = arith.addf %add3A_737, %mul3A_751 : vector<16xf32>
      %get3A_753 = arith.index_cast %add3A_660 : i32 to index
      %get3A_754 = arith.constant 96 : index
      %get3A_755 = tpu.vector_load %arg9[%get3A_753, %get3A_754] {strides = array<i32>} : memref<128x128xf32, #tpu.memory_space<vmem>>, vector<16xf32>,
      %get3A_756 = arith.index_cast %add3A_660 : i32 to index
      %get3A_757 = arith.constant 96 : index
      %get3A_758 = tpu.vector_load %arg8[%get3A_756, %get3A_757] {strides = array<i32>} : memref<128x128xf32, #tpu.memory_space<vmem>>, vector<16xf32>,
      %mul3A_759 = arith.constant 1.000000e-01 : f32
      %mul3A_760 = vector.broadcast %mul3A_759 : f32 to vector<16xf32>
      %mul3A_761 = arith.mulf %mul3A_760, %get3A_755 : vector<16xf32>
      %mul3A_762 = arith.constant 0.899999976 : f32
      %mul3A_763 = vector.broadcast %mul3A_762 : f32 to vector<16xf32>
      %mul3A_764 = arith.mulf %mul3A_763, %get3A_758 : vector<16xf32>
      %add3A_765 = arith.addf %mul3A_761, %mul3A_764 : vector<16xf32>
      %mul3A_766 = arith.mulf %add3A_765, %add3A_765 : vector<16xf32>
      %add3A_767 = arith.addf %add3A_752, %mul3A_766 : vector<16xf32>
      %get3A_768 = arith.index_cast %add3A_660 : i32 to index
      %get3A_769 = arith.constant 112 : index
      %get3A_770 = tpu.vector_load %arg9[%get3A_768, %get3A_769] {strides = array<i32>} : memref<128x128xf32, #tpu.memory_space<vmem>>, vector<16xf32>,
      %get3A_771 = arith.index_cast %add3A_660 : i32 to index
      %get3A_772 = arith.constant 112 : index
      %get3A_773 = tpu.vector_load %arg8[%get3A_771, %get3A_772] {strides = array<i32>} : memref<128x128xf32, #tpu.memory_space<vmem>>, vector<16xf32>,
      %mul3A_774 = arith.constant 1.000000e-01 : f32
      %mul3A_775 = vector.broadcast %mul3A_774 : f32 to vector<16xf32>
      %mul3A_776 = arith.mulf %mul3A_775, %get3A_770 : vector<16xf32>
      %mul3A_777 = arith.constant 0.899999976 : f32
      %mul3A_778 = vector.broadcast %mul3A_777 : f32 to vector<16xf32>
      %mul3A_779 = arith.mulf %mul3A_778, %get3A_773 : vector<16xf32>
      %add3A_780 = arith.addf %mul3A_776, %mul3A_779 : vector<16xf32>
      %mul3A_781 = arith.mulf %add3A_780, %add3A_780 : vector<16xf32>
      %add3A_782 = arith.addf %add3A_767, %mul3A_781 : vector<16xf32>
      %reduce_sum3A_783 = arith.constant true
      %reduce_sum3A_784 = vector.broadcast %reduce_sum3A_783 : i1 to vector<16xi1>
      %reduce_sum3A_785 = tpu.scan <sum>, %add3A_782 masked %reduce_sum3A_784 : vector<16xf32>, vector<16xi1> -> vector<16xf32>
      %reduce_sum3A_786 = vector.extract %reduce_sum3A_785[15] : f32 from vector<16xf32>
      %broadcast_in_dim3A_787 = vector.broadcast %reduce_sum3A_786 : f32 to vector<16xf32>
      %bitcast3A_788 = vector.bitcast %broadcast_in_dim3A_787 : vector<16xf32> to vector<16xi32>
      %shift_right_arithmetic3A_789 = arith.constant 1 : i32
      %shift_right_arithmetic3A_790 = vector.broadcast %shift_right_arithmetic3A_789 : i32 to vector<16xi32>
      %shift_right_arithmetic3A_791 = arith.shrsi %bitcast3A_788, %shift_right_arithmetic3A_790 : vector<16xi32>
      %sub3A_792 = arith.constant 1597463007 : i32
      %sub3A_793 = vector.broadcast %sub3A_792 : i32 to vector<16xi32>
      %sub3A_794 = arith.subi %sub3A_793, %shift_right_arithmetic3A_791 : vector<16xi32>
      %bitcast3A_795 = vector.bitcast %sub3A_794 : vector<16xi32> to vector<16xf32>
      %mul3A_796 = arith.constant 5.000000e-01 : f32
      %mul3A_797 = vector.broadcast %mul3A_796 : f32 to vector<16xf32>
      %mul3A_798 = arith.mulf %mul3A_797, %broadcast_in_dim3A_787 : vector<16xf32>
      %mul3A_799 = arith.mulf %mul3A_798, %bitcast3A_795 : vector<16xf32>
      %mul3A_800 = arith.mulf %mul3A_799, %bitcast3A_795 : vector<16xf32>
      %sub3A_801 = arith.constant 1.500000e+00 : f32
      %sub3A_802 = vector.broadcast %sub3A_801 : f32 to vector<16xf32>
      %sub3A_803 = arith.subf %sub3A_802, %mul3A_800 : vector<16xf32>
      %mul3A_804 = arith.mulf %bitcast3A_795, %sub3A_803 : vector<16xf32>
      %mul3A_805 = arith.constant 5.000000e-01 : f32
      %mul3A_806 = vector.broadcast %mul3A_805 : f32 to vector<16xf32>
      %mul3A_807 = arith.mulf %mul3A_806, %broadcast_in_dim3A_787 : vector<16xf32>
      %mul3A_808 = arith.mulf %mul3A_807, %mul3A_804 : vector<16xf32>
      %mul3A_809 = arith.mulf %mul3A_808, %mul3A_804 : vector<16xf32>
      %sub3A_810 = arith.constant 1.500000e+00 : f32
      %sub3A_811 = vector.broadcast %sub3A_810 : f32 to vector<16xf32>
      %sub3A_812 = arith.subf %sub3A_811, %mul3A_809 : vector<16xf32>
      %mul3A_813 = arith.mulf %mul3A_804, %sub3A_812 : vector<16xf32>
      %mul3A_814 = arith.constant 5.000000e-01 : f32
      %mul3A_815 = vector.broadcast %mul3A_814 : f32 to vector<16xf32>
      %mul3A_816 = arith.mulf %mul3A_815, %broadcast_in_dim3A_787 : vector<16xf32>
      %mul3A_817 = arith.mulf %mul3A_816, %mul3A_813 : vector<16xf32>
      %mul3A_818 = arith.mulf %mul3A_817, %mul3A_813 : vector<16xf32>
      %sub3A_819 = arith.constant 1.500000e+00 : f32
      %sub3A_820 = vector.broadcast %sub3A_819 : f32 to vector<16xf32>
      %sub3A_821 = arith.subf %sub3A_820, %mul3A_818 : vector<16xf32>
      %mul3A_822 = arith.mulf %mul3A_813, %sub3A_821 : vector<16xf32>
      %mul3A_823 = arith.mulf %add3A_675, %mul3A_822 : vector<16xf32>
      %swap3A_824 = arith.index_cast %add3A_660 : i32 to index
      %swap3A_825 = arith.constant 0 : index
      %swap3A_826 = tpu.vector_load %arg9[%swap3A_824, %swap3A_825] {strides = array<i32>} : memref<128x128xf32, #tpu.memory_space<vmem>>, vector<16xf32>,
      tpu.vector_store %arg9[%swap3A_824, %swap3A_825], %mul3A_823 {strides = array<i32>} : memref<128x128xf32, #tpu.memory_space<vmem>>, vector<16xf32>,
      %mul3A_827 = arith.mulf %add3A_690, %mul3A_822 : vector<16xf32>
      %swap3A_828 = arith.index_cast %add3A_660 : i32 to index
      %swap3A_829 = arith.constant 16 : index
      %swap3A_830 = tpu.vector_load %arg9[%swap3A_828, %swap3A_829] {strides = array<i32>} : memref<128x128xf32, #tpu.memory_space<vmem>>, vector<16xf32>,
      tpu.vector_store %arg9[%swap3A_828, %swap3A_829], %mul3A_827 {strides = array<i32>} : memref<128x128xf32, #tpu.memory_space<vmem>>, vector<16xf32>,
      %mul3A_831 = arith.mulf %add3A_705, %mul3A_822 : vector<16xf32>
      %swap3A_832 = arith.index_cast %add3A_660 : i32 to index
      %swap3A_833 = arith.constant 32 : index
      %swap3A_834 = tpu.vector_load %arg9[%swap3A_832, %swap3A_833] {strides = array<i32>} : memref<128x128xf32, #tpu.memory_space<vmem>>, vector<16xf32>,
      tpu.vector_store %arg9[%swap3A_832, %swap3A_833], %mul3A_831 {strides = array<i32>} : memref<128x128xf32, #tpu.memory_space<vmem>>, vector<16xf32>,
      %mul3A_835 = arith.mulf %add3A_720, %mul3A_822 : vector<16xf32>
      %swap3A_836 = arith.index_cast %add3A_660 : i32 to index
      %swap3A_837 = arith.constant 48 : index
      %swap3A_838 = tpu.vector_load %arg9[%swap3A_836, %swap3A_837] {strides = array<i32>} : memref<128x128xf32, #tpu.memory_space<vmem>>, vector<16xf32>,
      tpu.vector_store %arg9[%swap3A_836, %swap3A_837], %mul3A_835 {strides = array<i32>} : memref<128x128xf32, #tpu.memory_space<vmem>>, vector<16xf32>,
      %mul3A_839 = arith.mulf %add3A_735, %mul3A_822 : vector<16xf32>
      %swap3A_840 = arith.index_cast %add3A_660 : i32 to index
      %swap3A_841 = arith.constant 64 : index
      %swap3A_842 = tpu.vector_load %arg9[%swap3A_840, %swap3A_841] {strides = array<i32>} : memref<128x128xf32, #tpu.memory_space<vmem>>, vector<16xf32>,
      tpu.vector_store %arg9[%swap3A_840, %swap3A_841], %mul3A_839 {strides = array<i32>} : memref<128x128xf32, #tpu.memory_space<vmem>>, vector<16xf32>,
      %mul3A_843 = arith.mulf %add3A_750, %mul3A_822 : vector<16xf32>
      %swap3A_844 = arith.index_cast %add3A_660 : i32 to index
      %swap3A_845 = arith.constant 80 : index
      %swap3A_846 = tpu.vector_load %arg9[%swap3A_844, %swap3A_845] {strides = array<i32>} : memref<128x128xf32, #tpu.memory_space<vmem>>, vector<16xf32>,
      tpu.vector_store %arg9[%swap3A_844, %swap3A_845], %mul3A_843 {strides = array<i32>} : memref<128x128xf32, #tpu.memory_space<vmem>>, vector<16xf32>,
      %mul3A_847 = arith.mulf %add3A_765, %mul3A_822 : vector<16xf32>
      %swap3A_848 = arith.index_cast %add3A_660 : i32 to index
      %swap3A_849 = arith.constant 96 : index
      %swap3A_850 = tpu.vector_load %arg9[%swap3A_848, %swap3A_849] {strides = array<i32>} : memref<128x128xf32, #tpu.memory_space<vmem>>, vector<16xf32>,
      tpu.vector_store %arg9[%swap3A_848, %swap3A_849], %mul3A_847 {strides = array<i32>} : memref<128x128xf32, #tpu.memory_space<vmem>>, vector<16xf32>,
      %mul3A_851 = arith.mulf %add3A_780, %mul3A_822 : vector<16xf32>
      %swap3A_852 = arith.index_cast %add3A_660 : i32 to index
      %swap3A_853 = arith.constant 112 : index
      %swap3A_854 = tpu.vector_load %arg9[%swap3A_852, %swap3A_853] {strides = array<i32>} : memref<128x128xf32, #tpu.memory_space<vmem>>, vector<16xf32>,
      tpu.vector_store %arg9[%swap3A_852, %swap3A_853], %mul3A_851 {strides = array<i32>} : memref<128x128xf32, #tpu.memory_space<vmem>>, vector<16xf32>,
      %scan3A_855 = arith.constant 0 : i32
      scf.yield %scan3A_855 : i32
    }
    %scan3A_38 = arith.constant 16 : i32
    %dma_wait3A_39 = arith.constant 64 : i32
    %dma_wait3A_40 = arith.constant 0 : i32
    %dma_wait3A_41 = tpu.memref_slice %arg9[%dma_wait3A_39, %dma_wait3A_40] : memref<128x128xf32, #tpu.memory_space<vmem>> -> memref<64x128xf32, #tpu.memory_space<vmem>>
    %dma_wait3A_42 = arith.constant 64 : i32
    %dma_wait3A_43 = tpu.memref_slice %arg7[%dma_wait3A_42] : memref<128xi32, #tpu.memory_space<vmem>> -> memref<64xi32, #tpu.memory_space<vmem>>
    %dma_wait3A_44 = arith.constant 0 : i32
    %dma_wait3A_45 = arith.constant 0 : i32
    %dma_wait3A_46 = tpu.memref_slice %arg4[%dma_wait3A_44, %dma_wait3A_45] : memref<100000x128xf32, #tpu.memory_space<hbm>> -> memref<100000x128xf32, #tpu.memory_space<hbm>>
    tpu.wait_indirect_dma semaphore(%arg12 : memref<!tpu.dma_semaphore, #tpu.memory_space<semaphore_mem>>) src(%dma_wait3A_46 : memref<100000x128xf32, #tpu.memory_space<hbm>>) dst(%dma_wait3A_41 : memref<64x128xf32, #tpu.memory_space<vmem>>)
    %scan3A_47 = arith.constant 0 : i32
    %scan3A_48 = arith.constant 0 : i32
    %scan3A_49 = arith.constant 16 : i32
    %scan3A_50 = arith.addi %scan3A_48, %scan3A_49 : i32
    %scan3A_51 = arith.constant 1 : i32
    %scan3A_52 = scf.for %scan3A_60 = %scan3A_48 to %scan3A_50 step %scan3A_51 iter_args(%scan3A_61 = %scan3A_47) -> (i32)  : i32 {
      %mul3A_62 = arith.constant 4 : i32
      %mul3A_63 = arith.muli %scan3A_60, %mul3A_62 : i32
      %add3A_64 = arith.constant 64 : i32
      %add3A_65 = arith.addi %add3A_64, %mul3A_63 : i32
      %add3A_66 = arith.constant 0 : i32
      %add3A_67 = arith.addi %add3A_65, %add3A_66 : i32
      %broadcast_in_dim3A = arith.constant 0.000000e+00 : f32
      %broadcast_in_dim3A_68 = vector.broadcast %broadcast_in_dim3A : f32 to vector<16xf32>
      %get3A = arith.index_cast %add3A_67 : i32 to index
      %get3A_69 = arith.constant 0 : index
      %get3A_70 = tpu.vector_load %arg9[%get3A, %get3A_69] {strides = array<i32>} : memref<128x128xf32, #tpu.memory_space<vmem>>, vector<16xf32>,
      %get3A_71 = arith.index_cast %add3A_67 : i32 to index
      %get3A_72 = arith.constant 0 : index
      %get3A_73 = tpu.vector_load %arg8[%get3A_71, %get3A_72] {strides = array<i32>} : memref<128x128xf32, #tpu.memory_space<vmem>>, vector<16xf32>,
      %mul3A_74 = arith.constant 1.000000e-01 : f32
      %mul3A_75 = vector.broadcast %mul3A_74 : f32 to vector<16xf32>
      %mul3A_76 = arith.mulf %mul3A_75, %get3A_70 : vector<16xf32>
      %mul3A_77 = arith.constant 0.899999976 : f32
      %mul3A_78 = vector.broadcast %mul3A_77 : f32 to vector<16xf32>
      %mul3A_79 = arith.mulf %mul3A_78, %get3A_73 : vector<16xf32>
      %add3A_80 = arith.addf %mul3A_76, %mul3A_79 : vector<16xf32>
      %mul3A_81 = arith.mulf %add3A_80, %add3A_80 : vector<16xf32>
      %add3A_82 = arith.addf %broadcast_in_dim3A_68, %mul3A_81 : vector<16xf32>
      %get3A_83 = arith.index_cast %add3A_67 : i32 to index
      %get3A_84 = arith.constant 16 : index
      %get3A_85 = tpu.vector_load %arg9[%get3A_83, %get3A_84] {strides = array<i32>} : memref<128x128xf32, #tpu.memory_space<vmem>>, vector<16xf32>,
      %get3A_86 = arith.index_cast %add3A_67 : i32 to index
      %get3A_87 = arith.constant 16 : index
      %get3A_88 = tpu.vector_load %arg8[%get3A_86, %get3A_87] {strides = array<i32>} : memref<128x128xf32, #tpu.memory_space<vmem>>, vector<16xf32>,
      %mul3A_89 = arith.constant 1.000000e-01 : f32
      %mul3A_90 = vector.broadcast %mul3A_89 : f32 to vector<16xf32>
      %mul3A_91 = arith.mulf %mul3A_90, %get3A_85 : vector<16xf32>
      %mul3A_92 = arith.constant 0.899999976 : f32
      %mul3A_93 = vector.broadcast %mul3A_92 : f32 to vector<16xf32>
      %mul3A_94 = arith.mulf %mul3A_93, %get3A_88 : vector<16xf32>
      %add3A_95 = arith.addf %mul3A_91, %mul3A_94 : vector<16xf32>
      %mul3A_96 = arith.mulf %add3A_95, %add3A_95 : vector<16xf32>
      %add3A_97 = arith.addf %add3A_82, %mul3A_96 : vector<16xf32>
      %get3A_98 = arith.index_cast %add3A_67 : i32 to index
      %get3A_99 = arith.constant 32 : index
      %get3A_100 = tpu.vector_load %arg9[%get3A_98, %get3A_99] {strides = array<i32>} : memref<128x128xf32, #tpu.memory_space<vmem>>, vector<16xf32>,
      %get3A_101 = arith.index_cast %add3A_67 : i32 to index
      %get3A_102 = arith.constant 32 : index
      %get3A_103 = tpu.vector_load %arg8[%get3A_101, %get3A_102] {strides = array<i32>} : memref<128x128xf32, #tpu.memory_space<vmem>>, vector<16xf32>,
      %mul3A_104 = arith.constant 1.000000e-01 : f32
      %mul3A_105 = vector.broadcast %mul3A_104 : f32 to vector<16xf32>
      %mul3A_106 = arith.mulf %mul3A_105, %get3A_100 : vector<16xf32>
      %mul3A_107 = arith.constant 0.899999976 : f32
      %mul3A_108 = vector.broadcast %mul3A_107 : f32 to vector<16xf32>
      %mul3A_109 = arith.mulf %mul3A_108, %get3A_103 : vector<16xf32>
      %add3A_110 = arith.addf %mul3A_106, %mul3A_109 : vector<16xf32>
      %mul3A_111 = arith.mulf %add3A_110, %add3A_110 : vector<16xf32>
      %add3A_112 = arith.addf %add3A_97, %mul3A_111 : vector<16xf32>
      %get3A_113 = arith.index_cast %add3A_67 : i32 to index
      %get3A_114 = arith.constant 48 : index
      %get3A_115 = tpu.vector_load %arg9[%get3A_113, %get3A_114] {strides = array<i32>} : memref<128x128xf32, #tpu.memory_space<vmem>>, vector<16xf32>,
      %get3A_116 = arith.index_cast %add3A_67 : i32 to index
      %get3A_117 = arith.constant 48 : index
      %get3A_118 = tpu.vector_load %arg8[%get3A_116, %get3A_117] {strides = array<i32>} : memref<128x128xf32, #tpu.memory_space<vmem>>, vector<16xf32>,
      %mul3A_119 = arith.constant 1.000000e-01 : f32
      %mul3A_120 = vector.broadcast %mul3A_119 : f32 to vector<16xf32>
      %mul3A_121 = arith.mulf %mul3A_120, %get3A_115 : vector<16xf32>
      %mul3A_122 = arith.constant 0.899999976 : f32
      %mul3A_123 = vector.broadcast %mul3A_122 : f32 to vector<16xf32>
      %mul3A_124 = arith.mulf %mul3A_123, %get3A_118 : vector<16xf32>
      %add3A_125 = arith.addf %mul3A_121, %mul3A_124 : vector<16xf32>
      %mul3A_126 = arith.mulf %add3A_125, %add3A_125 : vector<16xf32>
      %add3A_127 = arith.addf %add3A_112, %mul3A_126 : vector<16xf32>
      %get3A_128 = arith.index_cast %add3A_67 : i32 to index
      %get3A_129 = arith.constant 64 : index
      %get3A_130 = tpu.vector_load %arg9[%get3A_128, %get3A_129] {strides = array<i32>} : memref<128x128xf32, #tpu.memory_space<vmem>>, vector<16xf32>,
      %get3A_131 = arith.index_cast %add3A_67 : i32 to index
      %get3A_132 = arith.constant 64 : index
      %get3A_133 = tpu.vector_load %arg8[%get3A_131, %get3A_132] {strides = array<i32>} : memref<128x128xf32, #tpu.memory_space<vmem>>, vector<16xf32>,
      %mul3A_134 = arith.constant 1.000000e-01 : f32
      %mul3A_135 = vector.broadcast %mul3A_134 : f32 to vector<16xf32>
      %mul3A_136 = arith.mulf %mul3A_135, %get3A_130 : vector<16xf32>
      %mul3A_137 = arith.constant 0.899999976 : f32
      %mul3A_138 = vector.broadcast %mul3A_137 : f32 to vector<16xf32>
      %mul3A_139 = arith.mulf %mul3A_138, %get3A_133 : vector<16xf32>
      %add3A_140 = arith.addf %mul3A_136, %mul3A_139 : vector<16xf32>
      %mul3A_141 = arith.mulf %add3A_140, %add3A_140 : vector<16xf32>
      %add3A_142 = arith.addf %add3A_127, %mul3A_141 : vector<16xf32>
      %get3A_143 = arith.index_cast %add3A_67 : i32 to index
      %get3A_144 = arith.constant 80 : index
      %get3A_145 = tpu.vector_load %arg9[%get3A_143, %get3A_144] {strides = array<i32>} : memref<128x128xf32, #tpu.memory_space<vmem>>, vector<16xf32>,
      %get3A_146 = arith.index_cast %add3A_67 : i32 to index
      %get3A_147 = arith.constant 80 : index
      %get3A_148 = tpu.vector_load %arg8[%get3A_146, %get3A_147] {strides = array<i32>} : memref<128x128xf32, #tpu.memory_space<vmem>>, vector<16xf32>,
      %mul3A_149 = arith.constant 1.000000e-01 : f32
      %mul3A_150 = vector.broadcast %mul3A_149 : f32 to vector<16xf32>
      %mul3A_151 = arith.mulf %mul3A_150, %get3A_145 : vector<16xf32>
      %mul3A_152 = arith.constant 0.899999976 : f32
      %mul3A_153 = vector.broadcast %mul3A_152 : f32 to vector<16xf32>
      %mul3A_154 = arith.mulf %mul3A_153, %get3A_148 : vector<16xf32>
      %add3A_155 = arith.addf %mul3A_151, %mul3A_154 : vector<16xf32>
      %mul3A_156 = arith.mulf %add3A_155, %add3A_155 : vector<16xf32>
      %add3A_157 = arith.addf %add3A_142, %mul3A_156 : vector<16xf32>
      %get3A_158 = arith.index_cast %add3A_67 : i32 to index
      %get3A_159 = arith.constant 96 : index
      %get3A_160 = tpu.vector_load %arg9[%get3A_158, %get3A_159] {strides = array<i32>} : memref<128x128xf32, #tpu.memory_space<vmem>>, vector<16xf32>,
      %get3A_161 = arith.index_cast %add3A_67 : i32 to index
      %get3A_162 = arith.constant 96 : index
      %get3A_163 = tpu.vector_load %arg8[%get3A_161, %get3A_162] {strides = array<i32>} : memref<128x128xf32, #tpu.memory_space<vmem>>, vector<16xf32>,
      %mul3A_164 = arith.constant 1.000000e-01 : f32
      %mul3A_165 = vector.broadcast %mul3A_164 : f32 to vector<16xf32>
      %mul3A_166 = arith.mulf %mul3A_165, %get3A_160 : vector<16xf32>
      %mul3A_167 = arith.constant 0.899999976 : f32
      %mul3A_168 = vector.broadcast %mul3A_167 : f32 to vector<16xf32>
      %mul3A_169 = arith.mulf %mul3A_168, %get3A_163 : vector<16xf32>
      %add3A_170 = arith.addf %mul3A_166, %mul3A_169 : vector<16xf32>
      %mul3A_171 = arith.mulf %add3A_170, %add3A_170 : vector<16xf32>
      %add3A_172 = arith.addf %add3A_157, %mul3A_171 : vector<16xf32>
      %get3A_173 = arith.index_cast %add3A_67 : i32 to index
      %get3A_174 = arith.constant 112 : index
      %get3A_175 = tpu.vector_load %arg9[%get3A_173, %get3A_174] {strides = array<i32>} : memref<128x128xf32, #tpu.memory_space<vmem>>, vector<16xf32>,
      %get3A_176 = arith.index_cast %add3A_67 : i32 to index
      %get3A_177 = arith.constant 112 : index
      %get3A_178 = tpu.vector_load %arg8[%get3A_176, %get3A_177] {strides = array<i32>} : memref<128x128xf32, #tpu.memory_space<vmem>>, vector<16xf32>,
      %mul3A_179 = arith.constant 1.000000e-01 : f32
      %mul3A_180 = vector.broadcast %mul3A_179 : f32 to vector<16xf32>
      %mul3A_181 = arith.mulf %mul3A_180, %get3A_175 : vector<16xf32>
      %mul3A_182 = arith.constant 0.899999976 : f32
      %mul3A_183 = vector.broadcast %mul3A_182 : f32 to vector<16xf32>
      %mul3A_184 = arith.mulf %mul3A_183, %get3A_178 : vector<16xf32>
      %add3A_185 = arith.addf %mul3A_181, %mul3A_184 : vector<16xf32>
      %mul3A_186 = arith.mulf %add3A_185, %add3A_185 : vector<16xf32>
      %add3A_187 = arith.addf %add3A_172, %mul3A_186 : vector<16xf32>
      %reduce_sum3A = arith.constant true
      %reduce_sum3A_188 = vector.broadcast %reduce_sum3A : i1 to vector<16xi1>
      %reduce_sum3A_189 = tpu.scan <sum>, %add3A_187 masked %reduce_sum3A_188 : vector<16xf32>, vector<16xi1> -> vector<16xf32>
      %reduce_sum3A_190 = vector.extract %reduce_sum3A_189[15] : f32 from vector<16xf32>
      %broadcast_in_dim3A_191 = vector.broadcast %reduce_sum3A_190 : f32 to vector<16xf32>
      %bitcast3A = vector.bitcast %broadcast_in_dim3A_191 : vector<16xf32> to vector<16xi32>
      %shift_right_arithmetic3A = arith.constant 1 : i32
      %shift_right_arithmetic3A_192 = vector.broadcast %shift_right_arithmetic3A : i32 to vector<16xi32>
      %shift_right_arithmetic3A_193 = arith.shrsi %bitcast3A, %shift_right_arithmetic3A_192 : vector<16xi32>
      %sub3A = arith.constant 1597463007 : i32
      %sub3A_194 = vector.broadcast %sub3A : i32 to vector<16xi32>
      %sub3A_195 = arith.subi %sub3A_194, %shift_right_arithmetic3A_193 : vector<16xi32>
      %bitcast3A_196 = vector.bitcast %sub3A_195 : vector<16xi32> to vector<16xf32>
      %mul3A_197 = arith.constant 5.000000e-01 : f32
      %mul3A_198 = vector.broadcast %mul3A_197 : f32 to vector<16xf32>
      %mul3A_199 = arith.mulf %mul3A_198, %broadcast_in_dim3A_191 : vector<16xf32>
      %mul3A_200 = arith.mulf %mul3A_199, %bitcast3A_196 : vector<16xf32>
      %mul3A_201 = arith.mulf %mul3A_200, %bitcast3A_196 : vector<16xf32>
      %sub3A_202 = arith.constant 1.500000e+00 : f32
      %sub3A_203 = vector.broadcast %sub3A_202 : f32 to vector<16xf32>
      %sub3A_204 = arith.subf %sub3A_203, %mul3A_201 : vector<16xf32>
      %mul3A_205 = arith.mulf %bitcast3A_196, %sub3A_204 : vector<16xf32>
      %mul3A_206 = arith.constant 5.000000e-01 : f32
      %mul3A_207 = vector.broadcast %mul3A_206 : f32 to vector<16xf32>
      %mul3A_208 = arith.mulf %mul3A_207, %broadcast_in_dim3A_191 : vector<16xf32>
      %mul3A_209 = arith.mulf %mul3A_208, %mul3A_205 : vector<16xf32>
      %mul3A_210 = arith.mulf %mul3A_209, %mul3A_205 : vector<16xf32>
      %sub3A_211 = arith.constant 1.500000e+00 : f32
      %sub3A_212 = vector.broadcast %sub3A_211 : f32 to vector<16xf32>
      %sub3A_213 = arith.subf %sub3A_212, %mul3A_210 : vector<16xf32>
      %mul3A_214 = arith.mulf %mul3A_205, %sub3A_213 : vector<16xf32>
      %mul3A_215 = arith.constant 5.000000e-01 : f32
      %mul3A_216 = vector.broadcast %mul3A_215 : f32 to vector<16xf32>
      %mul3A_217 = arith.mulf %mul3A_216, %broadcast_in_dim3A_191 : vector<16xf32>
      %mul3A_218 = arith.mulf %mul3A_217, %mul3A_214 : vector<16xf32>
      %mul3A_219 = arith.mulf %mul3A_218, %mul3A_214 : vector<16xf32>
      %sub3A_220 = arith.constant 1.500000e+00 : f32
      %sub3A_221 = vector.broadcast %sub3A_220 : f32 to vector<16xf32>
      %sub3A_222 = arith.subf %sub3A_221, %mul3A_219 : vector<16xf32>
      %mul3A_223 = arith.mulf %mul3A_214, %sub3A_222 : vector<16xf32>
      %mul3A_224 = arith.mulf %add3A_80, %mul3A_223 : vector<16xf32>
      %swap3A = arith.index_cast %add3A_67 : i32 to index
      %swap3A_225 = arith.constant 0 : index
      %swap3A_226 = tpu.vector_load %arg9[%swap3A, %swap3A_225] {strides = array<i32>} : memref<128x128xf32, #tpu.memory_space<vmem>>, vector<16xf32>,
      tpu.vector_store %arg9[%swap3A, %swap3A_225], %mul3A_224 {strides = array<i32>} : memref<128x128xf32, #tpu.memory_space<vmem>>, vector<16xf32>,
      %mul3A_227 = arith.mulf %add3A_95, %mul3A_223 : vector<16xf32>
      %swap3A_228 = arith.index_cast %add3A_67 : i32 to index
      %swap3A_229 = arith.constant 16 : index
      %swap3A_230 = tpu.vector_load %arg9[%swap3A_228, %swap3A_229] {strides = array<i32>} : memref<128x128xf32, #tpu.memory_space<vmem>>, vector<16xf32>,
      tpu.vector_store %arg9[%swap3A_228, %swap3A_229], %mul3A_227 {strides = array<i32>} : memref<128x128xf32, #tpu.memory_space<vmem>>, vector<16xf32>,
      %mul3A_231 = arith.mulf %add3A_110, %mul3A_223 : vector<16xf32>
      %swap3A_232 = arith.index_cast %add3A_67 : i32 to index
      %swap3A_233 = arith.constant 32 : index
      %swap3A_234 = tpu.vector_load %arg9[%swap3A_232, %swap3A_233] {strides = array<i32>} : memref<128x128xf32, #tpu.memory_space<vmem>>, vector<16xf32>,
      tpu.vector_store %arg9[%swap3A_232, %swap3A_233], %mul3A_231 {strides = array<i32>} : memref<128x128xf32, #tpu.memory_space<vmem>>, vector<16xf32>,
      %mul3A_235 = arith.mulf %add3A_125, %mul3A_223 : vector<16xf32>
      %swap3A_236 = arith.index_cast %add3A_67 : i32 to index
      %swap3A_237 = arith.constant 48 : index
      %swap3A_238 = tpu.vector_load %arg9[%swap3A_236, %swap3A_237] {strides = array<i32>} : memref<128x128xf32, #tpu.memory_space<vmem>>, vector<16xf32>,
      tpu.vector_store %arg9[%swap3A_236, %swap3A_237], %mul3A_235 {strides = array<i32>} : memref<128x128xf32, #tpu.memory_space<vmem>>, vector<16xf32>,
      %mul3A_239 = arith.mulf %add3A_140, %mul3A_223 : vector<16xf32>
      %swap3A_240 = arith.index_cast %add3A_67 : i32 to index
      %swap3A_241 = arith.constant 64 : index
      %swap3A_242 = tpu.vector_load %arg9[%swap3A_240, %swap3A_241] {strides = array<i32>} : memref<128x128xf32, #tpu.memory_space<vmem>>, vector<16xf32>,
      tpu.vector_store %arg9[%swap3A_240, %swap3A_241], %mul3A_239 {strides = array<i32>} : memref<128x128xf32, #tpu.memory_space<vmem>>, vector<16xf32>,
      %mul3A_243 = arith.mulf %add3A_155, %mul3A_223 : vector<16xf32>
      %swap3A_244 = arith.index_cast %add3A_67 : i32 to index
      %swap3A_245 = arith.constant 80 : index
      %swap3A_246 = tpu.vector_load %arg9[%swap3A_244, %swap3A_245] {strides = array<i32>} : memref<128x128xf32, #tpu.memory_space<vmem>>, vector<16xf32>,
      tpu.vector_store %arg9[%swap3A_244, %swap3A_245], %mul3A_243 {strides = array<i32>} : memref<128x128xf32, #tpu.memory_space<vmem>>, vector<16xf32>,
      %mul3A_247 = arith.mulf %add3A_170, %mul3A_223 : vector<16xf32>
      %swap3A_248 = arith.index_cast %add3A_67 : i32 to index
      %swap3A_249 = arith.constant 96 : index
      %swap3A_250 = tpu.vector_load %arg9[%swap3A_248, %swap3A_249] {strides = array<i32>} : memref<128x128xf32, #tpu.memory_space<vmem>>, vector<16xf32>,
      tpu.vector_store %arg9[%swap3A_248, %swap3A_249], %mul3A_247 {strides = array<i32>} : memref<128x128xf32, #tpu.memory_space<vmem>>, vector<16xf32>,
      %mul3A_251 = arith.mulf %add3A_185, %mul3A_223 : vector<16xf32>
      %swap3A_252 = arith.index_cast %add3A_67 : i32 to index
      %swap3A_253 = arith.constant 112 : index
      %swap3A_254 = tpu.vector_load %arg9[%swap3A_252, %swap3A_253] {strides = array<i32>} : memref<128x128xf32, #tpu.memory_space<vmem>>, vector<16xf32>,
      tpu.vector_store %arg9[%swap3A_252, %swap3A_253], %mul3A_251 {strides = array<i32>} : memref<128x128xf32, #tpu.memory_space<vmem>>, vector<16xf32>,
      %mul3A_255 = arith.constant 4 : i32
      %mul3A_256 = arith.muli %scan3A_60, %mul3A_255 : i32
      %add3A_257 = arith.constant 64 : i32
      %add3A_258 = arith.addi %add3A_257, %mul3A_256 : i32
      %add3A_259 = arith.constant 1 : i32
      %add3A_260 = arith.addi %add3A_258, %add3A_259 : i32
      %broadcast_in_dim3A_261 = arith.constant 0.000000e+00 : f32
      %broadcast_in_dim3A_262 = vector.broadcast %broadcast_in_dim3A_261 : f32 to vector<16xf32>
      %get3A_263 = arith.index_cast %add3A_260 : i32 to index
      %get3A_264 = arith.constant 0 : index
      %get3A_265 = tpu.vector_load %arg9[%get3A_263, %get3A_264] {strides = array<i32>} : memref<128x128xf32, #tpu.memory_space<vmem>>, vector<16xf32>,
      %get3A_266 = arith.index_cast %add3A_260 : i32 to index
      %get3A_267 = arith.constant 0 : index
      %get3A_268 = tpu.vector_load %arg8[%get3A_266, %get3A_267] {strides = array<i32>} : memref<128x128xf32, #tpu.memory_space<vmem>>, vector<16xf32>,
      %mul3A_269 = arith.constant 1.000000e-01 : f32
      %mul3A_270 = vector.broadcast %mul3A_269 : f32 to vector<16xf32>
      %mul3A_271 = arith.mulf %mul3A_270, %get3A_265 : vector<16xf32>
      %mul3A_272 = arith.constant 0.899999976 : f32
      %mul3A_273 = vector.broadcast %mul3A_272 : f32 to vector<16xf32>
      %mul3A_274 = arith.mulf %mul3A_273, %get3A_268 : vector<16xf32>
      %add3A_275 = arith.addf %mul3A_271, %mul3A_274 : vector<16xf32>
      %mul3A_276 = arith.mulf %add3A_275, %add3A_275 : vector<16xf32>
      %add3A_277 = arith.addf %broadcast_in_dim3A_262, %mul3A_276 : vector<16xf32>
      %get3A_278 = arith.index_cast %add3A_260 : i32 to index
      %get3A_279 = arith.constant 16 : index
      %get3A_280 = tpu.vector_load %arg9[%get3A_278, %get3A_279] {strides = array<i32>} : memref<128x128xf32, #tpu.memory_space<vmem>>, vector<16xf32>,
      %get3A_281 = arith.index_cast %add3A_260 : i32 to index
      %get3A_282 = arith.constant 16 : index
      %get3A_283 = tpu.vector_load %arg8[%get3A_281, %get3A_282] {strides = array<i32>} : memref<128x128xf32, #tpu.memory_space<vmem>>, vector<16xf32>,
      %mul3A_284 = arith.constant 1.000000e-01 : f32
      %mul3A_285 = vector.broadcast %mul3A_284 : f32 to vector<16xf32>
      %mul3A_286 = arith.mulf %mul3A_285, %get3A_280 : vector<16xf32>
      %mul3A_287 = arith.constant 0.899999976 : f32
      %mul3A_288 = vector.broadcast %mul3A_287 : f32 to vector<16xf32>
      %mul3A_289 = arith.mulf %mul3A_288, %get3A_283 : vector<16xf32>
      %add3A_290 = arith.addf %mul3A_286, %mul3A_289 : vector<16xf32>
      %mul3A_291 = arith.mulf %add3A_290, %add3A_290 : vector<16xf32>
      %add3A_292 = arith.addf %add3A_277, %mul3A_291 : vector<16xf32>
      %get3A_293 = arith.index_cast %add3A_260 : i32 to index
      %get3A_294 = arith.constant 32 : index
      %get3A_295 = tpu.vector_load %arg9[%get3A_293, %get3A_294] {strides = array<i32>} : memref<128x128xf32, #tpu.memory_space<vmem>>, vector<16xf32>,
      %get3A_296 = arith.index_cast %add3A_260 : i32 to index
      %get3A_297 = arith.constant 32 : index
      %get3A_298 = tpu.vector_load %arg8[%get3A_296, %get3A_297] {strides = array<i32>} : memref<128x128xf32, #tpu.memory_space<vmem>>, vector<16xf32>,
      %mul3A_299 = arith.constant 1.000000e-01 : f32
      %mul3A_300 = vector.broadcast %mul3A_299 : f32 to vector<16xf32>
      %mul3A_301 = arith.mulf %mul3A_300, %get3A_295 : vector<16xf32>
      %mul3A_302 = arith.constant 0.899999976 : f32
      %mul3A_303 = vector.broadcast %mul3A_302 : f32 to vector<16xf32>
      %mul3A_304 = arith.mulf %mul3A_303, %get3A_298 : vector<16xf32>
      %add3A_305 = arith.addf %mul3A_301, %mul3A_304 : vector<16xf32>
      %mul3A_306 = arith.mulf %add3A_305, %add3A_305 : vector<16xf32>
      %add3A_307 = arith.addf %add3A_292, %mul3A_306 : vector<16xf32>
      %get3A_308 = arith.index_cast %add3A_260 : i32 to index
      %get3A_309 = arith.constant 48 : index
      %get3A_310 = tpu.vector_load %arg9[%get3A_308, %get3A_309] {strides = array<i32>} : memref<128x128xf32, #tpu.memory_space<vmem>>, vector<16xf32>,
      %get3A_311 = arith.index_cast %add3A_260 : i32 to index
      %get3A_312 = arith.constant 48 : index
      %get3A_313 = tpu.vector_load %arg8[%get3A_311, %get3A_312] {strides = array<i32>} : memref<128x128xf32, #tpu.memory_space<vmem>>, vector<16xf32>,
      %mul3A_314 = arith.constant 1.000000e-01 : f32
      %mul3A_315 = vector.broadcast %mul3A_314 : f32 to vector<16xf32>
      %mul3A_316 = arith.mulf %mul3A_315, %get3A_310 : vector<16xf32>
      %mul3A_317 = arith.constant 0.899999976 : f32
      %mul3A_318 = vector.broadcast %mul3A_317 : f32 to vector<16xf32>
      %mul3A_319 = arith.mulf %mul3A_318, %get3A_313 : vector<16xf32>
      %add3A_320 = arith.addf %mul3A_316, %mul3A_319 : vector<16xf32>
      %mul3A_321 = arith.mulf %add3A_320, %add3A_320 : vector<16xf32>
      %add3A_322 = arith.addf %add3A_307, %mul3A_321 : vector<16xf32>
      %get3A_323 = arith.index_cast %add3A_260 : i32 to index
      %get3A_324 = arith.constant 64 : index
      %get3A_325 = tpu.vector_load %arg9[%get3A_323, %get3A_324] {strides = array<i32>} : memref<128x128xf32, #tpu.memory_space<vmem>>, vector<16xf32>,
      %get3A_326 = arith.index_cast %add3A_260 : i32 to index
      %get3A_327 = arith.constant 64 : index
      %get3A_328 = tpu.vector_load %arg8[%get3A_326, %get3A_327] {strides = array<i32>} : memref<128x128xf32, #tpu.memory_space<vmem>>, vector<16xf32>,
      %mul3A_329 = arith.constant 1.000000e-01 : f32
      %mul3A_330 = vector.broadcast %mul3A_329 : f32 to vector<16xf32>
      %mul3A_331 = arith.mulf %mul3A_330, %get3A_325 : vector<16xf32>
      %mul3A_332 = arith.constant 0.899999976 : f32
      %mul3A_333 = vector.broadcast %mul3A_332 : f32 to vector<16xf32>
      %mul3A_334 = arith.mulf %mul3A_333, %get3A_328 : vector<16xf32>
      %add3A_335 = arith.addf %mul3A_331, %mul3A_334 : vector<16xf32>
      %mul3A_336 = arith.mulf %add3A_335, %add3A_335 : vector<16xf32>
      %add3A_337 = arith.addf %add3A_322, %mul3A_336 : vector<16xf32>
      %get3A_338 = arith.index_cast %add3A_260 : i32 to index
      %get3A_339 = arith.constant 80 : index
      %get3A_340 = tpu.vector_load %arg9[%get3A_338, %get3A_339] {strides = array<i32>} : memref<128x128xf32, #tpu.memory_space<vmem>>, vector<16xf32>,
      %get3A_341 = arith.index_cast %add3A_260 : i32 to index
      %get3A_342 = arith.constant 80 : index
      %get3A_343 = tpu.vector_load %arg8[%get3A_341, %get3A_342] {strides = array<i32>} : memref<128x128xf32, #tpu.memory_space<vmem>>, vector<16xf32>,
      %mul3A_344 = arith.constant 1.000000e-01 : f32
      %mul3A_345 = vector.broadcast %mul3A_344 : f32 to vector<16xf32>
      %mul3A_346 = arith.mulf %mul3A_345, %get3A_340 : vector<16xf32>
      %mul3A_347 = arith.constant 0.899999976 : f32
      %mul3A_348 = vector.broadcast %mul3A_347 : f32 to vector<16xf32>
      %mul3A_349 = arith.mulf %mul3A_348, %get3A_343 : vector<16xf32>
      %add3A_350 = arith.addf %mul3A_346, %mul3A_349 : vector<16xf32>
      %mul3A_351 = arith.mulf %add3A_350, %add3A_350 : vector<16xf32>
      %add3A_352 = arith.addf %add3A_337, %mul3A_351 : vector<16xf32>
      %get3A_353 = arith.index_cast %add3A_260 : i32 to index
      %get3A_354 = arith.constant 96 : index
      %get3A_355 = tpu.vector_load %arg9[%get3A_353, %get3A_354] {strides = array<i32>} : memref<128x128xf32, #tpu.memory_space<vmem>>, vector<16xf32>,
      %get3A_356 = arith.index_cast %add3A_260 : i32 to index
      %get3A_357 = arith.constant 96 : index
      %get3A_358 = tpu.vector_load %arg8[%get3A_356, %get3A_357] {strides = array<i32>} : memref<128x128xf32, #tpu.memory_space<vmem>>, vector<16xf32>,
      %mul3A_359 = arith.constant 1.000000e-01 : f32
      %mul3A_360 = vector.broadcast %mul3A_359 : f32 to vector<16xf32>
      %mul3A_361 = arith.mulf %mul3A_360, %get3A_355 : vector<16xf32>
      %mul3A_362 = arith.constant 0.899999976 : f32
      %mul3A_363 = vector.broadcast %mul3A_362 : f32 to vector<16xf32>
      %mul3A_364 = arith.mulf %mul3A_363, %get3A_358 : vector<16xf32>
      %add3A_365 = arith.addf %mul3A_361, %mul3A_364 : vector<16xf32>
      %mul3A_366 = arith.mulf %add3A_365, %add3A_365 : vector<16xf32>
      %add3A_367 = arith.addf %add3A_352, %mul3A_366 : vector<16xf32>
      %get3A_368 = arith.index_cast %add3A_260 : i32 to index
      %get3A_369 = arith.constant 112 : index
      %get3A_370 = tpu.vector_load %arg9[%get3A_368, %get3A_369] {strides = array<i32>} : memref<128x128xf32, #tpu.memory_space<vmem>>, vector<16xf32>,
      %get3A_371 = arith.index_cast %add3A_260 : i32 to index
      %get3A_372 = arith.constant 112 : index
      %get3A_373 = tpu.vector_load %arg8[%get3A_371, %get3A_372] {strides = array<i32>} : memref<128x128xf32, #tpu.memory_space<vmem>>, vector<16xf32>,
      %mul3A_374 = arith.constant 1.000000e-01 : f32
      %mul3A_375 = vector.broadcast %mul3A_374 : f32 to vector<16xf32>
      %mul3A_376 = arith.mulf %mul3A_375, %get3A_370 : vector<16xf32>
      %mul3A_377 = arith.constant 0.899999976 : f32
      %mul3A_378 = vector.broadcast %mul3A_377 : f32 to vector<16xf32>
      %mul3A_379 = arith.mulf %mul3A_378, %get3A_373 : vector<16xf32>
      %add3A_380 = arith.addf %mul3A_376, %mul3A_379 : vector<16xf32>
      %mul3A_381 = arith.mulf %add3A_380, %add3A_380 : vector<16xf32>
      %add3A_382 = arith.addf %add3A_367, %mul3A_381 : vector<16xf32>
      %reduce_sum3A_383 = arith.constant true
      %reduce_sum3A_384 = vector.broadcast %reduce_sum3A_383 : i1 to vector<16xi1>
      %reduce_sum3A_385 = tpu.scan <sum>, %add3A_382 masked %reduce_sum3A_384 : vector<16xf32>, vector<16xi1> -> vector<16xf32>
      %reduce_sum3A_386 = vector.extract %reduce_sum3A_385[15] : f32 from vector<16xf32>
      %broadcast_in_dim3A_387 = vector.broadcast %reduce_sum3A_386 : f32 to vector<16xf32>
      %bitcast3A_388 = vector.bitcast %broadcast_in_dim3A_387 : vector<16xf32> to vector<16xi32>
      %shift_right_arithmetic3A_389 = arith.constant 1 : i32
      %shift_right_arithmetic3A_390 = vector.broadcast %shift_right_arithmetic3A_389 : i32 to vector<16xi32>
      %shift_right_arithmetic3A_391 = arith.shrsi %bitcast3A_388, %shift_right_arithmetic3A_390 : vector<16xi32>
      %sub3A_392 = arith.constant 1597463007 : i32
      %sub3A_393 = vector.broadcast %sub3A_392 : i32 to vector<16xi32>
      %sub3A_394 = arith.subi %sub3A_393, %shift_right_arithmetic3A_391 : vector<16xi32>
      %bitcast3A_395 = vector.bitcast %sub3A_394 : vector<16xi32> to vector<16xf32>
      %mul3A_396 = arith.constant 5.000000e-01 : f32
      %mul3A_397 = vector.broadcast %mul3A_396 : f32 to vector<16xf32>
      %mul3A_398 = arith.mulf %mul3A_397, %broadcast_in_dim3A_387 : vector<16xf32>
      %mul3A_399 = arith.mulf %mul3A_398, %bitcast3A_395 : vector<16xf32>
      %mul3A_400 = arith.mulf %mul3A_399, %bitcast3A_395 : vector<16xf32>
      %sub3A_401 = arith.constant 1.500000e+00 : f32
      %sub3A_402 = vector.broadcast %sub3A_401 : f32 to vector<16xf32>
      %sub3A_403 = arith.subf %sub3A_402, %mul3A_400 : vector<16xf32>
      %mul3A_404 = arith.mulf %bitcast3A_395, %sub3A_403 : vector<16xf32>
      %mul3A_405 = arith.constant 5.000000e-01 : f32
      %mul3A_406 = vector.broadcast %mul3A_405 : f32 to vector<16xf32>
      %mul3A_407 = arith.mulf %mul3A_406, %broadcast_in_dim3A_387 : vector<16xf32>
      %mul3A_408 = arith.mulf %mul3A_407, %mul3A_404 : vector<16xf32>
      %mul3A_409 = arith.mulf %mul3A_408, %mul3A_404 : vector<16xf32>
      %sub3A_410 = arith.constant 1.500000e+00 : f32
      %sub3A_411 = vector.broadcast %sub3A_410 : f32 to vector<16xf32>
      %sub3A_412 = arith.subf %sub3A_411, %mul3A_409 : vector<16xf32>
      %mul3A_413 = arith.mulf %mul3A_404, %sub3A_412 : vector<16xf32>
      %mul3A_414 = arith.constant 5.000000e-01 : f32
      %mul3A_415 = vector.broadcast %mul3A_414 : f32 to vector<16xf32>
      %mul3A_416 = arith.mulf %mul3A_415, %broadcast_in_dim3A_387 : vector<16xf32>
      %mul3A_417 = arith.mulf %mul3A_416, %mul3A_413 : vector<16xf32>
      %mul3A_418 = arith.mulf %mul3A_417, %mul3A_413 : vector<16xf32>
      %sub3A_419 = arith.constant 1.500000e+00 : f32
      %sub3A_420 = vector.broadcast %sub3A_419 : f32 to vector<16xf32>
      %sub3A_421 = arith.subf %sub3A_420, %mul3A_418 : vector<16xf32>
      %mul3A_422 = arith.mulf %mul3A_413, %sub3A_421 : vector<16xf32>
      %mul3A_423 = arith.mulf %add3A_275, %mul3A_422 : vector<16xf32>
      %swap3A_424 = arith.index_cast %add3A_260 : i32 to index
      %swap3A_425 = arith.constant 0 : index
      %swap3A_426 = tpu.vector_load %arg9[%swap3A_424, %swap3A_425] {strides = array<i32>} : memref<128x128xf32, #tpu.memory_space<vmem>>, vector<16xf32>,
      tpu.vector_store %arg9[%swap3A_424, %swap3A_425], %mul3A_423 {strides = array<i32>} : memref<128x128xf32, #tpu.memory_space<vmem>>, vector<16xf32>,
      %mul3A_427 = arith.mulf %add3A_290, %mul3A_422 : vector<16xf32>
      %swap3A_428 = arith.index_cast %add3A_260 : i32 to index
      %swap3A_429 = arith.constant 16 : index
      %swap3A_430 = tpu.vector_load %arg9[%swap3A_428, %swap3A_429] {strides = array<i32>} : memref<128x128xf32, #tpu.memory_space<vmem>>, vector<16xf32>,
      tpu.vector_store %arg9[%swap3A_428, %swap3A_429], %mul3A_427 {strides = array<i32>} : memref<128x128xf32, #tpu.memory_space<vmem>>, vector<16xf32>,
      %mul3A_431 = arith.mulf %add3A_305, %mul3A_422 : vector<16xf32>
      %swap3A_432 = arith.index_cast %add3A_260 : i32 to index
      %swap3A_433 = arith.constant 32 : index
      %swap3A_434 = tpu.vector_load %arg9[%swap3A_432, %swap3A_433] {strides = array<i32>} : memref<128x128xf32, #tpu.memory_space<vmem>>, vector<16xf32>,
      tpu.vector_store %arg9[%swap3A_432, %swap3A_433], %mul3A_431 {strides = array<i32>} : memref<128x128xf32, #tpu.memory_space<vmem>>, vector<16xf32>,
      %mul3A_435 = arith.mulf %add3A_320, %mul3A_422 : vector<16xf32>
      %swap3A_436 = arith.index_cast %add3A_260 : i32 to index
      %swap3A_437 = arith.constant 48 : index
      %swap3A_438 = tpu.vector_load %arg9[%swap3A_436, %swap3A_437] {strides = array<i32>} : memref<128x128xf32, #tpu.memory_space<vmem>>, vector<16xf32>,
      tpu.vector_store %arg9[%swap3A_436, %swap3A_437], %mul3A_435 {strides = array<i32>} : memref<128x128xf32, #tpu.memory_space<vmem>>, vector<16xf32>,
      %mul3A_439 = arith.mulf %add3A_335, %mul3A_422 : vector<16xf32>
      %swap3A_440 = arith.index_cast %add3A_260 : i32 to index
      %swap3A_441 = arith.constant 64 : index
      %swap3A_442 = tpu.vector_load %arg9[%swap3A_440, %swap3A_441] {strides = array<i32>} : memref<128x128xf32, #tpu.memory_space<vmem>>, vector<16xf32>,
      tpu.vector_store %arg9[%swap3A_440, %swap3A_441], %mul3A_439 {strides = array<i32>} : memref<128x128xf32, #tpu.memory_space<vmem>>, vector<16xf32>,
      %mul3A_443 = arith.mulf %add3A_350, %mul3A_422 : vector<16xf32>
      %swap3A_444 = arith.index_cast %add3A_260 : i32 to index
      %swap3A_445 = arith.constant 80 : index
      %swap3A_446 = tpu.vector_load %arg9[%swap3A_444, %swap3A_445] {strides = array<i32>} : memref<128x128xf32, #tpu.memory_space<vmem>>, vector<16xf32>,
      tpu.vector_store %arg9[%swap3A_444, %swap3A_445], %mul3A_443 {strides = array<i32>} : memref<128x128xf32, #tpu.memory_space<vmem>>, vector<16xf32>,
      %mul3A_447 = arith.mulf %add3A_365, %mul3A_422 : vector<16xf32>
      %swap3A_448 = arith.index_cast %add3A_260 : i32 to index
      %swap3A_449 = arith.constant 96 : index
      %swap3A_450 = tpu.vector_load %arg9[%swap3A_448, %swap3A_449] {strides = array<i32>} : memref<128x128xf32, #tpu.memory_space<vmem>>, vector<16xf32>,
      tpu.vector_store %arg9[%swap3A_448, %swap3A_449], %mul3A_447 {strides = array<i32>} : memref<128x128xf32, #tpu.memory_space<vmem>>, vector<16xf32>,
      %mul3A_451 = arith.mulf %add3A_380, %mul3A_422 : vector<16xf32>
      %swap3A_452 = arith.index_cast %add3A_260 : i32 to index
      %swap3A_453 = arith.constant 112 : index
      %swap3A_454 = tpu.vector_load %arg9[%swap3A_452, %swap3A_453] {strides = array<i32>} : memref<128x128xf32, #tpu.memory_space<vmem>>, vector<16xf32>,
      tpu.vector_store %arg9[%swap3A_452, %swap3A_453], %mul3A_451 {strides = array<i32>} : memref<128x128xf32, #tpu.memory_space<vmem>>, vector<16xf32>,
      %mul3A_455 = arith.constant 4 : i32
      %mul3A_456 = arith.muli %scan3A_60, %mul3A_455 : i32
      %add3A_457 = arith.constant 64 : i32
      %add3A_458 = arith.addi %add3A_457, %mul3A_456 : i32
      %add3A_459 = arith.constant 2 : i32
      %add3A_460 = arith.addi %add3A_458, %add3A_459 : i32
      %broadcast_in_dim3A_461 = arith.constant 0.000000e+00 : f32
      %broadcast_in_dim3A_462 = vector.broadcast %broadcast_in_dim3A_461 : f32 to vector<16xf32>
      %get3A_463 = arith.index_cast %add3A_460 : i32 to index
      %get3A_464 = arith.constant 0 : index
      %get3A_465 = tpu.vector_load %arg9[%get3A_463, %get3A_464] {strides = array<i32>} : memref<128x128xf32, #tpu.memory_space<vmem>>, vector<16xf32>,
      %get3A_466 = arith.index_cast %add3A_460 : i32 to index
      %get3A_467 = arith.constant 0 : index
      %get3A_468 = tpu.vector_load %arg8[%get3A_466, %get3A_467] {strides = array<i32>} : memref<128x128xf32, #tpu.memory_space<vmem>>, vector<16xf32>,
      %mul3A_469 = arith.constant 1.000000e-01 : f32
      %mul3A_470 = vector.broadcast %mul3A_469 : f32 to vector<16xf32>
      %mul3A_471 = arith.mulf %mul3A_470, %get3A_465 : vector<16xf32>
      %mul3A_472 = arith.constant 0.899999976 : f32
      %mul3A_473 = vector.broadcast %mul3A_472 : f32 to vector<16xf32>
      %mul3A_474 = arith.mulf %mul3A_473, %get3A_468 : vector<16xf32>
      %add3A_475 = arith.addf %mul3A_471, %mul3A_474 : vector<16xf32>
      %mul3A_476 = arith.mulf %add3A_475, %add3A_475 : vector<16xf32>
      %add3A_477 = arith.addf %broadcast_in_dim3A_462, %mul3A_476 : vector<16xf32>
      %get3A_478 = arith.index_cast %add3A_460 : i32 to index
      %get3A_479 = arith.constant 16 : index
      %get3A_480 = tpu.vector_load %arg9[%get3A_478, %get3A_479] {strides = array<i32>} : memref<128x128xf32, #tpu.memory_space<vmem>>, vector<16xf32>,
      %get3A_481 = arith.index_cast %add3A_460 : i32 to index
      %get3A_482 = arith.constant 16 : index
      %get3A_483 = tpu.vector_load %arg8[%get3A_481, %get3A_482] {strides = array<i32>} : memref<128x128xf32, #tpu.memory_space<vmem>>, vector<16xf32>,
      %mul3A_484 = arith.constant 1.000000e-01 : f32
      %mul3A_485 = vector.broadcast %mul3A_484 : f32 to vector<16xf32>
      %mul3A_486 = arith.mulf %mul3A_485, %get3A_480 : vector<16xf32>
      %mul3A_487 = arith.constant 0.899999976 : f32
      %mul3A_488 = vector.broadcast %mul3A_487 : f32 to vector<16xf32>
      %mul3A_489 = arith.mulf %mul3A_488, %get3A_483 : vector<16xf32>
      %add3A_490 = arith.addf %mul3A_486, %mul3A_489 : vector<16xf32>
      %mul3A_491 = arith.mulf %add3A_490, %add3A_490 : vector<16xf32>
      %add3A_492 = arith.addf %add3A_477, %mul3A_491 : vector<16xf32>
      %get3A_493 = arith.index_cast %add3A_460 : i32 to index
      %get3A_494 = arith.constant 32 : index
      %get3A_495 = tpu.vector_load %arg9[%get3A_493, %get3A_494] {strides = array<i32>} : memref<128x128xf32, #tpu.memory_space<vmem>>, vector<16xf32>,
      %get3A_496 = arith.index_cast %add3A_460 : i32 to index
      %get3A_497 = arith.constant 32 : index
      %get3A_498 = tpu.vector_load %arg8[%get3A_496, %get3A_497] {strides = array<i32>} : memref<128x128xf32, #tpu.memory_space<vmem>>, vector<16xf32>,
      %mul3A_499 = arith.constant 1.000000e-01 : f32
      %mul3A_500 = vector.broadcast %mul3A_499 : f32 to vector<16xf32>
      %mul3A_501 = arith.mulf %mul3A_500, %get3A_495 : vector<16xf32>
      %mul3A_502 = arith.constant 0.899999976 : f32
      %mul3A_503 = vector.broadcast %mul3A_502 : f32 to vector<16xf32>
      %mul3A_504 = arith.mulf %mul3A_503, %get3A_498 : vector<16xf32>
      %add3A_505 = arith.addf %mul3A_501, %mul3A_504 : vector<16xf32>
      %mul3A_506 = arith.mulf %add3A_505, %add3A_505 : vector<16xf32>
      %add3A_507 = arith.addf %add3A_492, %mul3A_506 : vector<16xf32>
      %get3A_508 = arith.index_cast %add3A_460 : i32 to index
      %get3A_509 = arith.constant 48 : index
      %get3A_510 = tpu.vector_load %arg9[%get3A_508, %get3A_509] {strides = array<i32>} : memref<128x128xf32, #tpu.memory_space<vmem>>, vector<16xf32>,
      %get3A_511 = arith.index_cast %add3A_460 : i32 to index
      %get3A_512 = arith.constant 48 : index
      %get3A_513 = tpu.vector_load %arg8[%get3A_511, %get3A_512] {strides = array<i32>} : memref<128x128xf32, #tpu.memory_space<vmem>>, vector<16xf32>,
      %mul3A_514 = arith.constant 1.000000e-01 : f32
      %mul3A_515 = vector.broadcast %mul3A_514 : f32 to vector<16xf32>
      %mul3A_516 = arith.mulf %mul3A_515, %get3A_510 : vector<16xf32>
      %mul3A_517 = arith.constant 0.899999976 : f32
      %mul3A_518 = vector.broadcast %mul3A_517 : f32 to vector<16xf32>
      %mul3A_519 = arith.mulf %mul3A_518, %get3A_513 : vector<16xf32>
      %add3A_520 = arith.addf %mul3A_516, %mul3A_519 : vector<16xf32>
      %mul3A_521 = arith.mulf %add3A_520, %add3A_520 : vector<16xf32>
      %add3A_522 = arith.addf %add3A_507, %mul3A_521 : vector<16xf32>
      %get3A_523 = arith.index_cast %add3A_460 : i32 to index
      %get3A_524 = arith.constant 64 : index
      %get3A_525 = tpu.vector_load %arg9[%get3A_523, %get3A_524] {strides = array<i32>} : memref<128x128xf32, #tpu.memory_space<vmem>>, vector<16xf32>,
      %get3A_526 = arith.index_cast %add3A_460 : i32 to index
      %get3A_527 = arith.constant 64 : index
      %get3A_528 = tpu.vector_load %arg8[%get3A_526, %get3A_527] {strides = array<i32>} : memref<128x128xf32, #tpu.memory_space<vmem>>, vector<16xf32>,
      %mul3A_529 = arith.constant 1.000000e-01 : f32
      %mul3A_530 = vector.broadcast %mul3A_529 : f32 to vector<16xf32>
      %mul3A_531 = arith.mulf %mul3A_530, %get3A_525 : vector<16xf32>
      %mul3A_532 = arith.constant 0.899999976 : f32
      %mul3A_533 = vector.broadcast %mul3A_532 : f32 to vector<16xf32>
      %mul3A_534 = arith.mulf %mul3A_533, %get3A_528 : vector<16xf32>
      %add3A_535 = arith.addf %mul3A_531, %mul3A_534 : vector<16xf32>
      %mul3A_536 = arith.mulf %add3A_535, %add3A_535 : vector<16xf32>
      %add3A_537 = arith.addf %add3A_522, %mul3A_536 : vector<16xf32>
      %get3A_538 = arith.index_cast %add3A_460 : i32 to index
      %get3A_539 = arith.constant 80 : index
      %get3A_540 = tpu.vector_load %arg9[%get3A_538, %get3A_539] {strides = array<i32>} : memref<128x128xf32, #tpu.memory_space<vmem>>, vector<16xf32>,
      %get3A_541 = arith.index_cast %add3A_460 : i32 to index
      %get3A_542 = arith.constant 80 : index
      %get3A_543 = tpu.vector_load %arg8[%get3A_541, %get3A_542] {strides = array<i32>} : memref<128x128xf32, #tpu.memory_space<vmem>>, vector<16xf32>,
      %mul3A_544 = arith.constant 1.000000e-01 : f32
      %mul3A_545 = vector.broadcast %mul3A_544 : f32 to vector<16xf32>
      %mul3A_546 = arith.mulf %mul3A_545, %get3A_540 : vector<16xf32>
      %mul3A_547 = arith.constant 0.899999976 : f32
      %mul3A_548 = vector.broadcast %mul3A_547 : f32 to vector<16xf32>
      %mul3A_549 = arith.mulf %mul3A_548, %get3A_543 : vector<16xf32>
      %add3A_550 = arith.addf %mul3A_546, %mul3A_549 : vector<16xf32>
      %mul3A_551 = arith.mulf %add3A_550, %add3A_550 : vector<16xf32>
      %add3A_552 = arith.addf %add3A_537, %mul3A_551 : vector<16xf32>
      %get3A_553 = arith.index_cast %add3A_460 : i32 to index
      %get3A_554 = arith.constant 96 : index
      %get3A_555 = tpu.vector_load %arg9[%get3A_553, %get3A_554] {strides = array<i32>} : memref<128x128xf32, #tpu.memory_space<vmem>>, vector<16xf32>,
      %get3A_556 = arith.index_cast %add3A_460 : i32 to index
      %get3A_557 = arith.constant 96 : index
      %get3A_558 = tpu.vector_load %arg8[%get3A_556, %get3A_557] {strides = array<i32>} : memref<128x128xf32, #tpu.memory_space<vmem>>, vector<16xf32>,
      %mul3A_559 = arith.constant 1.000000e-01 : f32
      %mul3A_560 = vector.broadcast %mul3A_559 : f32 to vector<16xf32>
      %mul3A_561 = arith.mulf %mul3A_560, %get3A_555 : vector<16xf32>
      %mul3A_562 = arith.constant 0.899999976 : f32
      %mul3A_563 = vector.broadcast %mul3A_562 : f32 to vector<16xf32>
      %mul3A_564 = arith.mulf %mul3A_563, %get3A_558 : vector<16xf32>
      %add3A_565 = arith.addf %mul3A_561, %mul3A_564 : vector<16xf32>
      %mul3A_566 = arith.mulf %add3A_565, %add3A_565 : vector<16xf32>
      %add3A_567 = arith.addf %add3A_552, %mul3A_566 : vector<16xf32>
      %get3A_568 = arith.index_cast %add3A_460 : i32 to index
      %get3A_569 = arith.constant 112 : index
      %get3A_570 = tpu.vector_load %arg9[%get3A_568, %get3A_569] {strides = array<i32>} : memref<128x128xf32, #tpu.memory_space<vmem>>, vector<16xf32>,
      %get3A_571 = arith.index_cast %add3A_460 : i32 to index
      %get3A_572 = arith.constant 112 : index
      %get3A_573 = tpu.vector_load %arg8[%get3A_571, %get3A_572] {strides = array<i32>} : memref<128x128xf32, #tpu.memory_space<vmem>>, vector<16xf32>,
      %mul3A_574 = arith.constant 1.000000e-01 : f32
      %mul3A_575 = vector.broadcast %mul3A_574 : f32 to vector<16xf32>
      %mul3A_576 = arith.mulf %mul3A_575, %get3A_570 : vector<16xf32>
      %mul3A_577 = arith.constant 0.899999976 : f32
      %mul3A_578 = vector.broadcast %mul3A_577 : f32 to vector<16xf32>
      %mul3A_579 = arith.mulf %mul3A_578, %get3A_573 : vector<16xf32>
      %add3A_580 = arith.addf %mul3A_576, %mul3A_579 : vector<16xf32>
      %mul3A_581 = arith.mulf %add3A_580, %add3A_580 : vector<16xf32>
      %add3A_582 = arith.addf %add3A_567, %mul3A_581 : vector<16xf32>
      %reduce_sum3A_583 = arith.constant true
      %reduce_sum3A_584 = vector.broadcast %reduce_sum3A_583 : i1 to vector<16xi1>
      %reduce_sum3A_585 = tpu.scan <sum>, %add3A_582 masked %reduce_sum3A_584 : vector<16xf32>, vector<16xi1> -> vector<16xf32>
      %reduce_sum3A_586 = vector.extract %reduce_sum3A_585[15] : f32 from vector<16xf32>
      %broadcast_in_dim3A_587 = vector.broadcast %reduce_sum3A_586 : f32 to vector<16xf32>
      %bitcast3A_588 = vector.bitcast %broadcast_in_dim3A_587 : vector<16xf32> to vector<16xi32>
      %shift_right_arithmetic3A_589 = arith.constant 1 : i32
      %shift_right_arithmetic3A_590 = vector.broadcast %shift_right_arithmetic3A_589 : i32 to vector<16xi32>
      %shift_right_arithmetic3A_591 = arith.shrsi %bitcast3A_588, %shift_right_arithmetic3A_590 : vector<16xi32>
      %sub3A_592 = arith.constant 1597463007 : i32
      %sub3A_593 = vector.broadcast %sub3A_592 : i32 to vector<16xi32>
      %sub3A_594 = arith.subi %sub3A_593, %shift_right_arithmetic3A_591 : vector<16xi32>
      %bitcast3A_595 = vector.bitcast %sub3A_594 : vector<16xi32> to vector<16xf32>
      %mul3A_596 = arith.constant 5.000000e-01 : f32
      %mul3A_597 = vector.broadcast %mul3A_596 : f32 to vector<16xf32>
      %mul3A_598 = arith.mulf %mul3A_597, %broadcast_in_dim3A_587 : vector<16xf32>
      %mul3A_599 = arith.mulf %mul3A_598, %bitcast3A_595 : vector<16xf32>
      %mul3A_600 = arith.mulf %mul3A_599, %bitcast3A_595 : vector<16xf32>
      %sub3A_601 = arith.constant 1.500000e+00 : f32
      %sub3A_602 = vector.broadcast %sub3A_601 : f32 to vector<16xf32>
      %sub3A_603 = arith.subf %sub3A_602, %mul3A_600 : vector<16xf32>
      %mul3A_604 = arith.mulf %bitcast3A_595, %sub3A_603 : vector<16xf32>
      %mul3A_605 = arith.constant 5.000000e-01 : f32
      %mul3A_606 = vector.broadcast %mul3A_605 : f32 to vector<16xf32>
      %mul3A_607 = arith.mulf %mul3A_606, %broadcast_in_dim3A_587 : vector<16xf32>
      %mul3A_608 = arith.mulf %mul3A_607, %mul3A_604 : vector<16xf32>
      %mul3A_609 = arith.mulf %mul3A_608, %mul3A_604 : vector<16xf32>
      %sub3A_610 = arith.constant 1.500000e+00 : f32
      %sub3A_611 = vector.broadcast %sub3A_610 : f32 to vector<16xf32>
      %sub3A_612 = arith.subf %sub3A_611, %mul3A_609 : vector<16xf32>
      %mul3A_613 = arith.mulf %mul3A_604, %sub3A_612 : vector<16xf32>
      %mul3A_614 = arith.constant 5.000000e-01 : f32
      %mul3A_615 = vector.broadcast %mul3A_614 : f32 to vector<16xf32>
      %mul3A_616 = arith.mulf %mul3A_615, %broadcast_in_dim3A_587 : vector<16xf32>
      %mul3A_617 = arith.mulf %mul3A_616, %mul3A_613 : vector<16xf32>
      %mul3A_618 = arith.mulf %mul3A_617, %mul3A_613 : vector<16xf32>
      %sub3A_619 = arith.constant 1.500000e+00 : f32
      %sub3A_620 = vector.broadcast %sub3A_619 : f32 to vector<16xf32>
      %sub3A_621 = arith.subf %sub3A_620, %mul3A_618 : vector<16xf32>
      %mul3A_622 = arith.mulf %mul3A_613, %sub3A_621 : vector<16xf32>
      %mul3A_623 = arith.mulf %add3A_475, %mul3A_622 : vector<16xf32>
      %swap3A_624 = arith.index_cast %add3A_460 : i32 to index
      %swap3A_625 = arith.constant 0 : index
      %swap3A_626 = tpu.vector_load %arg9[%swap3A_624, %swap3A_625] {strides = array<i32>} : memref<128x128xf32, #tpu.memory_space<vmem>>, vector<16xf32>,
      tpu.vector_store %arg9[%swap3A_624, %swap3A_625], %mul3A_623 {strides = array<i32>} : memref<128x128xf32, #tpu.memory_space<vmem>>, vector<16xf32>,
      %mul3A_627 = arith.mulf %add3A_490, %mul3A_622 : vector<16xf32>
      %swap3A_628 = arith.index_cast %add3A_460 : i32 to index
      %swap3A_629 = arith.constant 16 : index
      %swap3A_630 = tpu.vector_load %arg9[%swap3A_628, %swap3A_629] {strides = array<i32>} : memref<128x128xf32, #tpu.memory_space<vmem>>, vector<16xf32>,
      tpu.vector_store %arg9[%swap3A_628, %swap3A_629], %mul3A_627 {strides = array<i32>} : memref<128x128xf32, #tpu.memory_space<vmem>>, vector<16xf32>,
      %mul3A_631 = arith.mulf %add3A_505, %mul3A_622 : vector<16xf32>
      %swap3A_632 = arith.index_cast %add3A_460 : i32 to index
      %swap3A_633 = arith.constant 32 : index
      %swap3A_634 = tpu.vector_load %arg9[%swap3A_632, %swap3A_633] {strides = array<i32>} : memref<128x128xf32, #tpu.memory_space<vmem>>, vector<16xf32>,
      tpu.vector_store %arg9[%swap3A_632, %swap3A_633], %mul3A_631 {strides = array<i32>} : memref<128x128xf32, #tpu.memory_space<vmem>>, vector<16xf32>,
      %mul3A_635 = arith.mulf %add3A_520, %mul3A_622 : vector<16xf32>
      %swap3A_636 = arith.index_cast %add3A_460 : i32 to index
      %swap3A_637 = arith.constant 48 : index
      %swap3A_638 = tpu.vector_load %arg9[%swap3A_636, %swap3A_637] {strides = array<i32>} : memref<128x128xf32, #tpu.memory_space<vmem>>, vector<16xf32>,
      tpu.vector_store %arg9[%swap3A_636, %swap3A_637], %mul3A_635 {strides = array<i32>} : memref<128x128xf32, #tpu.memory_space<vmem>>, vector<16xf32>,
      %mul3A_639 = arith.mulf %add3A_535, %mul3A_622 : vector<16xf32>
      %swap3A_640 = arith.index_cast %add3A_460 : i32 to index
      %swap3A_641 = arith.constant 64 : index
      %swap3A_642 = tpu.vector_load %arg9[%swap3A_640, %swap3A_641] {strides = array<i32>} : memref<128x128xf32, #tpu.memory_space<vmem>>, vector<16xf32>,
      tpu.vector_store %arg9[%swap3A_640, %swap3A_641], %mul3A_639 {strides = array<i32>} : memref<128x128xf32, #tpu.memory_space<vmem>>, vector<16xf32>,
      %mul3A_643 = arith.mulf %add3A_550, %mul3A_622 : vector<16xf32>
      %swap3A_644 = arith.index_cast %add3A_460 : i32 to index
      %swap3A_645 = arith.constant 80 : index
      %swap3A_646 = tpu.vector_load %arg9[%swap3A_644, %swap3A_645] {strides = array<i32>} : memref<128x128xf32, #tpu.memory_space<vmem>>, vector<16xf32>,
      tpu.vector_store %arg9[%swap3A_644, %swap3A_645], %mul3A_643 {strides = array<i32>} : memref<128x128xf32, #tpu.memory_space<vmem>>, vector<16xf32>,
      %mul3A_647 = arith.mulf %add3A_565, %mul3A_622 : vector<16xf32>
      %swap3A_648 = arith.index_cast %add3A_460 : i32 to index
      %swap3A_649 = arith.constant 96 : index
      %swap3A_650 = tpu.vector_load %arg9[%swap3A_648, %swap3A_649] {strides = array<i32>} : memref<128x128xf32, #tpu.memory_space<vmem>>, vector<16xf32>,
      tpu.vector_store %arg9[%swap3A_648, %swap3A_649], %mul3A_647 {strides = array<i32>} : memref<128x128xf32, #tpu.memory_space<vmem>>, vector<16xf32>,
      %mul3A_651 = arith.mulf %add3A_580, %mul3A_622 : vector<16xf32>
      %swap3A_652 = arith.index_cast %add3A_460 : i32 to index
      %swap3A_653 = arith.constant 112 : index
      %swap3A_654 = tpu.vector_load %arg9[%swap3A_652, %swap3A_653] {strides = array<i32>} : memref<128x128xf32, #tpu.memory_space<vmem>>, vector<16xf32>,
      tpu.vector_store %arg9[%swap3A_652, %swap3A_653], %mul3A_651 {strides = array<i32>} : memref<128x128xf32, #tpu.memory_space<vmem>>, vector<16xf32>,
      %mul3A_655 = arith.constant 4 : i32
      %mul3A_656 = arith.muli %scan3A_60, %mul3A_655 : i32
      %add3A_657 = arith.constant 64 : i32
      %add3A_658 = arith.addi %add3A_657, %mul3A_656 : i32
      %add3A_659 = arith.constant 3 : i32
      %add3A_660 = arith.addi %add3A_658, %add3A_659 : i32
      %broadcast_in_dim3A_661 = arith.constant 0.000000e+00 : f32
      %broadcast_in_dim3A_662 = vector.broadcast %broadcast_in_dim3A_661 : f32 to vector<16xf32>
      %get3A_663 = arith.index_cast %add3A_660 : i32 to index
      %get3A_664 = arith.constant 0 : index
      %get3A_665 = tpu.vector_load %arg9[%get3A_663, %get3A_664] {strides = array<i32>} : memref<128x128xf32, #tpu.memory_space<vmem>>, vector<16xf32>,
      %get3A_666 = arith.index_cast %add3A_660 : i32 to index
      %get3A_667 = arith.constant 0 : index
      %get3A_668 = tpu.vector_load %arg8[%get3A_666, %get3A_667] {strides = array<i32>} : memref<128x128xf32, #tpu.memory_space<vmem>>, vector<16xf32>,
      %mul3A_669 = arith.constant 1.000000e-01 : f32
      %mul3A_670 = vector.broadcast %mul3A_669 : f32 to vector<16xf32>
      %mul3A_671 = arith.mulf %mul3A_670, %get3A_665 : vector<16xf32>
      %mul3A_672 = arith.constant 0.899999976 : f32
      %mul3A_673 = vector.broadcast %mul3A_672 : f32 to vector<16xf32>
      %mul3A_674 = arith.mulf %mul3A_673, %get3A_668 : vector<16xf32>
      %add3A_675 = arith.addf %mul3A_671, %mul3A_674 : vector<16xf32>
      %mul3A_676 = arith.mulf %add3A_675, %add3A_675 : vector<16xf32>
      %add3A_677 = arith.addf %broadcast_in_dim3A_662, %mul3A_676 : vector<16xf32>
      %get3A_678 = arith.index_cast %add3A_660 : i32 to index
      %get3A_679 = arith.constant 16 : index
      %get3A_680 = tpu.vector_load %arg9[%get3A_678, %get3A_679] {strides = array<i32>} : memref<128x128xf32, #tpu.memory_space<vmem>>, vector<16xf32>,
      %get3A_681 = arith.index_cast %add3A_660 : i32 to index
      %get3A_682 = arith.constant 16 : index
      %get3A_683 = tpu.vector_load %arg8[%get3A_681, %get3A_682] {strides = array<i32>} : memref<128x128xf32, #tpu.memory_space<vmem>>, vector<16xf32>,
      %mul3A_684 = arith.constant 1.000000e-01 : f32
      %mul3A_685 = vector.broadcast %mul3A_684 : f32 to vector<16xf32>
      %mul3A_686 = arith.mulf %mul3A_685, %get3A_680 : vector<16xf32>
      %mul3A_687 = arith.constant 0.899999976 : f32
      %mul3A_688 = vector.broadcast %mul3A_687 : f32 to vector<16xf32>
      %mul3A_689 = arith.mulf %mul3A_688, %get3A_683 : vector<16xf32>
      %add3A_690 = arith.addf %mul3A_686, %mul3A_689 : vector<16xf32>
      %mul3A_691 = arith.mulf %add3A_690, %add3A_690 : vector<16xf32>
      %add3A_692 = arith.addf %add3A_677, %mul3A_691 : vector<16xf32>
      %get3A_693 = arith.index_cast %add3A_660 : i32 to index
      %get3A_694 = arith.constant 32 : index
      %get3A_695 = tpu.vector_load %arg9[%get3A_693, %get3A_694] {strides = array<i32>} : memref<128x128xf32, #tpu.memory_space<vmem>>, vector<16xf32>,
      %get3A_696 = arith.index_cast %add3A_660 : i32 to index
      %get3A_697 = arith.constant 32 : index
      %get3A_698 = tpu.vector_load %arg8[%get3A_696, %get3A_697] {strides = array<i32>} : memref<128x128xf32, #tpu.memory_space<vmem>>, vector<16xf32>,
      %mul3A_699 = arith.constant 1.000000e-01 : f32
      %mul3A_700 = vector.broadcast %mul3A_699 : f32 to vector<16xf32>
      %mul3A_701 = arith.mulf %mul3A_700, %get3A_695 : vector<16xf32>
      %mul3A_702 = arith.constant 0.899999976 : f32
      %mul3A_703 = vector.broadcast %mul3A_702 : f32 to vector<16xf32>
      %mul3A_704 = arith.mulf %mul3A_703, %get3A_698 : vector<16xf32>
      %add3A_705 = arith.addf %mul3A_701, %mul3A_704 : vector<16xf32>
      %mul3A_706 = arith.mulf %add3A_705, %add3A_705 : vector<16xf32>
      %add3A_707 = arith.addf %add3A_692, %mul3A_706 : vector<16xf32>
      %get3A_708 = arith.index_cast %add3A_660 : i32 to index
      %get3A_709 = arith.constant 48 : index
      %get3A_710 = tpu.vector_load %arg9[%get3A_708, %get3A_709] {strides = array<i32>} : memref<128x128xf32, #tpu.memory_space<vmem>>, vector<16xf32>,
      %get3A_711 = arith.index_cast %add3A_660 : i32 to index
      %get3A_712 = arith.constant 48 : index
      %get3A_713 = tpu.vector_load %arg8[%get3A_711, %get3A_712] {strides = array<i32>} : memref<128x128xf32, #tpu.memory_space<vmem>>, vector<16xf32>,
      %mul3A_714 = arith.constant 1.000000e-01 : f32
      %mul3A_715 = vector.broadcast %mul3A_714 : f32 to vector<16xf32>
      %mul3A_716 = arith.mulf %mul3A_715, %get3A_710 : vector<16xf32>
      %mul3A_717 = arith.constant 0.899999976 : f32
      %mul3A_718 = vector.broadcast %mul3A_717 : f32 to vector<16xf32>
      %mul3A_719 = arith.mulf %mul3A_718, %get3A_713 : vector<16xf32>
      %add3A_720 = arith.addf %mul3A_716, %mul3A_719 : vector<16xf32>
      %mul3A_721 = arith.mulf %add3A_720, %add3A_720 : vector<16xf32>
      %add3A_722 = arith.addf %add3A_707, %mul3A_721 : vector<16xf32>
      %get3A_723 = arith.index_cast %add3A_660 : i32 to index
      %get3A_724 = arith.constant 64 : index
      %get3A_725 = tpu.vector_load %arg9[%get3A_723, %get3A_724] {strides = array<i32>} : memref<128x128xf32, #tpu.memory_space<vmem>>, vector<16xf32>,
      %get3A_726 = arith.index_cast %add3A_660 : i32 to index
      %get3A_727 = arith.constant 64 : index
      %get3A_728 = tpu.vector_load %arg8[%get3A_726, %get3A_727] {strides = array<i32>} : memref<128x128xf32, #tpu.memory_space<vmem>>, vector<16xf32>,
      %mul3A_729 = arith.constant 1.000000e-01 : f32
      %mul3A_730 = vector.broadcast %mul3A_729 : f32 to vector<16xf32>
      %mul3A_731 = arith.mulf %mul3A_730, %get3A_725 : vector<16xf32>
      %mul3A_732 = arith.constant 0.899999976 : f32
      %mul3A_733 = vector.broadcast %mul3A_732 : f32 to vector<16xf32>
      %mul3A_734 = arith.mulf %mul3A_733, %get3A_728 : vector<16xf32>
      %add3A_735 = arith.addf %mul3A_731, %mul3A_734 : vector<16xf32>
      %mul3A_736 = arith.mulf %add3A_735, %add3A_735 : vector<16xf32>
      %add3A_737 = arith.addf %add3A_722, %mul3A_736 : vector<16xf32>
      %get3A_738 = arith.index_cast %add3A_660 : i32 to index
      %get3A_739 = arith.constant 80 : index
      %get3A_740 = tpu.vector_load %arg9[%get3A_738, %get3A_739] {strides = array<i32>} : memref<128x128xf32, #tpu.memory_space<vmem>>, vector<16xf32>,
      %get3A_741 = arith.index_cast %add3A_660 : i32 to index
      %get3A_742 = arith.constant 80 : index
      %get3A_743 = tpu.vector_load %arg8[%get3A_741, %get3A_742] {strides = array<i32>} : memref<128x128xf32, #tpu.memory_space<vmem>>, vector<16xf32>,
      %mul3A_744 = arith.constant 1.000000e-01 : f32
      %mul3A_745 = vector.broadcast %mul3A_744 : f32 to vector<16xf32>
      %mul3A_746 = arith.mulf %mul3A_745, %get3A_740 : vector<16xf32>
      %mul3A_747 = arith.constant 0.899999976 : f32
      %mul3A_748 = vector.broadcast %mul3A_747 : f32 to vector<16xf32>
      %mul3A_749 = arith.mulf %mul3A_748, %get3A_743 : vector<16xf32>
      %add3A_750 = arith.addf %mul3A_746, %mul3A_749 : vector<16xf32>
      %mul3A_751 = arith.mulf %add3A_750, %add3A_750 : vector<16xf32>
      %add3A_752 = arith.addf %add3A_737, %mul3A_751 : vector<16xf32>
      %get3A_753 = arith.index_cast %add3A_660 : i32 to index
      %get3A_754 = arith.constant 96 : index
      %get3A_755 = tpu.vector_load %arg9[%get3A_753, %get3A_754] {strides = array<i32>} : memref<128x128xf32, #tpu.memory_space<vmem>>, vector<16xf32>,
      %get3A_756 = arith.index_cast %add3A_660 : i32 to index
      %get3A_757 = arith.constant 96 : index
      %get3A_758 = tpu.vector_load %arg8[%get3A_756, %get3A_757] {strides = array<i32>} : memref<128x128xf32, #tpu.memory_space<vmem>>, vector<16xf32>,
      %mul3A_759 = arith.constant 1.000000e-01 : f32
      %mul3A_760 = vector.broadcast %mul3A_759 : f32 to vector<16xf32>
      %mul3A_761 = arith.mulf %mul3A_760, %get3A_755 : vector<16xf32>
      %mul3A_762 = arith.constant 0.899999976 : f32
      %mul3A_763 = vector.broadcast %mul3A_762 : f32 to vector<16xf32>
      %mul3A_764 = arith.mulf %mul3A_763, %get3A_758 : vector<16xf32>
      %add3A_765 = arith.addf %mul3A_761, %mul3A_764 : vector<16xf32>
      %mul3A_766 = arith.mulf %add3A_765, %add3A_765 : vector<16xf32>
      %add3A_767 = arith.addf %add3A_752, %mul3A_766 : vector<16xf32>
      %get3A_768 = arith.index_cast %add3A_660 : i32 to index
      %get3A_769 = arith.constant 112 : index
      %get3A_770 = tpu.vector_load %arg9[%get3A_768, %get3A_769] {strides = array<i32>} : memref<128x128xf32, #tpu.memory_space<vmem>>, vector<16xf32>,
      %get3A_771 = arith.index_cast %add3A_660 : i32 to index
      %get3A_772 = arith.constant 112 : index
      %get3A_773 = tpu.vector_load %arg8[%get3A_771, %get3A_772] {strides = array<i32>} : memref<128x128xf32, #tpu.memory_space<vmem>>, vector<16xf32>,
      %mul3A_774 = arith.constant 1.000000e-01 : f32
      %mul3A_775 = vector.broadcast %mul3A_774 : f32 to vector<16xf32>
      %mul3A_776 = arith.mulf %mul3A_775, %get3A_770 : vector<16xf32>
      %mul3A_777 = arith.constant 0.899999976 : f32
      %mul3A_778 = vector.broadcast %mul3A_777 : f32 to vector<16xf32>
      %mul3A_779 = arith.mulf %mul3A_778, %get3A_773 : vector<16xf32>
      %add3A_780 = arith.addf %mul3A_776, %mul3A_779 : vector<16xf32>
      %mul3A_781 = arith.mulf %add3A_780, %add3A_780 : vector<16xf32>
      %add3A_782 = arith.addf %add3A_767, %mul3A_781 : vector<16xf32>
      %reduce_sum3A_783 = arith.constant true
      %reduce_sum3A_784 = vector.broadcast %reduce_sum3A_783 : i1 to vector<16xi1>
      %reduce_sum3A_785 = tpu.scan <sum>, %add3A_782 masked %reduce_sum3A_784 : vector<16xf32>, vector<16xi1> -> vector<16xf32>
      %reduce_sum3A_786 = vector.extract %reduce_sum3A_785[15] : f32 from vector<16xf32>
      %broadcast_in_dim3A_787 = vector.broadcast %reduce_sum3A_786 : f32 to vector<16xf32>
      %bitcast3A_788 = vector.bitcast %broadcast_in_dim3A_787 : vector<16xf32> to vector<16xi32>
      %shift_right_arithmetic3A_789 = arith.constant 1 : i32
      %shift_right_arithmetic3A_790 = vector.broadcast %shift_right_arithmetic3A_789 : i32 to vector<16xi32>
      %shift_right_arithmetic3A_791 = arith.shrsi %bitcast3A_788, %shift_right_arithmetic3A_790 : vector<16xi32>
      %sub3A_792 = arith.constant 1597463007 : i32
      %sub3A_793 = vector.broadcast %sub3A_792 : i32 to vector<16xi32>
      %sub3A_794 = arith.subi %sub3A_793, %shift_right_arithmetic3A_791 : vector<16xi32>
      %bitcast3A_795 = vector.bitcast %sub3A_794 : vector<16xi32> to vector<16xf32>
      %mul3A_796 = arith.constant 5.000000e-01 : f32
      %mul3A_797 = vector.broadcast %mul3A_796 : f32 to vector<16xf32>
      %mul3A_798 = arith.mulf %mul3A_797, %broadcast_in_dim3A_787 : vector<16xf32>
      %mul3A_799 = arith.mulf %mul3A_798, %bitcast3A_795 : vector<16xf32>
      %mul3A_800 = arith.mulf %mul3A_799, %bitcast3A_795 : vector<16xf32>
      %sub3A_801 = arith.constant 1.500000e+00 : f32
      %sub3A_802 = vector.broadcast %sub3A_801 : f32 to vector<16xf32>
      %sub3A_803 = arith.subf %sub3A_802, %mul3A_800 : vector<16xf32>
      %mul3A_804 = arith.mulf %bitcast3A_795, %sub3A_803 : vector<16xf32>
      %mul3A_805 = arith.constant 5.000000e-01 : f32
      %mul3A_806 = vector.broadcast %mul3A_805 : f32 to vector<16xf32>
      %mul3A_807 = arith.mulf %mul3A_806, %broadcast_in_dim3A_787 : vector<16xf32>
      %mul3A_808 = arith.mulf %mul3A_807, %mul3A_804 : vector<16xf32>
      %mul3A_809 = arith.mulf %mul3A_808, %mul3A_804 : vector<16xf32>
      %sub3A_810 = arith.constant 1.500000e+00 : f32
      %sub3A_811 = vector.broadcast %sub3A_810 : f32 to vector<16xf32>
      %sub3A_812 = arith.subf %sub3A_811, %mul3A_809 : vector<16xf32>
      %mul3A_813 = arith.mulf %mul3A_804, %sub3A_812 : vector<16xf32>
      %mul3A_814 = arith.constant 5.000000e-01 : f32
      %mul3A_815 = vector.broadcast %mul3A_814 : f32 to vector<16xf32>
      %mul3A_816 = arith.mulf %mul3A_815, %broadcast_in_dim3A_787 : vector<16xf32>
      %mul3A_817 = arith.mulf %mul3A_816, %mul3A_813 : vector<16xf32>
      %mul3A_818 = arith.mulf %mul3A_817, %mul3A_813 : vector<16xf32>
      %sub3A_819 = arith.constant 1.500000e+00 : f32
      %sub3A_820 = vector.broadcast %sub3A_819 : f32 to vector<16xf32>
      %sub3A_821 = arith.subf %sub3A_820, %mul3A_818 : vector<16xf32>
      %mul3A_822 = arith.mulf %mul3A_813, %sub3A_821 : vector<16xf32>
      %mul3A_823 = arith.mulf %add3A_675, %mul3A_822 : vector<16xf32>
      %swap3A_824 = arith.index_cast %add3A_660 : i32 to index
      %swap3A_825 = arith.constant 0 : index
      %swap3A_826 = tpu.vector_load %arg9[%swap3A_824, %swap3A_825] {strides = array<i32>} : memref<128x128xf32, #tpu.memory_space<vmem>>, vector<16xf32>,
      tpu.vector_store %arg9[%swap3A_824, %swap3A_825], %mul3A_823 {strides = array<i32>} : memref<128x128xf32, #tpu.memory_space<vmem>>, vector<16xf32>,
      %mul3A_827 = arith.mulf %add3A_690, %mul3A_822 : vector<16xf32>
      %swap3A_828 = arith.index_cast %add3A_660 : i32 to index
      %swap3A_829 = arith.constant 16 : index
      %swap3A_830 = tpu.vector_load %arg9[%swap3A_828, %swap3A_829] {strides = array<i32>} : memref<128x128xf32, #tpu.memory_space<vmem>>, vector<16xf32>,
      tpu.vector_store %arg9[%swap3A_828, %swap3A_829], %mul3A_827 {strides = array<i32>} : memref<128x128xf32, #tpu.memory_space<vmem>>, vector<16xf32>,
      %mul3A_831 = arith.mulf %add3A_705, %mul3A_822 : vector<16xf32>
      %swap3A_832 = arith.index_cast %add3A_660 : i32 to index
      %swap3A_833 = arith.constant 32 : index
      %swap3A_834 = tpu.vector_load %arg9[%swap3A_832, %swap3A_833] {strides = array<i32>} : memref<128x128xf32, #tpu.memory_space<vmem>>, vector<16xf32>,
      tpu.vector_store %arg9[%swap3A_832, %swap3A_833], %mul3A_831 {strides = array<i32>} : memref<128x128xf32, #tpu.memory_space<vmem>>, vector<16xf32>,
      %mul3A_835 = arith.mulf %add3A_720, %mul3A_822 : vector<16xf32>
      %swap3A_836 = arith.index_cast %add3A_660 : i32 to index
      %swap3A_837 = arith.constant 48 : index
      %swap3A_838 = tpu.vector_load %arg9[%swap3A_836, %swap3A_837] {strides = array<i32>} : memref<128x128xf32, #tpu.memory_space<vmem>>, vector<16xf32>,
      tpu.vector_store %arg9[%swap3A_836, %swap3A_837], %mul3A_835 {strides = array<i32>} : memref<128x128xf32, #tpu.memory_space<vmem>>, vector<16xf32>,
      %mul3A_839 = arith.mulf %add3A_735, %mul3A_822 : vector<16xf32>
      %swap3A_840 = arith.index_cast %add3A_660 : i32 to index
      %swap3A_841 = arith.constant 64 : index
      %swap3A_842 = tpu.vector_load %arg9[%swap3A_840, %swap3A_841] {strides = array<i32>} : memref<128x128xf32, #tpu.memory_space<vmem>>, vector<16xf32>,
      tpu.vector_store %arg9[%swap3A_840, %swap3A_841], %mul3A_839 {strides = array<i32>} : memref<128x128xf32, #tpu.memory_space<vmem>>, vector<16xf32>,
      %mul3A_843 = arith.mulf %add3A_750, %mul3A_822 : vector<16xf32>
      %swap3A_844 = arith.index_cast %add3A_660 : i32 to index
      %swap3A_845 = arith.constant 80 : index
      %swap3A_846 = tpu.vector_load %arg9[%swap3A_844, %swap3A_845] {strides = array<i32>} : memref<128x128xf32, #tpu.memory_space<vmem>>, vector<16xf32>,
      tpu.vector_store %arg9[%swap3A_844, %swap3A_845], %mul3A_843 {strides = array<i32>} : memref<128x128xf32, #tpu.memory_space<vmem>>, vector<16xf32>,
      %mul3A_847 = arith.mulf %add3A_765, %mul3A_822 : vector<16xf32>
      %swap3A_848 = arith.index_cast %add3A_660 : i32 to index
      %swap3A_849 = arith.constant 96 : index
      %swap3A_850 = tpu.vector_load %arg9[%swap3A_848, %swap3A_849] {strides = array<i32>} : memref<128x128xf32, #tpu.memory_space<vmem>>, vector<16xf32>,
      tpu.vector_store %arg9[%swap3A_848, %swap3A_849], %mul3A_847 {strides = array<i32>} : memref<128x128xf32, #tpu.memory_space<vmem>>, vector<16xf32>,
      %mul3A_851 = arith.mulf %add3A_780, %mul3A_822 : vector<16xf32>
      %swap3A_852 = arith.index_cast %add3A_660 : i32 to index
      %swap3A_853 = arith.constant 112 : index
      %swap3A_854 = tpu.vector_load %arg9[%swap3A_852, %swap3A_853] {strides = array<i32>} : memref<128x128xf32, #tpu.memory_space<vmem>>, vector<16xf32>,
      tpu.vector_store %arg9[%swap3A_852, %swap3A_853], %mul3A_851 {strides = array<i32>} : memref<128x128xf32, #tpu.memory_space<vmem>>, vector<16xf32>,
      %scan3A_855 = arith.constant 0 : i32
      scf.yield %scan3A_855 : i32
    }
    %scan3A_53 = arith.constant 16 : i32
    %dma_start3A_54 = arith.constant 0 : i32
    %dma_start3A_55 = arith.constant 0 : i32
    %dma_start3A_56 = tpu.memref_slice %arg5[%dma_start3A_54, %dma_start3A_55] : memref<100000x128xf32, #tpu.memory_space<hbm>> -> memref<100000x128xf32, #tpu.memory_space<hbm>>
    tpu.enqueue_indirect_dma source(%arg9 : memref<128x128xf32, #tpu.memory_space<vmem>>) target(%dma_start3A_56 : memref<100000x128xf32, #tpu.memory_space<hbm>>) offsets(%arg7 : memref<128xi32, #tpu.memory_space<vmem>>) semaphore(%arg10 : memref<!tpu.dma_semaphore, #tpu.memory_space<semaphore_mem>>)
    %dma_wait3A_57 = arith.constant 0 : i32
    %dma_wait3A_58 = arith.constant 0 : i32
    %dma_wait3A_59 = tpu.memref_slice %arg5[%dma_wait3A_57, %dma_wait3A_58] : memref<100000x128xf32, #tpu.memory_space<hbm>> -> memref<100000x128xf32, #tpu.memory_space<hbm>>
    tpu.wait_indirect_dma semaphore(%arg10 : memref<!tpu.dma_semaphore, #tpu.memory_space<semaphore_mem>>) src(%arg9 : memref<128x128xf32, #tpu.memory_space<vmem>>) dst(%dma_wait3A_59 : memref<100000x128xf32, #tpu.memory_space<hbm>>)
    return
  }
}

</mosaic_0001>

<sc_bundles>
// kernel: kernel.3.cloned.1.call-start
scs
__scs_entry_jumppad:
0x0: {  	(pc) =	sbr.rel $0x88, $3  }
0x1: {  	(tag) =	ssettag $0x0;
	lr =	simm.s32 $0x1  }
0x2: {  	[smem:$0x3F9E] =	sst lr;
	_ =	strace $0xD0000000  }
0x3: {  	_ = 	snop  }
0x4: {  	_ = 	snop  }
0x5: {  	_ = 	snop  }
0x6: {  	_ = 	snop  }
0x7: {  	_ = 	snop  }
__scs_overlays_trampoline_lowered:
0x8: {  	[smem:$0x3FAD] =	sst s0  }
0x9: {  	[smem:$0x3FAE] =	sst s1  }
0xa: {  	[smem:$0x3FAF] =	sst s2  }
0xb: {  	[smem:$0x3FB0] =	sst s3  }
0xc: {  	[smem:$0x3FB1] =	sst s4  }
0xd: {  	[smem:$0x3FB2] =	sst s5  }
0xe: {  	[smem:$0x3FB3] =	sst s6  }
0xf: {  	[smem:$0x3FB4] =	sst s7  }
0x10: {  	[smem:$0x3FB5] =	sst s8  }
0x11: {  	[smem:$0x3FB6] =	sst s9;
	s0 =	simm.s32 @!p0 $0x0  }
0x12: {  	s1 =	sld [smem:$0x3F9C];
	s0 =	simm.s32 @p0 $0x1  }
0x13: {  	[smem:$0x3FB7] =	sst s0;
	s0 =	simm.s32 @!p1 $0x0  }
0x14: {  	s2 =	sld [smem:$0x3F9B];
	s0 =	simm.s32 @p1 $0x1  }
0x15: {  	[smem:$0x3FB8] =	sst s0;
	s0 =	simm.s32 @!p2 $0x0  }
0x16: {  	s3 =	sld [smem:$0x3FDB];
	s0 =	simm.s32 @p2 $0x1  }
0x17: {  	s4 =	simm.s32 $0x1BF5;
	[smem:$0x3FBA] =	sst s0  }
0x18: {  	s0 =	sld [smem:$0x3F9D];
	_ =	swait.ge [sflag:s4], $0x0  }
0x19: {  	s7 =	sld [smem:$0x3F9E]  }
0x1a: {  	s8 =	sadd.s32 $0xFFFFE003, lr  }
0x1b: {  	s9 =	sadd.s32 $0xFFFFFEF7, lr;
	s5 =	simm.s32 $0xFFFFFFFF;
	p2 =	slt.u32 s8, $0xFFFFF086  }
0x1c: {  	p1 =	slt.u32 s9, $0xF7A;
	s5 =	simm.s32 @!p2 $0x0  }
0x1d: {  	s5 =	simm.s32 @p1 $0x1;
	p0 =	seq.s32 s7, s2  }
0x1e: {  	s7 =	smul.u32 @!p0 $0xF7A, s2;
	p2 =	seq.s32 @!p0 s5, $0x0  }
0x1f: {  	s9 =	smul.u32 $0xF7A, s1;
	s8 =	simm.s32 @!p0 $0x1BF5;
	p2 =	por !p2, p0  }
0x20: {  	[sflag:s8] =	ssyncset.s32 @!p0 $0xFFFFF086;
	s6 =	sadd.s32 @!p0 s3, s7;
	s7 =	simm.s32 @!p0 $0x108  }
0x21: {  	s3 =	sadd.s32 s3, s9;
	s6 =	sadd.s32 @!p0 $0x88, s6;
	s7 =	simm.s32 @p2 $0x1082  }
0x22: {  	[simem:s7], [sflag:s8] =	dma.local @!p0 [hbm:s6], $0xF7A  }
0x23: {  	s9 =	sor.u32 $0xD0000000, s2;
	s6 =	simm.s32 $0x108;
	_ =	swait.ge @!p0 [sflag:s8], $0x0  }
0x24: {  	s3 =	sadd.s32 $0x88, s3;
	s6 =	simm.s32 @!p1 $0x1082;
	[sflag:s4] =	ssyncset.s32 $0xFFFFF086  }
0x25: {  	[simem:s6], [sflag:s4] =	dma.local [hbm:s3], $0xF7A  }
0x26: {  	[smem:$0x3F9E] =	sst s1;
	(tag) =	ssettag s2;
	_ =	strace s9  }
0x27: {  	s1 =	sld [smem:$0x3FAE]  }
0x28: {  	s2 =	sld [smem:$0x3FAF]  }
0x29: {  	s4 =	sld [smem:$0x3FB1]  }
0x2a: {  	p0 =	seq.s32 s5, $0x0;
	s5 =	sld [smem:$0x3FB2]  }
0x2b: {  	s6 =	sld [smem:$0x3FB3]  }
0x2c: {  	s7 =	sld [smem:$0x3FB4]  }
0x2d: {  	s3 =	simm.s32 $0x108;
	s8 =	sld [smem:$0x3FB5]  }
0x2e: {  	s3 =	simm.s32 @!p0 $0x1082;
	s9 =	sld [smem:$0x3FB6]  }
0x2f: {  	lr =	sadd.s32 s0, s3;
	s0 =	sld [smem:$0x3FAD]  }
0x30: {  	s3 =	sld [smem:$0x3FB0]  }
0x31: {  	[smem:$0x3FB9] =	sst s10  }
0x32: {  	s10 =	sld [smem:$0x3FB7];
	_ =	sdelay $0x3  }
0x33: {  	p0 =	seq.s32 s10, $0x1;
	s10 =	sld [smem:$0x3FB9];
	_ =	sdelay $0x3  }
0x34: {  	[smem:$0x3FB9] =	sst s10  }
0x35: {  	s10 =	sld [smem:$0x3FB8];
	_ =	sdelay $0x3  }
0x36: {  	p1 =	seq.s32 s10, $0x1;
	s10 =	sld [smem:$0x3FB9];
	_ =	sdelay $0x3  }
0x37: {  	[smem:$0x3FB9] =	sst s10  }
0x38: {  	s10 =	sld [smem:$0x3FBA]  }
0x39: {  	_ = 	snop;
	(pc) =	sbr.ind lr, $3  }
0x3a: {  	_ = 	snop  }
0x3b: {  	_ = 	snop  }
0x3c: {  	p2 =	seq.s32 s10, $0x1;
	s10 =	sld [smem:$0x3FB9]  }
0x3d: {  	_ =	shalt  }
0x3e: {  	_ =	shalt  }
0x3f: {  	_ =	shalt  }
0x40: {  	_ =	shalt  }
0x41: {  	_ =	shalt  }
0x42: {  	_ =	shalt  }
0x43: {  	_ =	shalt  }
0x44: {  	_ =	shalt  }
0x45: {  	_ =	shalt  }
0x46: {  	_ =	shalt  }
0x47: {  	_ =	shalt  }
0x48: {  	_ =	shalt  }
0x49: {  	_ =	shalt  }
0x4a: {  	_ =	shalt  }
0x4b: {  	_ =	shalt  }
0x4c: {  	_ =	shalt  }
0x4d: {  	_ =	shalt  }
0x4e: {  	_ =	shalt  }
0x4f: {  	_ =	shalt  }
0x50: {  	_ =	shalt  }
0x51: {  	_ =	shalt  }
0x52: {  	_ =	shalt  }
0x53: {  	_ =	shalt  }
0x54: {  	_ =	shalt  }
0x55: {  	_ =	shalt  }
0x56: {  	_ =	shalt  }
0x57: {  	_ =	shalt  }
0x58: {  	_ =	shalt  }
0x59: {  	_ =	shalt  }
0x5a: {  	_ =	shalt  }
0x5b: {  	_ =	shalt  }
0x5c: {  	_ =	shalt  }
0x5d: {  	_ =	shalt  }
0x5e: {  	_ =	shalt  }
0x5f: {  	_ =	shalt  }
0x60: {  	_ =	shalt  }
0x61: {  	_ =	shalt  }
0x62: {  	_ =	shalt  }
0x63: {  	_ =	shalt  }
0x64: {  	_ =	shalt  }
0x65: {  	_ =	shalt  }
0x66: {  	_ =	shalt  }
0x67: {  	_ =	shalt  }
0x68: {  	_ =	shalt  }
0x69: {  	_ =	shalt  }
0x6a: {  	_ =	shalt  }
0x6b: {  	_ =	shalt  }
0x6c: {  	_ =	shalt  }
0x6d: {  	_ =	shalt  }
0x6e: {  	_ =	shalt  }
0x6f: {  	_ =	shalt  }
0x70: {  	_ =	shalt  }
0x71: {  	_ =	shalt  }
0x72: {  	_ =	shalt  }
0x73: {  	_ =	shalt  }
0x74: {  	_ =	shalt  }
0x75: {  	_ =	shalt  }
0x76: {  	_ =	shalt  }
0x77: {  	_ =	shalt  }
0x78: {  	_ =	shalt  }
0x79: {  	_ =	shalt  }
0x7a: {  	_ =	shalt  }
0x7b: {  	_ =	shalt  }
0x7c: {  	_ =	shalt  }
0x7d: {  	_ =	shalt  }
0x7e: {  	_ =	shalt  }
0x7f: {  	_ =	shalt  }
0x80: {  	_ =	shalt  }
0x81: {  	_ =	shalt  }
0x82: {  	_ =	shalt  }
0x83: {  	_ =	shalt  }
0x84: {  	_ =	shalt  }
0x85: {  	_ =	shalt  }
0x86: {  	_ =	shalt  }
0x87: {  	_ =	shalt  }
.Lfunc_end0:
.L_simem_size_0:
called_computation_lowered:
.L_overlay_start_0:
0x88: {  	s2 =	sld [smem:$0x3FD9]  }
0x89: {  	s3 =	sld [smem:$0x3FFE];
	_ =	sdelay $0x1  }
0x8a: {  	s1 =	srdreg.scid  }
0x8b: {  	s0 =	sand.u32 $0x1, s1  }
0x8c: {  	s18 =	sshll.u32 s0, $0xA;
	s2 =	sadd.s32 s3, s2  }
0x8d: {  	s2 =	sadd.s32 s2, s18  }
0x8e: {  	[smem:$0x3FC5] =	sst s2  }
0x8f: {  	_ = 	snop  }
0x90: {  	s2 =	sld [smem:$0x3FC9]  }
0x91: {  	s19 =	sld [smem:$0x3FC8]  }
0x92: {  	s4 =	sld [smem:$0x3FC7]  }
0x93: {  	s5 =	sld [smem:$0x3FD0];
	(tm) =	ssettm $0x1  }
0x94: {  	s6 =	sld [smem:$0x3FFB];
	_ =	sdelay $0x3  }
0x95: {  	_ =	strace s6  }
0x96: {  	s6 =	sld [smem:$0x3FFC];
	_ =	sdelay $0x3  }
0x97: {  	_ =	strace s6  }
0x98: {  	s6 =	sld [smem:$0x3FFD];
	_ =	sdelay $0x3  }
0x99: {  	_ =	strace s6  }
0x9a: {  	_ =	strace $0x8FFFFFFF  }
0x9b: {  	s20 =	sld [smem:$0x3FDB];
	_ =	sdelay $0x1  }
0x9c: {  	s7 =	simm.s32 $_scs_section_size  }
0x9d: {  	s8 =	simm.s32 $_size__tile_overlayer_lowered;
	s9 =	simm.s32 $_tile_overlayer_lowered  }
0x9e: {  	s23 =	simm.s32 $0x1BFF;
	s22 =	sshll.u32 s9, $0x1;
	s6 =	sadd.s32 s7, s20  }
0x9f: {  	s10 =	simm.s32 $0x0;
	s21 =	sshll.u32 s8, $0x1;
	s8 =	sadd.s32 s22, s6  }
0xa0: {  	[timem:s10], [sflag:s23] =	dma.local [hbm:s8], s21  }
0xa1: {  	_ =	swait.ge [sflag:s23], s21  }
0xa2: {  	s7 =	ssub.s32 $0x0, s21;
	[sflag:s23] =	ssyncset.done $0x0  }
0xa3: {  	[sflag:s23] =	ssyncadd.s32 s7;
	_ =	sdelay $0x1  }
0xa4: {  	s24 =	simm.s32 $0x1B8B  }
0xa5: {  	_ =	swait.ge [sflag:s24], $0x1  }
0xa6: {  	[sflag:s24] =	ssyncset.done $0x0  }
0xa7: {  	s25 =	simm.s32 $0x1B8E;
	[sflag:s24] =	ssyncadd.s32 $0xFFFFFFFF  }
0xa8: {  	s26 =	simm.s32 $execute0_lowered;
	[smem:$0x3FD2] =	sst s25  }
0xa9: {  	s7 =	sshll.u32 s26, $0x1;
	_ =	strace $0x80000046;
	[dreg:$0x1] =	wrdreg $0xFFFFFFFF  }
0xaa: {  	s28 =	simm.s32 $_size_execute0_lowered;
	s6 =	sadd.s32 s6, s7;
	[dreg:$0x0] =	wrdreg $0x0  }
0xab: {  	s7 =	sshll.u32 s28, $0x1;
	[dreg:$0x2] =	wrdreg s6  }
0xac: {  	[dreg:$0x3] =	wrdreg s7  }
0xad: {  	[dreg:$0x4] =	wrdreg $0xC0  }
0xae: {  	_ =	task [dreg:s10], $0x5FFFF  }
0xaf: {  	[dreg:$0x1] =	wrdreg $0xFFFFFFFF  }
0xb0: {  	[dreg:$0x0] =	wrdreg $0x60  }
0xb1: {  	[dreg:$0x2] =	wrdreg s2  }
0xb2: {  	[dreg:$0x3] =	wrdreg s19  }
0xb3: {  	[dreg:$0x4] =	wrdreg s4  }
0xb4: {  	[dreg:$0x5] =	wrdreg s5  }
0xb5: {  	[dreg:$0x6] =	wrdreg $0x9  }
0xb6: {  	_ =	task.clear_ibuf [dreg:s10], $0x7FFFF;
	_ =	strace $0x90000046  }
0xb7: {  	s29 =	simm.s32 $0x9;
	_ =	strace $0x80000048  }
0xb8: {  	_ =	swait.ge [sflag:s29], $0x1  }
0xb9: {  	[sflag:s29] =	ssyncadd.s32 $0xFFFFFFFF  }
0xba: {  	_ =	strace $0x90000048  }
0xbb: {  	_ =	sfence  }
0xbc: {  	s30 =	sld [smem:$0x0];
	_ =	sdelay $0x2  }
0xbd: {  	s31 =	sshll.u32 s1, $0xD;
	s1 =	sshrl.u32 s1, $0x2  }
0xbe: {  	s3 =	sand.u32 $0x4000, s31;
	s1 =	sadd.s32 s1, s30  }
0xbf: {  	s0 =	sor.u32 s3, s0;
	s1 =	sshll.u32 s1, $0x11  }
0xc0: {  	s0 =	sor.u32 s1, s0  }
0xc1: {  	s0 =	sadd.s32 $0x8F2B, s0  }
0xc2: {  	[sflag:s0] =	ssyncadd.remote.s32 $0x1  }
0xc3: {  	_ =	sfence.sel $0xFFFF  }
0xc4: {  	[dreg:$0x0] =	wrdreg $0xFFFFFFFF;
	(pc) =	sbr.abs _section_cstart, $3  }
0xc5: {  	[dreg:$0x1] =	wrdreg $0xFFFFFFFF  }
0xc6: {  	_ =	task.clear_ibuf [dreg:s10], $0x2FFFF;
	_ =	strace $0x9FFFFFFF  }
0xc7: {  	(tm) =	ssettm $0x7FFFFFFF  }
tec
execute0_lowered:
.L_overlay_start_1:
0x0: {  	(tag) =	ssettag $0x1  }
0x1: {  	s5 =	rddreg [dreg:$0x0]  }
0x2: {  	s6 =	rddreg [dreg:$0x1]  }
0x3: {  	s1 =	rddreg [dreg:$0x2]  }
0x4: {  	s2 =	rddreg [dreg:$0x3]  }
0x5: {  	s0 =	rddreg [dreg:$0x4];
	s4 =	simm.s32 $0x0;
	s7 =	srdreg.scid  }
0x6: {  	s3 =	stileid.u32;
	s11 =	simm.s32 $0x4080;
	s12 =	simm.s32 $0x6080  }
0x7: {  	s13 =	simm.s32 $0x1;
	s14 =	simm.s32 $0x2;
	s15 =	simm.s32 $0x3  }
0x8: {  	s16 =	simm.s32 $0x0;
	[smem:$0x7FF] =	sst s4;
	s7 =	sand.u32 $0x1, s7  }
0x9: {  	s9 =	sshll.u32 s3, $0x8;
	s8 =	ssub.s32 $0x2, s7;
	s7 =	sshll.u32 s7, $0x7  }
0xa: {  	_ =	strace $0x80000047;
	s10 =	sshrl.u32 s8, $0x1;
	s7 =	sor.u32 s7, s9  }
0xb: {  	s8 =	ssub.s32 s8, s10;
	s9 =	sshll.u32 s7, $0x4;
	s7 =	sshrl.u32 s7, $0x3  }
0xc: {  	s10 =	simm.s32 $0x40;
	s5 =	sadd.s32 s5, s9;
	s6 =	sadd.s32 s6, s7  }
0xd: {  	s7 =	smax.u32 s8, $0x1;
	s8 =	simm.s32 $0x80;
	s9 =	simm.s32 $0x4  }
.LBB2_1:
0xe: {  	[tilespmem:s8], [sflag:$0x2] =	stream.linear.gather [hbm4b:s5+s4], $0x4000, $0x38;
	[tilespmem:$0x8080] =	vst v63  }
0xf: {  	_ = 	snop  }
0x10: {  	[tilespmem:s4], [sflag:$0x4] =	stream.linear.gather [hbm4b:s6+s4], $0x80, $0x38;
	[tilespmem:$0x8080] =	vst v63  }
0x11: {  	_ =	swait.ge [sflag:s9], $0x80  }
0x12: {  	[sflag:s9] =	ssyncset.done $0x0  }
0x13: {  	[sflag:s9] =	ssyncadd.s32 $0xFFFFFF80  }
0x14: {  	[tilespmem:s11], [sflag:$0x1] =	stream.indirect.gather [hbm4b:s1+s10], $0x80, s4, s10, $0xb8;
	[tilespmem:$0x8080] =	vst v63  }
0x15: {  	_ = 	snop  }
0x16: {  	[tilespmem:s12], [sflag:$0x3] =	stream.indirect.gather [hbm4b:s1+s10], $0x80, s10, s10, $0xb8;
	[tilespmem:$0x8080] =	vst v63  }
0x17: {  	_ =	swait.ge [sflag:s13], $0x2000  }
0x18: {  	[sflag:s13] =	ssyncset.done $0x0  }
0x19: {  	[sflag:s13] =	ssyncadd.s32 $0xFFFFE000  }
0x1a: {  	_ =	swait.ge [sflag:s14], $0x4000  }
0x1b: {  	[sflag:s14] =	ssyncset.done $0x0  }
0x1c: {  	s17 =	simm.s32 $0x0;
	[sflag:s14] =	ssyncadd.s32 $0xFFFFC000  }
0x1d: {  	v0 =	vld [tilespmem:s17+$0xF0]  }
0x1e: {  	v1 =	vld [tilespmem:s17+$0x170]  }
0x1f: {  	v2 =	vld [tilespmem:s17+$0x1F0]  }
0x20: {  	v3 =	vld [tilespmem:s17+$0x270]  }
0x21: {  	v4 =	vld [tilespmem:s17+$0xE0]  }
0x22: {  	v5 =	vld [tilespmem:s17+$0x160]  }
0x23: {  	v6 =	vld [tilespmem:s17+$0x1E0]  }
0x24: {  	v7 =	vld [tilespmem:s17+$0x260]  }
0x25: {  	v8 =	vld [tilespmem:s17+$0xD0]  }
0x26: {  	v9 =	vld [tilespmem:s17+$0x150]  }
0x27: {  	v10 =	vld [tilespmem:s17+$0x1D0]  }
0x28: {  	v11 =	vld [tilespmem:s17+$0x250]  }
0x29: {  	v12 =	vld [tilespmem:s17+$0xC0]  }
0x2a: {  	v13 =	vld [tilespmem:s17+$0x140]  }
0x2b: {  	v14 =	vld [tilespmem:s17+$0x1C0]  }
0x2c: {  	v15 =	vld [tilespmem:s17+$0x240]  }
0x2d: {  	v16 =	vld [tilespmem:s17+$0xB0]  }
0x2e: {  	v17 =	vld [tilespmem:s17+$0x130]  }
0x2f: {  	v19 =	vld [tilespmem:s17+$0x1B0]  }
0x30: {  	v20 =	vld [tilespmem:s17+$0x230]  }
0x31: {  	v22 =	vld [tilespmem:s17+$0xA0]  }
0x32: {  	v23 =	vld [tilespmem:s17+$0x120]  }
0x33: {  	v24 =	vld [tilespmem:s17+$0x1A0]  }
0x34: {  	v25 =	vld [tilespmem:s17+$0x220]  }
0x35: {  	v26 =	vld [tilespmem:s17+$0x80]  }
0x36: {  	v27 =	vld [tilespmem:s17+$0x90]  }
0x37: {  	v28 =	vld [tilespmem:s17+$0x100];
	v0 =	vmul.f32 $8.999999760e-01, v0  }
0x38: {  	v29 =	vld [tilespmem:s17+$0x110];
	v1 =	vmul.f32 $8.999999760e-01, v1;
	v38 =	vmul.f32 $8.999999760e-01, v2  }
0x39: {  	v31 =	vld [tilespmem:s17+$0x180];
	v2 =	vmul.f32 $8.999999760e-01, v4;
	v18 =	vmul.f32 $8.999999760e-01, v3  }
0x3a: {  	v33 =	vld [tilespmem:s17+$0x190];
	v3 =	vmul.f32 $8.999999760e-01, v5;
	v40 =	vmul.f32 $8.999999760e-01, v6  }
0x3b: {  	v39 =	vld [tilespmem:s17+$0x41F0];
	v6 =	vmul.f32 $8.999999760e-01, v8;
	v21 =	vmul.f32 $8.999999760e-01, v7  }
0x3c: {  	v41 =	vld [tilespmem:s17+$0x4270];
	v7 =	vmul.f32 $8.999999760e-01, v9;
	v10 =	vmul.f32 $8.999999760e-01, v10  }
0x3d: {  	v35 =	vld [tilespmem:s17+$0x40E0];
	v12 =	vmul.f32 $8.999999760e-01, v12;
	v11 =	vmul.f32 $8.999999760e-01, v11  }
0x3e: {  	v49 =	vld [tilespmem:s17+$0x4240];
	v13 =	vmul.f32 $8.999999760e-01, v13;
	v14 =	vmul.f32 $8.999999760e-01, v14  }
0x3f: {  	v53 =	vld [tilespmem:s17+$0x4130];
	v16 =	vmul.f32 $8.999999760e-01, v16;
	v15 =	vmul.f32 $8.999999760e-01, v15  }
0x40: {  	v4 =	vld [tilespmem:s17+$0x200];
	v42 =	vmul.f32 $8.999999760e-01, v17;
	v19 =	vmul.f32 $8.999999760e-01, v19  }
0x41: {  	v5 =	vld [tilespmem:s17+$0x210];
	v22 =	vmul.f32 $8.999999760e-01, v22;
	v45 =	vmul.f32 $8.999999760e-01, v20  }
0x42: {  	v8 =	vld [tilespmem:s17+$0x40F0];
	v34 =	vmul.f32 $8.999999760e-01, v23;
	v32 =	vmul.f32 $8.999999760e-01, v24  }
0x43: {  	v9 =	vld [tilespmem:s17+$0x4170];
	v23 =	vmul.f32 $8.999999760e-01, v26;
	v30 =	vmul.f32 $8.999999760e-01, v25  }
0x44: {  	v17 =	vld [tilespmem:s17+$0x4160];
	v46 =	vmul.f32 $8.999999760e-01, v27;
	v51 =	vmul.f32 $8.999999760e-01, v28  }
0x45: {  	v24 =	vld [tilespmem:s17+$0x40D0];
	v52 =	vmul.f32 $8.999999760e-01, v29;
	v36 =	vmul.f32 $8.999999760e-01, v31  }
0x46: {  	v28 =	vld [tilespmem:s17+$0x4150];
	v37 =	vmul.f32 $8.999999760e-01, v33;
	v26 =	vmul.f32 $1.000000010e-01, v41  }
0x47: {  	v20 =	vld [tilespmem:s17+$0x4260];
	v49 =	vmul.f32 $1.000000010e-01, v49;
	v53 =	vmul.f32 $1.000000010e-01, v53  }
0x48: {  	v43 =	vld [tilespmem:s17+$0x41E0];
	v8 =	vmul.f32 $1.000000010e-01, v8;
	v9 =	vmul.f32 $1.000000010e-01, v9  }
0x49: {  	v50 =	vld [tilespmem:s17+$0x40B0];
	v31 =	vmul.f32 $8.999999760e-01, v4;
	v4 =	vmul.f32 $1.000000010e-01, v35  }
0x4a: {  	v44 =	vld [tilespmem:s17+$0x41D0];
	v35 =	vmul.f32 $8.999999760e-01, v5;
	v5 =	vmul.f32 $1.000000010e-01, v17  }
0x4b: {  	v48 =	vld [tilespmem:s17+$0x40C0];
	v24 =	vmul.f32 $1.000000010e-01, v24;
	v61 =	vmul.f32 $1.000000010e-01, v28;
	v0 =	vadd.f32 v0, v8  }
0x4c: {  	v59 =	vld [tilespmem:s17+$0x40A0];
	v33 =	vmul.f32 $1.000000010e-01, v20;
	v1 =	vadd.f32 v1, v9;
	v2 =	vadd.f32 v2, v4  }
0x4d: {  	v20 =	vld [tilespmem:s17+$0x4090];
	v9 =	vmul.f32 $1.000000010e-01, v39;
	v4 =	vadd.f32 v3, v5;
	v5 =	vadd.f32 v6, v24  }
0x4e: {  	v8 =	vld [tilespmem:s17+$0x4140];
	v6 =	vadd.f32 v7, v61;
	v7 =	vmul.f32 $1.000000010e-01, v43;
	v61 =	vmul.f32 $1.000000010e-01, v50  }
0x4f: {  	v17 =	vld [tilespmem:s17+$0x41C0];
	v27 =	vmul.f32 v0, v0;
	v25 =	vmul.f32 v1, v1  }
0x50: {  	v47 =	vld [tilespmem:s17+$0x4250];
	v29 =	vmul.f32 v2, v2;
	v3 =	vadd.f32 v38, v9;
	v9 =	vmul.f32 $1.000000010e-01, v48  }
0x51: {  	v60 =	vld [tilespmem:s17+$0x4080];
	v28 =	vmul.f32 v4, v4;
	v39 =	vmul.f32 v5, v5  }
0x52: {  	v24 =	vld [tilespmem:s17+$0x41B0];
	v38 =	vmul.f32 v6, v6;
	v20 =	vmul.f32 $1.000000010e-01, v20  }
0x53: {  	v54 =	vld [tilespmem:s17+$0x4120];
	v62 =	vmul.f32 $1.000000010e-01, v8;
	v8 =	vadd.f32 v12, v9;
	v12 =	vmul.f32 $1.000000010e-01, v44  }
0x54: {  	v63 =	vld [tilespmem:s17+$0x4230];
	v48 =	vmul.f32 $1.000000010e-01, v59;
	v17 =	vmul.f32 $1.000000010e-01, v17;
	v20 =	vadd.f32 v46, v20  }
0x55: {  	v55 =	vld [tilespmem:s17+$0x4100];
	v9 =	vadd.f32 v13, v62;
	v41 =	vmul.f32 v8, v8;
	v10 =	vadd.f32 v10, v12  }
0x56: {  	v13 =	vmul.f32 $1.000000010e-01, v47;
	v62 =	vld [tilespmem:s17+$0x4110];
	v12 =	vadd.f32 v14, v17;
	v14 =	vadd.f32 v16, v61  }
0x57: {  	v56 =	vld [tilespmem:s17+$0x41A0];
	v16 =	vmul.f32 $1.000000010e-01, v24;
	v17 =	vadd.f32 v22, v48;
	v22 =	vmul.f32 $1.000000010e-01, v60  }
0x58: {  	v7 =	vadd.f32 v40, v7;
	v47 =	vmul.f32 $1.000000010e-01, v54;
	v48 =	vmul.f32 v20, v20  }
0x59: {  	v44 =	vld [tilespmem:s17+$0x4220];
	v40 =	vmul.f32 v9, v9;
	v11 =	vadd.f32 v11, v13;
	v13 =	vadd.f32 v15, v49  }
0x5a: {  	v43 =	vld [tilespmem:s17+$0x4190];
	v15 =	vadd.f32 v42, v53;
	v16 =	vadd.f32 v19, v16;
	v19 =	vmul.f32 $1.000000010e-01, v63  }
0x5b: {  	v46 =	vld [tilespmem:s17+$0x4180];
	v23 =	vadd.f32 v23, v22;
	v22 =	vmul.f32 $1.000000010e-01, v55;
	v63 =	vmul.f32 $1.000000010e-01, v62  }
0x5c: {  	v42 =	vmul.f32 v17, v17;
	v49 =	vmul.f32 $1.000000010e-01, v56;
	v19 =	vadd.f32 v45, v19  }
0x5d: {  	s18 =	simm.s32 $0x800;
	v50 =	vmul.f32 v23, v23;
	v24 =	vadd.f32 v51, v22;
	v45 =	vld [tilespmem:s17+$0x4210];
	v22 =	vadd.f32 v52, v63  }
.LBB2_2:
0x5e: {  	p0 =	sne.s32 s18, $0x7800;
	v34 =	vadd.f32 v34, v47;
	v32 =	vadd.f32 v32, v49;
	v47 =	vld [tilespmem:s17+$0x4200];
	v44 =	vmul.f32 $1.000000010e-01, v44  }
0x5f: {  	v48 =	vadd.f32 v48, v50;
	v49 =	vmul.f32 v24, v24;
	v50 =	vmul.f32 v22, v22  }
0x60: {  	v43 =	vmul.f32 $1.000000010e-01, v43;
	v46 =	vmul.f32 $1.000000010e-01, v46;
	v30 =	vadd.f32 v30, v44  }
0x61: {  	v44 =	vmul.f32 v14, v14;
	v42 =	vadd.f32 v42, v48;
	v48 =	vadd.f32 v50, v49  }
0x62: {  	v49 =	vmul.f32 v34, v34;
	v37 =	vadd.f32 v37, v43;
	v36 =	vadd.f32 v36, v46  }
0x63: {  	v42 =	vadd.f32 v44, v42;
	v43 =	vmul.f32 $1.000000010e-01, v47;
	v44 =	vmul.f32 $1.000000010e-01, v45  }
0x64: {  	v45 =	vadd.f32 v49, v48;
	v47 =	vmul.f32 v37, v37;
	v46 =	vmul.f32 v36, v36  }
0x65: {  	v48 =	vmul.f32 v15, v15;
	v31 =	vadd.f32 v31, v43;
	v35 =	vadd.f32 v35, v44  }
0x66: {  	v41 =	vadd.f32 v41, v42;
	v43 =	vmul.f32 v32, v32;
	v42 =	vadd.f32 v47, v46  }
0x67: {  	v44 =	vadd.f32 v48, v45;
	v45 =	vmul.f32 v31, v31;
	v46 =	vmul.f32 v35, v35  }
0x68: {  	v39 =	vadd.f32 v39, v41;
	v41 =	vadd.f32 v43, v42;
	v42 =	vmul.f32 v16, v16  }
0x69: {  	v40 =	vadd.f32 v40, v44;
	v44 =	vmul.f32 v30, v30;
	v43 =	vadd.f32 v46, v45  }
0x6a: {  	v29 =	vadd.f32 v29, v39;
	v39 =	vadd.f32 v42, v41;
	v41 =	vmul.f32 v12, v12  }
0x6b: {  	v38 =	vadd.f32 v38, v40;
	v42 =	vmul.f32 v19, v19;
	v40 =	vadd.f32 v44, v43  }
0x6c: {  	v27 =	vadd.f32 v27, v29;
	v29 =	vadd.f32 v41, v39;
	v39 =	vmul.f32 v10, v10  }
0x6d: {  	v28 =	vadd.f32 v28, v38;
	v38 =	vadd.f32 v42, v40;
	v40 =	vmul.f32 v13, v13  }
0x6e: {  	v21 =	vadd.f32 v21, v33;
	v29 =	vadd.f32 v39, v29;
	v39 =	vmul.f32 v7, v7;
	(xrf2) =	vadd.scan.msk.f32 $0xffff, v27  }
0x6f: {  	v25 =	vadd.f32 v25, v28;
	v28 =	vmul.f32 v11, v11;
	v27 =	vadd.f32 v40, v38  }
0x70: {  	v33 =	vmul.f32 v3, v3;
	v29 =	vadd.f32 v39, v29  }
0x71: {  	v18 =	vadd.f32 v18, v26;
	v27 =	vadd.f32 v28, v27;
	v28 =	vmul.f32 v21, v21;
	(xrf2) =	vadd.scan.msk.f32 $0xffff, v25  }
0x72: {  	v25 =	vadd.f32 v33, v29  }
0x73: {  	v26 =	vadd.f32 v28, v27;
	v27 =	vmul.f32 v18, v18  }
0x74: {  	(xrf2) =	vadd.scan.msk.f32 $0xffff, v25  }
0x75: {  	v26 =	vadd.f32 v27, v26;
	_ =	sdelay $0x1  }
0x76: {  	(xrf2) =	vadd.scan.msk.f32 $0xffff, v26  }
0x77: {  	v25, _, _ =	vpop (xrf2);
	_ =	sdelay $0x2  }
0x78: {  	v26, _, _ =	vpop (xrf2);
	_ =	sdelay $0x1  }
0x79: {  	v25 =	vbroadcast v25, $0xF  }
0x7a: {  	v27, _, _ =	vpop (xrf2)  }
0x7b: {  	v28 =	vshra.s32 v25, $0x1;
	v26 =	vbroadcast v26, $0xF  }
0x7c: {  	v25 =	vmul.f32 $5.000000000e-01, v25;
	v28 =	vsub.s32 $0x5F3759DF, v28  }
0x7d: {  	v29 =	vshra.s32 v26, $0x1;
	v26 =	vmul.f32 $5.000000000e-01, v26;
	v27 =	vbroadcast v27, $0xF;
	v33, _, _ =	vpop (xrf2)  }
0x7e: {  	v38 =	vmul.f32 v28, v25;
	v29 =	vsub.s32 $0x5F3759DF, v29;
	v33 =	vbroadcast v33, $0xF  }
0x7f: {  	v39 =	vmul.f32 v29, v26;
	v40 =	vshra.s32 v27, $0x1;
	v27 =	vmul.f32 $5.000000000e-01, v27  }
0x80: {  	v40 =	vsub.s32 $0x5F3759DF, v40;
	v41 =	vshra.s32 v33, $0x1;
	v33 =	vmul.f32 $5.000000000e-01, v33  }
0x81: {  	v38 =	vmul.f32 v28, v38;
	v42 =	vmul.f32 v40, v27;
	v41 =	vsub.s32 $0x5F3759DF, v41  }
0x82: {  	v39 =	vmul.f32 v29, v39;
	v43 =	vmul.f32 v41, v33  }
0x83: {  	v38 =	vsub.f32 $1.500000000e+00, v38;
	v42 =	vmul.f32 v40, v42  }
0x84: {  	v39 =	vsub.f32 $1.500000000e+00, v39;
	v43 =	vmul.f32 v41, v43  }
0x85: {  	v28 =	vmul.f32 v28, v38;
	v38 =	vsub.f32 $1.500000000e+00, v42  }
0x86: {  	v29 =	vmul.f32 v29, v39;
	v39 =	vsub.f32 $1.500000000e+00, v43  }
0x87: {  	v42 =	vmul.f32 v28, v25;
	v38 =	vmul.f32 v40, v38  }
0x88: {  	v40 =	vmul.f32 v29, v26;
	v39 =	vmul.f32 v41, v39  }
0x89: {  	v41 =	vmul.f32 v42, v28;
	v42 =	vmul.f32 v38, v27  }
0x8a: {  	v40 =	vmul.f32 v40, v29;
	v43 =	vmul.f32 v39, v33  }
0x8b: {  	v41 =	vsub.f32 $1.500000000e+00, v41;
	v42 =	vmul.f32 v42, v38  }
0x8c: {  	v40 =	vsub.f32 $1.500000000e+00, v40;
	v43 =	vmul.f32 v43, v39  }
0x8d: {  	v28 =	vmul.f32 v41, v28;
	v41 =	vsub.f32 $1.500000000e+00, v42  }
0x8e: {  	v29 =	vmul.f32 v40, v29;
	v40 =	vsub.f32 $1.500000000e+00, v43  }
0x8f: {  	v25 =	vmul.f32 v28, v25;
	v38 =	vmul.f32 v41, v38  }
0x90: {  	v26 =	vmul.f32 v29, v26;
	v39 =	vmul.f32 v40, v39  }
0x91: {  	v25 =	vmul.f32 v25, v28;
	v27 =	vmul.f32 v38, v27  }
0x92: {  	v26 =	vmul.f32 v26, v29;
	v33 =	vmul.f32 v39, v33  }
0x93: {  	v25 =	vsub.f32 $1.500000000e+00, v25;
	v27 =	vmul.f32 v27, v38  }
0x94: {  	v26 =	vsub.f32 $1.500000000e+00, v26;
	v33 =	vmul.f32 v33, v39  }
0x95: {  	v25 =	vmul.f32 v25, v28;
	v27 =	vsub.f32 $1.500000000e+00, v27  }
0x96: {  	v26 =	vmul.f32 v26, v29;
	v28 =	vsub.f32 $1.500000000e+00, v33  }
0x97: {  	v23 =	vmul.f32 v25, v23;
	v27 =	vmul.f32 v27, v38  }
0x98: {  	s19 =	sshra.s32 s18, $0x2;
	v24 =	vmul.f32 v26, v24;
	v28 =	vmul.f32 v28, v39  }
0x99: {  	v33 =	vmul.f32 v27, v37;
	v29 =	vld [tilespmem:s19+$0xF0];
	[tilespmem:s17+$0x4080] =	vst v23;
	v23 =	vmul.f32 v27, v36  }
0x9a: {  	v36 =	vld [tilespmem:s19+$0x170];
	[tilespmem:s17+$0x4100] =	vst v24;
	v24 =	vmul.f32 v28, v31;
	v31 =	vmul.f32 v28, v35  }
0x9b: {  	v22 =	vmul.f32 v26, v22;
	v20 =	vmul.f32 v25, v20;
	v35 =	vld [tilespmem:s19+$0x1F0];
	[tilespmem:s17+$0x4180] =	vst v23  }
0x9c: {  	v32 =	vmul.f32 v27, v32;
	v23 =	vld [tilespmem:s19+$0x270];
	[tilespmem:s17+$0x4200] =	vst v24;
	v24 =	vmul.f32 v28, v30  }
0x9d: {  	v34 =	vmul.f32 v26, v34;
	v17 =	vmul.f32 v25, v17;
	v30 =	vld [tilespmem:s19+$0xE0];
	[tilespmem:s17+$0x4210] =	vst v31  }
0x9e: {  	v16 =	vmul.f32 v27, v16;
	v19 =	vmul.f32 v28, v19;
	v31 =	vld [tilespmem:s19+$0x160];
	[tilespmem:s17+$0x4190] =	vst v33  }
0x9f: {  	v15 =	vmul.f32 v26, v15;
	v14 =	vmul.f32 v25, v14;
	v33 =	vld [tilespmem:s19+$0x1E0];
	[tilespmem:s17+$0x4110] =	vst v22  }
0xa0: {  	v12 =	vmul.f32 v27, v12;
	v13 =	vmul.f32 v28, v13;
	v22 =	vld [tilespmem:s19+$0x260];
	[tilespmem:s17+$0x4090] =	vst v20  }
0xa1: {  	v9 =	vmul.f32 v26, v9;
	v8 =	vmul.f32 v25, v8;
	v20 =	vld [tilespmem:s19+$0xD0];
	[tilespmem:s17+$0x4220] =	vst v24  }
0xa2: {  	v10 =	vmul.f32 v27, v10;
	v11 =	vmul.f32 v28, v11;
	v24 =	vld [tilespmem:s19+$0x150];
	[tilespmem:s17+$0x41A0] =	vst v32  }
0xa3: {  	v6 =	vmul.f32 v26, v6;
	v5 =	vmul.f32 v25, v5;
	v32 =	vld [tilespmem:s19+$0x1D0];
	[tilespmem:s17+$0x4120] =	vst v34  }
0xa4: {  	v7 =	vmul.f32 v27, v7;
	v34 =	vld [tilespmem:s19+$0x250];
	[tilespmem:s17+$0x40A0] =	vst v17;
	v17 =	vmul.f32 v28, v21  }
0xa5: {  	v4 =	vmul.f32 v26, v4;
	v2 =	vmul.f32 v25, v2;
	v37 =	vld [tilespmem:s19+$0xC0];
	[tilespmem:s17+$0x4230] =	vst v19  }
0xa6: {  	v3 =	vmul.f32 v27, v3;
	v19 =	vld [tilespmem:s19+$0x140];
	[tilespmem:s17+$0x41B0] =	vst v16;
	v16 =	vmul.f32 v28, v18  }
0xa7: {  	v1 =	vmul.f32 v26, v1;
	v0 =	vmul.f32 v25, v0;
	v27 =	vld [tilespmem:s19+$0x1C0];
	[tilespmem:s17+$0x4130] =	vst v15  }
0xa8: {  	v15 =	vld [tilespmem:s19+$0x240];
	[tilespmem:s17+$0x40B0] =	vst v14  }
0xa9: {  	v14 =	vld [tilespmem:s19+$0xB0];
	[tilespmem:s17+$0x4240] =	vst v13  }
0xaa: {  	v13 =	vld [tilespmem:s19+$0x130];
	[tilespmem:s17+$0x41C0] =	vst v12  }
0xab: {  	v12 =	vld [tilespmem:s19+$0x1B0];
	[tilespmem:s17+$0x4140] =	vst v9  }
0xac: {  	v9 =	vld [tilespmem:s19+$0x230];
	[tilespmem:s17+$0x40C0] =	vst v8  }
0xad: {  	v8 =	vld [tilespmem:s19+$0xA0];
	[tilespmem:s17+$0x4250] =	vst v11  }
0xae: {  	v11 =	vld [tilespmem:s19+$0x120];
	[tilespmem:s17+$0x41D0] =	vst v10  }
0xaf: {  	v10 =	vld [tilespmem:s19+$0x1A0];
	[tilespmem:s17+$0x4150] =	vst v6  }
0xb0: {  	v6 =	vld [tilespmem:s19+$0x220];
	[tilespmem:s17+$0x40D0] =	vst v5  }
0xb1: {  	v5 =	vld [tilespmem:s19+$0x80];
	[tilespmem:s17+$0x4260] =	vst v17  }
0xb2: {  	v17 =	vld [tilespmem:s19+$0x90];
	[tilespmem:s17+$0x41E0] =	vst v7  }
0xb3: {  	v7 =	vld [tilespmem:s19+$0x100];
	[tilespmem:s17+$0x4160] =	vst v4  }
0xb4: {  	v4 =	vld [tilespmem:s19+$0x110];
	[tilespmem:s17+$0x40E0] =	vst v2  }
0xb5: {  	v2 =	vmul.f32 $8.999999760e-01, v29;
	v25 =	vld [tilespmem:s19+$0x180];
	[tilespmem:s17+$0x4270] =	vst v16  }
0xb6: {  	v28 =	vmul.f32 $8.999999760e-01, v35;
	v16 =	vmul.f32 $8.999999760e-01, v36;
	v26 =	vld [tilespmem:s19+$0x190];
	[tilespmem:s17+$0x41F0] =	vst v3  }
0xb7: {  	v18 =	vmul.f32 $8.999999760e-01, v23;
	v3 =	vmul.f32 $8.999999760e-01, v30;
	v29 =	vld [tilespmem:s19+$0x200];
	[tilespmem:s17+$0x4170] =	vst v1  }
0xb8: {  	v40 =	vmul.f32 $8.999999760e-01, v33;
	v23 =	vmul.f32 $8.999999760e-01, v31;
	v33 =	vld [tilespmem:s19+$0x210];
	[tilespmem:s17+$0x40F0] =	vst v0;
	s17 =	smov.u32 s19  }
0xb9: {  	v21 =	vmul.f32 $8.999999760e-01, v22;
	v20 =	vmul.f32 $8.999999760e-01, v20;
	v0 =	vld [tilespmem:s17+$0x40F0]  }
0xba: {  	v22 =	vmul.f32 $8.999999760e-01, v24;
	v24 =	vmul.f32 $8.999999760e-01, v32;
	v1 =	vld [tilespmem:s17+$0x4170]  }
0xbb: {  	v42 =	vmul.f32 $8.999999760e-01, v34;
	v38 =	vmul.f32 $8.999999760e-01, v37;
	v39 =	vld [tilespmem:s17+$0x41F0]  }
0xbc: {  	v19 =	vmul.f32 $8.999999760e-01, v19;
	v43 =	vmul.f32 $8.999999760e-01, v27;
	v41 =	vld [tilespmem:s17+$0x4270]  }
0xbd: {  	v15 =	vmul.f32 $8.999999760e-01, v15;
	v14 =	vmul.f32 $8.999999760e-01, v14;
	v27 =	vld [tilespmem:s17+$0x40E0]  }
0xbe: {  	v44 =	vmul.f32 $8.999999760e-01, v13;
	v45 =	vmul.f32 $8.999999760e-01, v12;
	v13 =	vld [tilespmem:s17+$0x4160]  }
0xbf: {  	v50 =	vmul.f32 $8.999999760e-01, v9;
	v46 =	vmul.f32 $8.999999760e-01, v8;
	v8 =	vld [tilespmem:s17+$0x41E0]  }
0xc0: {  	v34 =	vmul.f32 $8.999999760e-01, v11;
	v32 =	vmul.f32 $8.999999760e-01, v10;
	v9 =	vld [tilespmem:s17+$0x4260]  }
0xc1: {  	v48 =	vmul.f32 $8.999999760e-01, v5;
	v30 =	vmul.f32 $8.999999760e-01, v6;
	v5 =	vld [tilespmem:s17+$0x40D0]  }
0xc2: {  	v47 =	vmul.f32 $8.999999760e-01, v17;
	v51 =	vmul.f32 $8.999999760e-01, v7;
	v6 =	vld [tilespmem:s17+$0x4150]  }
0xc3: {  	v52 =	vmul.f32 $8.999999760e-01, v4;
	v0 =	vmul.f32 $1.000000010e-01, v0;
	v7 =	vld [tilespmem:s17+$0x41D0]  }
0xc4: {  	v36 =	vmul.f32 $8.999999760e-01, v25;
	v1 =	vmul.f32 $1.000000010e-01, v1;
	v10 =	vld [tilespmem:s17+$0x4250]  }
0xc5: {  	v37 =	vmul.f32 $8.999999760e-01, v26;
	v31 =	vmul.f32 $8.999999760e-01, v29;
	v0 =	vadd.f32 v2, v0;
	v11 =	vld [tilespmem:s17+$0x40C0]  }
0xc6: {  	v35 =	vmul.f32 $8.999999760e-01, v33;
	v1 =	vadd.f32 v16, v1;
	v2 =	vmul.f32 $1.000000010e-01, v27;
	v12 =	vld [tilespmem:s17+$0x4140]  }
0xc7: {  	v27 =	vmul.f32 v0, v0;
	v4 =	vmul.f32 $1.000000010e-01, v13;
	v13 =	vld [tilespmem:s17+$0x41C0]  }
0xc8: {  	v25 =	vmul.f32 v1, v1;
	v2 =	vadd.f32 v3, v2;
	v3 =	vmul.f32 $1.000000010e-01, v39;
	v16 =	vld [tilespmem:s17+$0x4240]  }
0xc9: {  	v26 =	vmul.f32 $1.000000010e-01, v41;
	v4 =	vadd.f32 v23, v4;
	v5 =	vmul.f32 $1.000000010e-01, v5;
	v17 =	vld [tilespmem:s17+$0x40B0]  }
0xca: {  	v29 =	vmul.f32 v2, v2;
	v3 =	vadd.f32 v28, v3;
	v6 =	vmul.f32 $1.000000010e-01, v6;
	v23 =	vld [tilespmem:s17+$0x4130]  }
0xcb: {  	v28 =	vmul.f32 v4, v4;
	v5 =	vadd.f32 v20, v5;
	v11 =	vmul.f32 $1.000000010e-01, v11;
	v20 =	vld [tilespmem:s17+$0x41B0]  }
0xcc: {  	v6 =	vadd.f32 v22, v6;
	v22 =	vmul.f32 $1.000000010e-01, v8;
	v12 =	vmul.f32 $1.000000010e-01, v12;
	v49 =	vld [tilespmem:s17+$0x4230]  }
0xcd: {  	v33 =	vmul.f32 $1.000000010e-01, v9;
	v39 =	vmul.f32 v5, v5;
	v8 =	vadd.f32 v38, v11;
	v53 =	vld [tilespmem:s17+$0x40A0]  }
0xce: {  	v38 =	vmul.f32 v6, v6;
	v11 =	vmul.f32 $1.000000010e-01, v7;
	v9 =	vadd.f32 v19, v12;
	v54 =	vld [tilespmem:s17+$0x4120]  }
0xcf: {  	v7 =	vadd.f32 v40, v22;
	v12 =	vmul.f32 $1.000000010e-01, v10;
	v41 =	vmul.f32 v8, v8;
	v19 =	vld [tilespmem:s17+$0x4090]  }
0xd0: {  	v13 =	vmul.f32 $1.000000010e-01, v13;
	v10 =	vadd.f32 v24, v11;
	v40 =	vmul.f32 v9, v9;
	v22 =	vld [tilespmem:s17+$0x4080]  }
0xd1: {  	v16 =	vmul.f32 $1.000000010e-01, v16;
	v17 =	vmul.f32 $1.000000010e-01, v17;
	v11 =	vadd.f32 v42, v12;
	v24 =	vld [tilespmem:s17+$0x4110]  }
0xd2: {  	v23 =	vmul.f32 $1.000000010e-01, v23;
	v12 =	vadd.f32 v43, v13;
	v42 =	vmul.f32 $1.000000010e-01, v53;
	v53 =	vld [tilespmem:s17+$0x4100]  }
0xd3: {  	v13 =	vadd.f32 v15, v16;
	v14 =	vadd.f32 v14, v17;
	v20 =	vmul.f32 $1.000000010e-01, v20;
	v55 =	vld [tilespmem:s17+$0x41A0]  }
0xd4: {  	v15 =	vadd.f32 v44, v23;
	v19 =	vmul.f32 $1.000000010e-01, v19;
	v17 =	vadd.f32 v46, v42  }
.Ltmp0:
0xd5: {  	v16 =	vadd.f32 v45, v20;
	v45 =	vmul.f32 $1.000000010e-01, v49;
	v22 =	vmul.f32 $1.000000010e-01, v22;
	v44 =	vld [tilespmem:s17+$0x4220];
	(pc) =	sbr.rel @p0 .LBB2_2-.Ltmp0, $4  }
0xd6: {  	v20 =	vadd.f32 v47, v19;
	v42 =	vmul.f32 v17, v17;
	v47 =	vmul.f32 $1.000000010e-01, v54;
	v43 =	vld [tilespmem:s17+$0x4190]  }
0xd7: {  	v23 =	vadd.f32 v48, v22;
	v22 =	vmul.f32 $1.000000010e-01, v53;
	v53 =	vmul.f32 $1.000000010e-01, v24;
	v46 =	vld [tilespmem:s17+$0x4180]  }
0xd8: {  	v19 =	vadd.f32 v50, v45;
	v48 =	vmul.f32 v20, v20;
	v49 =	vmul.f32 $1.000000010e-01, v55  }
0xd9: {  	s18 =	sadd.s32 $0x800, s18;
	v50 =	vmul.f32 v23, v23;
	v24 =	vadd.f32 v51, v22;
	v22 =	vadd.f32 v52, v53;
	v45 =	vld [tilespmem:s17+$0x4210]  }
0xda: {  	v34 =	vadd.f32 v34, v47;
	v44 =	vmul.f32 $1.000000010e-01, v44  }
0xdb: {  	v51 =	vld [tilespmem:s17+$0x4200];
	v32 =	vadd.f32 v32, v49;
	v53 =	vmul.f32 v14, v14;
	v59 =	vmul.f32 v15, v15  }
0xdc: {  	v62 =	vadd.f32 v48, v50;
	v63 =	vmul.f32 v24, v24;
	v43 =	vmul.f32 $1.000000010e-01, v43  }
0xdd: {  	v52 =	vmul.f32 v22, v22;
	v46 =	vmul.f32 $1.000000010e-01, v46;
	v30 =	vadd.f32 v30, v44  }
0xde: {  	v56 =	vmul.f32 v34, v34;
	v42 =	vadd.f32 v42, v62;
	v37 =	vadd.f32 v37, v43  }
0xdf: {  	v55 =	vadd.f32 v52, v63;
	v36 =	vadd.f32 v36, v46;
	v45 =	vmul.f32 $1.000000010e-01, v45  }
0xe0: {  	v54 =	vmul.f32 $1.000000010e-01, v51;
	v42 =	vadd.f32 v53, v42;
	v58 =	vmul.f32 v37, v37  }
0xe1: {  	v60 =	vadd.f32 v56, v55;
	v57 =	vmul.f32 v36, v36;
	v35 =	vadd.f32 v35, v45  }
0xe2: {  	v31 =	vadd.f32 v31, v54;
	v41 =	vadd.f32 v41, v42  }
0xe3: {  	v49 =	vmul.f32 v32, v32;
	v50 =	vadd.f32 v59, v60;
	v63 =	vadd.f32 v58, v57  }
0xe4: {  	v62 =	vmul.f32 v35, v35;
	v61 =	vmul.f32 v31, v31;
	v39 =	vadd.f32 v39, v41  }
0xe5: {  	v54 =	vmul.f32 v16, v16;
	v40 =	vadd.f32 v40, v50;
	v53 =	vadd.f32 v49, v63  }
0xe6: {  	v52 =	vmul.f32 v30, v30;
	v51 =	vadd.f32 v62, v61;
	v29 =	vadd.f32 v29, v39  }
0xe7: {  	v58 =	vmul.f32 v12, v12;
	v38 =	vadd.f32 v38, v40;
	v57 =	vadd.f32 v54, v53  }
0xe8: {  	v56 =	vmul.f32 v19, v19;
	v55 =	vadd.f32 v52, v51;
	v27 =	vadd.f32 v27, v29  }
0xe9: {  	v61 =	vmul.f32 v10, v10;
	v28 =	vadd.f32 v28, v38;
	v29 =	vadd.f32 v58, v57  }
0xea: {  	v43 =	vmul.f32 v7, v7;
	v59 =	vadd.f32 v56, v55  }
0xeb: {  	v60 =	vmul.f32 v13, v13;
	v25 =	vadd.f32 v25, v28;
	v29 =	vadd.f32 v61, v29  }
0xec: {  	v21 =	vadd.f32 v21, v33;
	v18 =	vadd.f32 v18, v26;
	v63 =	vmul.f32 v11, v11;
	(xrf2) =	vadd.scan.msk.f32 $0xffff, v27  }
0xed: {  	v27 =	vmul.f32 v3, v3;
	v62 =	vadd.f32 v60, v59;
	(xrf2) =	vadd.scan.msk.f32 $0xffff, v25;
	v26 =	vadd.f32 v43, v29;
	_ =	sdelay $0x1  }
0xee: {  	v44 =	vmul.f32 v21, v21;
	v33 =	vadd.f32 v63, v62;
	v25 =	vadd.f32 v27, v26;
	_ =	sdelay $0x1  }
0xef: {  	v29 =	vmul.f32 v18, v18;
	v28 =	vadd.f32 v44, v33;
	(xrf2) =	vadd.scan.msk.f32 $0xffff, v25;
	_ =	sdelay $0x1  }
0xf0: {  	v26 =	vadd.f32 v29, v28;
	_ =	sdelay $0x2  }
0xf1: {  	v25, _, _ =	vpop (xrf2)  }
0xf2: {  	(xrf2) =	vadd.scan.msk.f32 $0xffff, v26;
	v26, _, _ =	vpop (xrf2)  }
0xf3: {  	v26 =	vbroadcast v26, $0xF;
	_ =	sdelay $0x1  }
0xf4: {  	v25 =	vbroadcast v25, $0xF;
	v29 =	vshra.s32 v26, $0x1;
	v26 =	vmul.f32 $5.000000000e-01, v26  }
0xf5: {  	v29 =	vsub.s32 $0x5F3759DF, v29;
	v28, _, _ =	vpop (xrf2)  }
0xf6: {  	v27 =	vshra.s32 v25, $0x1;
	v47 =	vmul.f32 v29, v26;
	v28 =	vbroadcast v28, $0xF  }
0xf7: {  	v25 =	vmul.f32 $5.000000000e-01, v25;
	v27 =	vsub.s32 $0x5F3759DF, v27  }
0xf8: {  	v39 =	vmul.f32 v29, v47;
	v48 =	vshra.s32 v28, $0x1;
	v28 =	vmul.f32 $5.000000000e-01, v28  }
0xf9: {  	v46 =	vmul.f32 v27, v25;
	v40 =	vsub.s32 $0x5F3759DF, v48  }
0xfa: {  	v39 =	vsub.f32 $1.500000000e+00, v39;
	v50 =	vmul.f32 v40, v28  }
0xfb: {  	v38 =	vmul.f32 v27, v46  }
0xfc: {  	v29 =	vmul.f32 v29, v39;
	v42 =	vmul.f32 v40, v50  }
0xfd: {  	v38 =	vsub.f32 $1.500000000e+00, v38  }
0xfe: {  	v45, _, _ =	vpop (xrf2);
	v55 =	vmul.f32 v29, v26;
	v52 =	vsub.f32 $1.500000000e+00, v42  }
0xff: {  	v33 =	vbroadcast v45, $0xF;
	v27 =	vmul.f32 v27, v38  }
0x100: {  	v38 =	vmul.f32 v40, v52;
	v40 =	vmul.f32 v55, v29  }
0x101: {  	v49 =	vshra.s32 v33, $0x1;
	v33 =	vmul.f32 $5.000000000e-01, v33  }
0x102: {  	v41 =	vsub.s32 $0x5F3759DF, v49;
	v40 =	vsub.f32 $1.500000000e+00, v40  }
0x103: {  	v51 =	vmul.f32 v41, v33  }
0x104: {  	v29 =	vmul.f32 v40, v29  }
0x105: {  	v54 =	vmul.f32 v27, v25;
	v43 =	vmul.f32 v41, v51  }
0x106: {  	v26 =	vmul.f32 v29, v26  }
0x107: {  	v56 =	vmul.f32 v54, v27;
	v53 =	vsub.f32 $1.500000000e+00, v43  }
0x108: {  	v26 =	vmul.f32 v26, v29  }
0x109: {  	v39 =	vmul.f32 v41, v53;
	v41 =	vsub.f32 $1.500000000e+00, v56  }
0x10a: {  	v26 =	vsub.f32 $1.500000000e+00, v26  }
0x10b: {  	v27 =	vmul.f32 v41, v27  }
0x10c: {  	v26 =	vmul.f32 v26, v29  }
0x10d: {  	v25 =	vmul.f32 v27, v25  }
0x10e: {  	v57 =	vmul.f32 v38, v28;
	v24 =	vmul.f32 v26, v24  }
0x10f: {  	v25 =	vmul.f32 v25, v27;
	v22 =	vmul.f32 v26, v22  }
0x110: {  	v42 =	vmul.f32 v57, v38;
	v15 =	vmul.f32 v26, v15;
	[tilespmem:s17+$0x4100] =	vst v24  }
0x111: {  	v25 =	vsub.f32 $1.500000000e+00, v25;
	v9 =	vmul.f32 v26, v9;
	[tilespmem:s17+$0x4110] =	vst v22  }
0x112: {  	v59 =	vsub.f32 $1.500000000e+00, v42;
	v6 =	vmul.f32 v26, v6;
	[tilespmem:s17+$0x4130] =	vst v15  }
0x113: {  	v25 =	vmul.f32 v25, v27;
	v4 =	vmul.f32 v26, v4;
	[tilespmem:s17+$0x4140] =	vst v9  }
0x114: {  	v38 =	vmul.f32 v59, v38;
	v1 =	vmul.f32 v26, v1;
	[tilespmem:s17+$0x4150] =	vst v6  }
0x115: {  	v58 =	vmul.f32 v39, v33;
	v23 =	vmul.f32 v25, v23;
	[tilespmem:s17+$0x4160] =	vst v4  }
0x116: {  	v28 =	vmul.f32 v38, v28;
	v20 =	vmul.f32 v25, v20;
	[tilespmem:s17+$0x4170] =	vst v1  }
0x117: {  	v43 =	vmul.f32 v58, v39;
	v17 =	vmul.f32 v25, v17;
	[tilespmem:s17+$0x4080] =	vst v23  }
0x118: {  	v28 =	vmul.f32 v28, v38;
	v14 =	vmul.f32 v25, v14;
	[tilespmem:s17+$0x4090] =	vst v20  }
0x119: {  	v60 =	vsub.f32 $1.500000000e+00, v43;
	v8 =	vmul.f32 v25, v8;
	[tilespmem:s17+$0x40A0] =	vst v17  }
0x11a: {  	v27 =	vsub.f32 $1.500000000e+00, v28;
	v5 =	vmul.f32 v25, v5;
	[tilespmem:s17+$0x40B0] =	vst v14  }
0x11b: {  	v39 =	vmul.f32 v60, v39;
	v2 =	vmul.f32 v25, v2;
	[tilespmem:s17+$0x40C0] =	vst v8  }
0x11c: {  	v0 =	vmul.f32 v25, v0;
	v27 =	vmul.f32 v27, v38;
	[tilespmem:s17+$0x40D0] =	vst v5  }
0x11d: {  	v20 =	vmul.f32 v26, v34;
	[tilespmem:s17+$0x40E0] =	vst v2  }
0x11e: {  	v33 =	vmul.f32 v39, v33;
	[tilespmem:s17+$0x40F0] =	vst v0;
	v23 =	vmul.f32 v27, v36  }
0x11f: {  	v22 =	vmul.f32 v27, v32;
	[tilespmem:s17+$0x4120] =	vst v20  }
0x120: {  	v33 =	vmul.f32 v33, v39;
	v16 =	vmul.f32 v27, v16;
	[tilespmem:s17+$0x4180] =	vst v23  }
0x121: {  	v12 =	vmul.f32 v27, v12;
	[tilespmem:s17+$0x41A0] =	vst v22  }
0x122: {  	v28 =	vsub.f32 $1.500000000e+00, v33;
	v9 =	vmul.f32 v27, v10;
	[tilespmem:s17+$0x41B0] =	vst v16  }
0x123: {  	v6 =	vmul.f32 v27, v7;
	[tilespmem:s17+$0x41C0] =	vst v12  }
0x124: {  	v3 =	vmul.f32 v27, v3;
	v28 =	vmul.f32 v28, v39;
	[tilespmem:s17+$0x41D0] =	vst v9  }
0x125: {  	v23 =	vmul.f32 v27, v37;
	[tilespmem:s17+$0x41E0] =	vst v6  }
0x126: {  	[tilespmem:s17+$0x41F0] =	vst v3;
	v24 =	vmul.f32 v28, v31  }
0x127: {  	v29 =	vmul.f32 v28, v35;
	[tilespmem:s17+$0x4190] =	vst v23  }
0x128: {  	v19 =	vmul.f32 v28, v19;
	[tilespmem:s17+$0x4200] =	vst v24  }
0x129: {  	v13 =	vmul.f32 v28, v13;
	[tilespmem:s17+$0x4210] =	vst v29  }
0x12a: {  	v11 =	vmul.f32 v28, v11;
	[tilespmem:s17+$0x4230] =	vst v19  }
0x12b: {  	v8 =	vmul.f32 v28, v21;
	[tilespmem:s17+$0x4240] =	vst v13  }
0x12c: {  	v5 =	vmul.f32 v28, v18;
	[tilespmem:s17+$0x4250] =	vst v11  }
0x12d: {  	v23 =	vmul.f32 v28, v30;
	[tilespmem:s17+$0x4260] =	vst v8  }
0x12e: {  	[tilespmem:s17+$0x4270] =	vst v5  }
0x12f: {  	[tilespmem:s17+$0x4220] =	vst v23  }
0x130: {  	_ =	swait.ge [sflag:s15], $0x2000  }
0x131: {  	[sflag:s15] =	ssyncset.done $0x0  }
0x132: {  	s17 =	simm.s32 $0x0;
	[sflag:s15] =	ssyncadd.s32 $0xFFFFE000  }
0x133: {  	v0 =	vld [tilespmem:s17+$0x20F0]  }
0x134: {  	v1 =	vld [tilespmem:s17+$0x2170]  }
0x135: {  	v2 =	vld [tilespmem:s17+$0x21F0]  }
0x136: {  	v3 =	vld [tilespmem:s17+$0x2270]  }
0x137: {  	v4 =	vld [tilespmem:s17+$0x20E0]  }
0x138: {  	v5 =	vld [tilespmem:s17+$0x2160]  }
0x139: {  	v6 =	vld [tilespmem:s17+$0x21E0]  }
0x13a: {  	v7 =	vld [tilespmem:s17+$0x2260]  }
0x13b: {  	v8 =	vld [tilespmem:s17+$0x20D0]  }
0x13c: {  	v9 =	vld [tilespmem:s17+$0x2150]  }
0x13d: {  	v10 =	vld [tilespmem:s17+$0x21D0]  }
0x13e: {  	v11 =	vld [tilespmem:s17+$0x2250]  }
0x13f: {  	v12 =	vld [tilespmem:s17+$0x20C0]  }
0x140: {  	v13 =	vld [tilespmem:s17+$0x2140]  }
0x141: {  	v14 =	vld [tilespmem:s17+$0x21C0]  }
0x142: {  	v15 =	vld [tilespmem:s17+$0x2240]  }
0x143: {  	v16 =	vld [tilespmem:s17+$0x20B0]  }
0x144: {  	v17 =	vld [tilespmem:s17+$0x2130]  }
0x145: {  	v19 =	vld [tilespmem:s17+$0x21B0]  }
0x146: {  	v20 =	vld [tilespmem:s17+$0x2230]  }
0x147: {  	v22 =	vld [tilespmem:s17+$0x20A0]  }
0x148: {  	v23 =	vld [tilespmem:s17+$0x2120]  }
0x149: {  	v24 =	vld [tilespmem:s17+$0x21A0]  }
0x14a: {  	v25 =	vld [tilespmem:s17+$0x2220]  }
0x14b: {  	v26 =	vld [tilespmem:s17+$0x2080]  }
0x14c: {  	v27 =	vld [tilespmem:s17+$0x2090]  }
0x14d: {  	v28 =	vld [tilespmem:s17+$0x2100]  }
0x14e: {  	v29 =	vld [tilespmem:s17+$0x2110];
	v0 =	vmul.f32 $8.999999760e-01, v0;
	v1 =	vmul.f32 $8.999999760e-01, v1  }
0x14f: {  	v31 =	vld [tilespmem:s17+$0x2180];
	v38 =	vmul.f32 $8.999999760e-01, v2;
	v2 =	vmul.f32 $8.999999760e-01, v4  }
0x150: {  	v61 =	vld [tilespmem:s17+$0x2190];
	v18 =	vmul.f32 $8.999999760e-01, v3;
	v3 =	vmul.f32 $8.999999760e-01, v5  }
0x151: {  	v62 =	vld [tilespmem:s17+$0x61F0];
	v40 =	vmul.f32 $8.999999760e-01, v6;
	v6 =	vmul.f32 $8.999999760e-01, v8  }
0x152: {  	v63 =	vld [tilespmem:s17+$0x6270];
	v21 =	vmul.f32 $8.999999760e-01, v7;
	v7 =	vmul.f32 $8.999999760e-01, v9  }
0x153: {  	v58 =	vld [tilespmem:s17+$0x60E0];
	v10 =	vmul.f32 $8.999999760e-01, v10;
	v12 =	vmul.f32 $8.999999760e-01, v12  }
0x154: {  	v57 =	vld [tilespmem:s17+$0x6240];
	v11 =	vmul.f32 $8.999999760e-01, v11;
	v13 =	vmul.f32 $8.999999760e-01, v13  }
0x155: {  	v53 =	vld [tilespmem:s17+$0x6130];
	v14 =	vmul.f32 $8.999999760e-01, v14;
	v16 =	vmul.f32 $8.999999760e-01, v16  }
0x156: {  	v54 =	vld [tilespmem:s17+$0x6120];
	v15 =	vmul.f32 $8.999999760e-01, v15;
	v42 =	vmul.f32 $8.999999760e-01, v17  }
0x157: {  	v4 =	vld [tilespmem:s17+$0x2200];
	v19 =	vmul.f32 $8.999999760e-01, v19;
	v22 =	vmul.f32 $8.999999760e-01, v22  }
0x158: {  	v5 =	vld [tilespmem:s17+$0x2210];
	v45 =	vmul.f32 $8.999999760e-01, v20;
	v34 =	vmul.f32 $8.999999760e-01, v23  }
0x159: {  	v8 =	vld [tilespmem:s17+$0x60F0];
	v32 =	vmul.f32 $8.999999760e-01, v24;
	v23 =	vmul.f32 $8.999999760e-01, v26  }
0x15a: {  	v9 =	vld [tilespmem:s17+$0x6170];
	v30 =	vmul.f32 $8.999999760e-01, v25;
	v46 =	vmul.f32 $8.999999760e-01, v27  }
0x15b: {  	v17 =	vld [tilespmem:s17+$0x6160];
	v51 =	vmul.f32 $8.999999760e-01, v28;
	v52 =	vmul.f32 $8.999999760e-01, v29  }
0x15c: {  	v24 =	vld [tilespmem:s17+$0x60D0];
	v36 =	vmul.f32 $8.999999760e-01, v31;
	v37 =	vmul.f32 $8.999999760e-01, v61  }
0x15d: {  	v28 =	vld [tilespmem:s17+$0x6150];
	v26 =	vmul.f32 $1.000000010e-01, v63;
	v49 =	vmul.f32 $1.000000010e-01, v57  }
0x15e: {  	v20 =	vld [tilespmem:s17+$0x6260];
	v53 =	vmul.f32 $1.000000010e-01, v53;
	v47 =	vmul.f32 $1.000000010e-01, v54  }
0x15f: {  	v59 =	vld [tilespmem:s17+$0x61E0];
	v8 =	vmul.f32 $1.000000010e-01, v8;
	v9 =	vmul.f32 $1.000000010e-01, v9  }
0x160: {  	v44 =	vld [tilespmem:s17+$0x61D0];
	v31 =	vmul.f32 $8.999999760e-01, v4;
	v4 =	vmul.f32 $1.000000010e-01, v58  }
0x161: {  	v60 =	vld [tilespmem:s17+$0x6250];
	v35 =	vmul.f32 $8.999999760e-01, v5;
	v5 =	vmul.f32 $1.000000010e-01, v17  }
0x162: {  	v56 =	vld [tilespmem:s17+$0x60C0];
	v24 =	vmul.f32 $1.000000010e-01, v24;
	v61 =	vmul.f32 $1.000000010e-01, v28  }
0x163: {  	v17 =	vld [tilespmem:s17+$0x61C0];
	v33 =	vmul.f32 $1.000000010e-01, v20;
	v0 =	vadd.f32 v0, v8;
	v1 =	vadd.f32 v1, v9  }
0x164: {  	v8 =	vld [tilespmem:s17+$0x6140];
	v2 =	vadd.f32 v2, v4;
	v9 =	vmul.f32 $1.000000010e-01, v62;
	v4 =	vadd.f32 v3, v5  }
0x165: {  	v20 =	vld [tilespmem:s17+$0x6090];
	v5 =	vadd.f32 v6, v24;
	v6 =	vadd.f32 v7, v61;
	v7 =	vmul.f32 $1.000000010e-01, v59  }
0x166: {  	v58 =	vld [tilespmem:s17+$0x60B0];
	v27 =	vmul.f32 v0, v0;
	v25 =	vmul.f32 v1, v1  }
0x167: {  	v59 =	vld [tilespmem:s17+$0x60A0];
	v29 =	vmul.f32 v2, v2;
	v3 =	vadd.f32 v38, v9;
	v9 =	vmul.f32 $1.000000010e-01, v56  }
0x168: {  	v28 =	vmul.f32 v4, v4;
	v39 =	vmul.f32 v5, v5  }
0x169: {  	v24 =	vld [tilespmem:s17+$0x61B0];
	v38 =	vmul.f32 v6, v6;
	v62 =	vmul.f32 $1.000000010e-01, v8  }
0x16a: {  	v55 =	vld [tilespmem:s17+$0x6100];
	v17 =	vmul.f32 $1.000000010e-01, v17;
	v20 =	vmul.f32 $1.000000010e-01, v20;
	v8 =	vadd.f32 v12, v9  }
0x16b: {  	v12 =	vmul.f32 $1.000000010e-01, v44;
	v9 =	vadd.f32 v13, v62;
	v13 =	vmul.f32 $1.000000010e-01, v60;
	v60 =	vld [tilespmem:s17+$0x6080]  }
0x16c: {  	v63 =	vld [tilespmem:s17+$0x6230];
	v7 =	vadd.f32 v40, v7;
	v61 =	vmul.f32 $1.000000010e-01, v58;
	v48 =	vmul.f32 $1.000000010e-01, v59  }
0x16d: {  	v20 =	vadd.f32 v46, v20;
	v41 =	vmul.f32 v8, v8;
	v10 =	vadd.f32 v10, v12;
	v62 =	vld [tilespmem:s17+$0x6110]  }
0x16e: {  	v56 =	vld [tilespmem:s17+$0x61A0];
	v12 =	vadd.f32 v14, v17;
	v14 =	vadd.f32 v16, v61;
	v16 =	vmul.f32 $1.000000010e-01, v24  }
0x16f: {  	v17 =	vadd.f32 v22, v48;
	v48 =	vmul.f32 v20, v20;
	v40 =	vmul.f32 v9, v9  }
0x170: {  	v44 =	vld [tilespmem:s17+$0x6220];
	v11 =	vadd.f32 v11, v13;
	v13 =	vadd.f32 v15, v49;
	v22 =	vmul.f32 $1.000000010e-01, v60  }
0x171: {  	v43 =	vld [tilespmem:s17+$0x6190];
	v15 =	vadd.f32 v42, v53;
	v16 =	vadd.f32 v19, v16;
	v19 =	vmul.f32 $1.000000010e-01, v63  }
0x172: {  	v46 =	vld [tilespmem:s17+$0x6180];
	v63 =	vmul.f32 $1.000000010e-01, v62;
	v23 =	vadd.f32 v23, v22;
	v22 =	vmul.f32 $1.000000010e-01, v55  }
0x173: {  	v42 =	vmul.f32 v17, v17;
	v49 =	vmul.f32 $1.000000010e-01, v56;
	v19 =	vadd.f32 v45, v19  }
0x174: {  	s18 =	simm.s32 $0x800;
	v45 =	vld [tilespmem:s17+$0x6210];
	v50 =	vmul.f32 v23, v23;
	v24 =	vadd.f32 v51, v22;
	v22 =	vadd.f32 v52, v63  }
.LBB2_4:
0x175: {  	p0 =	sne.s32 s18, $0x7800;
	v34 =	vadd.f32 v34, v47;
	v32 =	vadd.f32 v32, v49;
	v47 =	vld [tilespmem:s17+$0x6200];
	v44 =	vmul.f32 $1.000000010e-01, v44  }
0x176: {  	v48 =	vadd.f32 v48, v50;
	v49 =	vmul.f32 v24, v24;
	v50 =	vmul.f32 v22, v22  }
0x177: {  	v43 =	vmul.f32 $1.000000010e-01, v43;
	v46 =	vmul.f32 $1.000000010e-01, v46;
	v30 =	vadd.f32 v30, v44  }
0x178: {  	v44 =	vmul.f32 v14, v14;
	v42 =	vadd.f32 v42, v48;
	v48 =	vadd.f32 v50, v49  }
0x179: {  	v49 =	vmul.f32 v34, v34;
	v37 =	vadd.f32 v37, v43;
	v36 =	vadd.f32 v36, v46  }
0x17a: {  	v42 =	vadd.f32 v44, v42;
	v43 =	vmul.f32 $1.000000010e-01, v47;
	v44 =	vmul.f32 $1.000000010e-01, v45  }
0x17b: {  	v45 =	vadd.f32 v49, v48;
	v47 =	vmul.f32 v37, v37;
	v46 =	vmul.f32 v36, v36  }
0x17c: {  	v48 =	vmul.f32 v15, v15;
	v31 =	vadd.f32 v31, v43;
	v35 =	vadd.f32 v35, v44  }
0x17d: {  	v41 =	vadd.f32 v41, v42;
	v43 =	vmul.f32 v32, v32;
	v42 =	vadd.f32 v47, v46  }
0x17e: {  	v44 =	vadd.f32 v48, v45;
	v45 =	vmul.f32 v31, v31;
	v46 =	vmul.f32 v35, v35  }
0x17f: {  	v39 =	vadd.f32 v39, v41;
	v41 =	vadd.f32 v43, v42;
	v42 =	vmul.f32 v16, v16  }
0x180: {  	v40 =	vadd.f32 v40, v44;
	v44 =	vmul.f32 v30, v30;
	v43 =	vadd.f32 v46, v45  }
0x181: {  	v29 =	vadd.f32 v29, v39;
	v39 =	vadd.f32 v42, v41;
	v41 =	vmul.f32 v12, v12  }
0x182: {  	v38 =	vadd.f32 v38, v40;
	v42 =	vmul.f32 v19, v19;
	v40 =	vadd.f32 v44, v43  }
0x183: {  	v27 =	vadd.f32 v27, v29;
	v29 =	vadd.f32 v41, v39;
	v39 =	vmul.f32 v10, v10  }
0x184: {  	v28 =	vadd.f32 v28, v38;
	v38 =	vadd.f32 v42, v40;
	v40 =	vmul.f32 v13, v13  }
0x185: {  	v21 =	vadd.f32 v21, v33;
	v29 =	vadd.f32 v39, v29;
	v39 =	vmul.f32 v7, v7;
	(xrf2) =	vadd.scan.msk.f32 $0xffff, v27  }
0x186: {  	v25 =	vadd.f32 v25, v28;
	v28 =	vmul.f32 v11, v11;
	v27 =	vadd.f32 v40, v38  }
0x187: {  	v33 =	vmul.f32 v3, v3;
	v29 =	vadd.f32 v39, v29  }
0x188: {  	v18 =	vadd.f32 v18, v26;
	v27 =	vadd.f32 v28, v27;
	v28 =	vmul.f32 v21, v21;
	(xrf2) =	vadd.scan.msk.f32 $0xffff, v25  }
0x189: {  	v25 =	vadd.f32 v33, v29  }
0x18a: {  	v26 =	vadd.f32 v28, v27;
	v27 =	vmul.f32 v18, v18  }
0x18b: {  	(xrf2) =	vadd.scan.msk.f32 $0xffff, v25  }
0x18c: {  	v26 =	vadd.f32 v27, v26;
	_ =	sdelay $0x1  }
0x18d: {  	(xrf2) =	vadd.scan.msk.f32 $0xffff, v26  }
0x18e: {  	v25, _, _ =	vpop (xrf2);
	_ =	sdelay $0x2  }
0x18f: {  	v26, _, _ =	vpop (xrf2);
	_ =	sdelay $0x1  }
0x190: {  	v25 =	vbroadcast v25, $0xF  }
0x191: {  	v27, _, _ =	vpop (xrf2)  }
0x192: {  	v28 =	vshra.s32 v25, $0x1;
	v26 =	vbroadcast v26, $0xF  }
0x193: {  	v25 =	vmul.f32 $5.000000000e-01, v25;
	v28 =	vsub.s32 $0x5F3759DF, v28  }
0x194: {  	v29 =	vshra.s32 v26, $0x1;
	v26 =	vmul.f32 $5.000000000e-01, v26;
	v27 =	vbroadcast v27, $0xF;
	v33, _, _ =	vpop (xrf2)  }
0x195: {  	v38 =	vmul.f32 v28, v25;
	v29 =	vsub.s32 $0x5F3759DF, v29;
	v33 =	vbroadcast v33, $0xF  }
0x196: {  	v39 =	vmul.f32 v29, v26;
	v40 =	vshra.s32 v27, $0x1;
	v27 =	vmul.f32 $5.000000000e-01, v27  }
0x197: {  	v40 =	vsub.s32 $0x5F3759DF, v40;
	v41 =	vshra.s32 v33, $0x1;
	v33 =	vmul.f32 $5.000000000e-01, v33  }
0x198: {  	v38 =	vmul.f32 v28, v38;
	v42 =	vmul.f32 v40, v27;
	v41 =	vsub.s32 $0x5F3759DF, v41  }
0x199: {  	v39 =	vmul.f32 v29, v39;
	v43 =	vmul.f32 v41, v33  }
0x19a: {  	v38 =	vsub.f32 $1.500000000e+00, v38;
	v42 =	vmul.f32 v40, v42  }
0x19b: {  	v39 =	vsub.f32 $1.500000000e+00, v39;
	v43 =	vmul.f32 v41, v43  }
0x19c: {  	v28 =	vmul.f32 v28, v38;
	v38 =	vsub.f32 $1.500000000e+00, v42  }
0x19d: {  	v29 =	vmul.f32 v29, v39;
	v39 =	vsub.f32 $1.500000000e+00, v43  }
0x19e: {  	v42 =	vmul.f32 v28, v25;
	v38 =	vmul.f32 v40, v38  }
0x19f: {  	v40 =	vmul.f32 v29, v26;
	v39 =	vmul.f32 v41, v39  }
0x1a0: {  	v41 =	vmul.f32 v42, v28;
	v42 =	vmul.f32 v38, v27  }
0x1a1: {  	v40 =	vmul.f32 v40, v29;
	v43 =	vmul.f32 v39, v33  }
0x1a2: {  	v41 =	vsub.f32 $1.500000000e+00, v41;
	v42 =	vmul.f32 v42, v38  }
0x1a3: {  	v40 =	vsub.f32 $1.500000000e+00, v40;
	v43 =	vmul.f32 v43, v39  }
0x1a4: {  	v28 =	vmul.f32 v41, v28;
	v41 =	vsub.f32 $1.500000000e+00, v42  }
0x1a5: {  	v29 =	vmul.f32 v40, v29;
	v40 =	vsub.f32 $1.500000000e+00, v43  }
0x1a6: {  	v25 =	vmul.f32 v28, v25;
	v38 =	vmul.f32 v41, v38  }
0x1a7: {  	v26 =	vmul.f32 v29, v26;
	v39 =	vmul.f32 v40, v39  }
0x1a8: {  	v25 =	vmul.f32 v25, v28;
	v27 =	vmul.f32 v38, v27  }
0x1a9: {  	v26 =	vmul.f32 v26, v29;
	v33 =	vmul.f32 v39, v33  }
0x1aa: {  	v25 =	vsub.f32 $1.500000000e+00, v25;
	v27 =	vmul.f32 v27, v38  }
0x1ab: {  	v26 =	vsub.f32 $1.500000000e+00, v26;
	v33 =	vmul.f32 v33, v39  }
0x1ac: {  	v25 =	vmul.f32 v25, v28;
	v27 =	vsub.f32 $1.500000000e+00, v27  }
0x1ad: {  	v26 =	vmul.f32 v26, v29;
	v28 =	vsub.f32 $1.500000000e+00, v33  }
0x1ae: {  	v23 =	vmul.f32 v25, v23;
	v27 =	vmul.f32 v27, v38  }
0x1af: {  	s19 =	sshra.s32 s18, $0x2;
	v24 =	vmul.f32 v26, v24;
	v28 =	vmul.f32 v28, v39  }
0x1b0: {  	v33 =	vmul.f32 v27, v37;
	v29 =	vld [tilespmem:s19+$0x20F0];
	[tilespmem:s17+$0x6080] =	vst v23;
	v23 =	vmul.f32 v27, v36  }
0x1b1: {  	v36 =	vld [tilespmem:s19+$0x2170];
	[tilespmem:s17+$0x6100] =	vst v24;
	v24 =	vmul.f32 v28, v31;
	v31 =	vmul.f32 v28, v35  }
0x1b2: {  	v22 =	vmul.f32 v26, v22;
	v20 =	vmul.f32 v25, v20;
	v35 =	vld [tilespmem:s19+$0x21F0];
	[tilespmem:s17+$0x6180] =	vst v23  }
0x1b3: {  	v32 =	vmul.f32 v27, v32;
	v23 =	vld [tilespmem:s19+$0x2270];
	[tilespmem:s17+$0x6200] =	vst v24;
	v24 =	vmul.f32 v28, v30  }
0x1b4: {  	v34 =	vmul.f32 v26, v34;
	v17 =	vmul.f32 v25, v17;
	v30 =	vld [tilespmem:s19+$0x20E0];
	[tilespmem:s17+$0x6210] =	vst v31  }
0x1b5: {  	v16 =	vmul.f32 v27, v16;
	v19 =	vmul.f32 v28, v19;
	v31 =	vld [tilespmem:s19+$0x2160];
	[tilespmem:s17+$0x6190] =	vst v33  }
0x1b6: {  	v15 =	vmul.f32 v26, v15;
	v14 =	vmul.f32 v25, v14;
	v33 =	vld [tilespmem:s19+$0x21E0];
	[tilespmem:s17+$0x6110] =	vst v22  }
0x1b7: {  	v12 =	vmul.f32 v27, v12;
	v13 =	vmul.f32 v28, v13;
	v22 =	vld [tilespmem:s19+$0x2260];
	[tilespmem:s17+$0x6090] =	vst v20  }
0x1b8: {  	v9 =	vmul.f32 v26, v9;
	v8 =	vmul.f32 v25, v8;
	v20 =	vld [tilespmem:s19+$0x20D0];
	[tilespmem:s17+$0x6220] =	vst v24  }
0x1b9: {  	v10 =	vmul.f32 v27, v10;
	v11 =	vmul.f32 v28, v11;
	v24 =	vld [tilespmem:s19+$0x2150];
	[tilespmem:s17+$0x61A0] =	vst v32  }
0x1ba: {  	v6 =	vmul.f32 v26, v6;
	v5 =	vmul.f32 v25, v5;
	v32 =	vld [tilespmem:s19+$0x21D0];
	[tilespmem:s17+$0x6120] =	vst v34  }
0x1bb: {  	v7 =	vmul.f32 v27, v7;
	v34 =	vld [tilespmem:s19+$0x2250];
	[tilespmem:s17+$0x60A0] =	vst v17;
	v17 =	vmul.f32 v28, v21  }
0x1bc: {  	v4 =	vmul.f32 v26, v4;
	v2 =	vmul.f32 v25, v2;
	v37 =	vld [tilespmem:s19+$0x20C0];
	[tilespmem:s17+$0x6230] =	vst v19  }
0x1bd: {  	v3 =	vmul.f32 v27, v3;
	v19 =	vld [tilespmem:s19+$0x2140];
	[tilespmem:s17+$0x61B0] =	vst v16;
	v16 =	vmul.f32 v28, v18  }
0x1be: {  	v1 =	vmul.f32 v26, v1;
	v0 =	vmul.f32 v25, v0;
	v27 =	vld [tilespmem:s19+$0x21C0];
	[tilespmem:s17+$0x6130] =	vst v15  }
0x1bf: {  	v15 =	vld [tilespmem:s19+$0x2240];
	[tilespmem:s17+$0x60B0] =	vst v14  }
0x1c0: {  	v14 =	vld [tilespmem:s19+$0x20B0];
	[tilespmem:s17+$0x6240] =	vst v13  }
0x1c1: {  	v13 =	vld [tilespmem:s19+$0x2130];
	[tilespmem:s17+$0x61C0] =	vst v12  }
0x1c2: {  	v12 =	vld [tilespmem:s19+$0x21B0];
	[tilespmem:s17+$0x6140] =	vst v9  }
0x1c3: {  	v9 =	vld [tilespmem:s19+$0x2230];
	[tilespmem:s17+$0x60C0] =	vst v8  }
0x1c4: {  	v8 =	vld [tilespmem:s19+$0x20A0];
	[tilespmem:s17+$0x6250] =	vst v11  }
0x1c5: {  	v11 =	vld [tilespmem:s19+$0x2120];
	[tilespmem:s17+$0x61D0] =	vst v10  }
0x1c6: {  	v10 =	vld [tilespmem:s19+$0x21A0];
	[tilespmem:s17+$0x6150] =	vst v6  }
0x1c7: {  	v6 =	vld [tilespmem:s19+$0x2220];
	[tilespmem:s17+$0x60D0] =	vst v5  }
0x1c8: {  	v5 =	vld [tilespmem:s19+$0x2080];
	[tilespmem:s17+$0x6260] =	vst v17  }
0x1c9: {  	v17 =	vld [tilespmem:s19+$0x2090];
	[tilespmem:s17+$0x61E0] =	vst v7  }
0x1ca: {  	v7 =	vld [tilespmem:s19+$0x2100];
	[tilespmem:s17+$0x6160] =	vst v4  }
0x1cb: {  	v4 =	vld [tilespmem:s19+$0x2110];
	[tilespmem:s17+$0x60E0] =	vst v2  }
0x1cc: {  	v2 =	vmul.f32 $8.999999760e-01, v29;
	v25 =	vld [tilespmem:s19+$0x2180];
	[tilespmem:s17+$0x6270] =	vst v16  }
0x1cd: {  	v28 =	vmul.f32 $8.999999760e-01, v35;
	v16 =	vmul.f32 $8.999999760e-01, v36;
	v26 =	vld [tilespmem:s19+$0x2190];
	[tilespmem:s17+$0x61F0] =	vst v3  }
0x1ce: {  	v18 =	vmul.f32 $8.999999760e-01, v23;
	v3 =	vmul.f32 $8.999999760e-01, v30;
	v29 =	vld [tilespmem:s19+$0x2200];
	[tilespmem:s17+$0x6170] =	vst v1  }
0x1cf: {  	v40 =	vmul.f32 $8.999999760e-01, v33;
	v23 =	vmul.f32 $8.999999760e-01, v31;
	v33 =	vld [tilespmem:s19+$0x2210];
	[tilespmem:s17+$0x60F0] =	vst v0;
	s17 =	smov.u32 s19  }
0x1d0: {  	v21 =	vmul.f32 $8.999999760e-01, v22;
	v20 =	vmul.f32 $8.999999760e-01, v20;
	v0 =	vld [tilespmem:s17+$0x60F0]  }
0x1d1: {  	v22 =	vmul.f32 $8.999999760e-01, v24;
	v24 =	vmul.f32 $8.999999760e-01, v32;
	v1 =	vld [tilespmem:s17+$0x6170]  }
0x1d2: {  	v42 =	vmul.f32 $8.999999760e-01, v34;
	v38 =	vmul.f32 $8.999999760e-01, v37;
	v39 =	vld [tilespmem:s17+$0x61F0]  }
0x1d3: {  	v19 =	vmul.f32 $8.999999760e-01, v19;
	v43 =	vmul.f32 $8.999999760e-01, v27;
	v41 =	vld [tilespmem:s17+$0x6270]  }
0x1d4: {  	v15 =	vmul.f32 $8.999999760e-01, v15;
	v14 =	vmul.f32 $8.999999760e-01, v14;
	v27 =	vld [tilespmem:s17+$0x60E0]  }
0x1d5: {  	v44 =	vmul.f32 $8.999999760e-01, v13;
	v45 =	vmul.f32 $8.999999760e-01, v12;
	v13 =	vld [tilespmem:s17+$0x6160]  }
0x1d6: {  	v50 =	vmul.f32 $8.999999760e-01, v9;
	v46 =	vmul.f32 $8.999999760e-01, v8;
	v8 =	vld [tilespmem:s17+$0x61E0]  }
0x1d7: {  	v34 =	vmul.f32 $8.999999760e-01, v11;
	v32 =	vmul.f32 $8.999999760e-01, v10;
	v9 =	vld [tilespmem:s17+$0x6260]  }
0x1d8: {  	v48 =	vmul.f32 $8.999999760e-01, v5;
	v30 =	vmul.f32 $8.999999760e-01, v6;
	v5 =	vld [tilespmem:s17+$0x60D0]  }
0x1d9: {  	v47 =	vmul.f32 $8.999999760e-01, v17;
	v51 =	vmul.f32 $8.999999760e-01, v7;
	v6 =	vld [tilespmem:s17+$0x6150]  }
0x1da: {  	v52 =	vmul.f32 $8.999999760e-01, v4;
	v0 =	vmul.f32 $1.000000010e-01, v0;
	v7 =	vld [tilespmem:s17+$0x61D0]  }
0x1db: {  	v36 =	vmul.f32 $8.999999760e-01, v25;
	v1 =	vmul.f32 $1.000000010e-01, v1;
	v10 =	vld [tilespmem:s17+$0x6250]  }
0x1dc: {  	v37 =	vmul.f32 $8.999999760e-01, v26;
	v31 =	vmul.f32 $8.999999760e-01, v29;
	v0 =	vadd.f32 v2, v0;
	v11 =	vld [tilespmem:s17+$0x60C0]  }
0x1dd: {  	v35 =	vmul.f32 $8.999999760e-01, v33;
	v1 =	vadd.f32 v16, v1;
	v2 =	vmul.f32 $1.000000010e-01, v27;
	v12 =	vld [tilespmem:s17+$0x6140]  }
0x1de: {  	v27 =	vmul.f32 v0, v0;
	v4 =	vmul.f32 $1.000000010e-01, v13;
	v13 =	vld [tilespmem:s17+$0x61C0]  }
0x1df: {  	v25 =	vmul.f32 v1, v1;
	v2 =	vadd.f32 v3, v2;
	v3 =	vmul.f32 $1.000000010e-01, v39;
	v16 =	vld [tilespmem:s17+$0x6240]  }
0x1e0: {  	v26 =	vmul.f32 $1.000000010e-01, v41;
	v4 =	vadd.f32 v23, v4;
	v5 =	vmul.f32 $1.000000010e-01, v5;
	v17 =	vld [tilespmem:s17+$0x60B0]  }
0x1e1: {  	v29 =	vmul.f32 v2, v2;
	v3 =	vadd.f32 v28, v3;
	v6 =	vmul.f32 $1.000000010e-01, v6;
	v23 =	vld [tilespmem:s17+$0x6130]  }
0x1e2: {  	v28 =	vmul.f32 v4, v4;
	v5 =	vadd.f32 v20, v5;
	v11 =	vmul.f32 $1.000000010e-01, v11;
	v20 =	vld [tilespmem:s17+$0x61B0]  }
0x1e3: {  	v6 =	vadd.f32 v22, v6;
	v22 =	vmul.f32 $1.000000010e-01, v8;
	v12 =	vmul.f32 $1.000000010e-01, v12;
	v49 =	vld [tilespmem:s17+$0x6230]  }
0x1e4: {  	v33 =	vmul.f32 $1.000000010e-01, v9;
	v39 =	vmul.f32 v5, v5;
	v8 =	vadd.f32 v38, v11;
	v53 =	vld [tilespmem:s17+$0x60A0]  }
0x1e5: {  	v38 =	vmul.f32 v6, v6;
	v11 =	vmul.f32 $1.000000010e-01, v7;
	v9 =	vadd.f32 v19, v12;
	v54 =	vld [tilespmem:s17+$0x6120]  }
0x1e6: {  	v7 =	vadd.f32 v40, v22;
	v12 =	vmul.f32 $1.000000010e-01, v10;
	v41 =	vmul.f32 v8, v8;
	v19 =	vld [tilespmem:s17+$0x6090]  }
0x1e7: {  	v13 =	vmul.f32 $1.000000010e-01, v13;
	v10 =	vadd.f32 v24, v11;
	v40 =	vmul.f32 v9, v9;
	v22 =	vld [tilespmem:s17+$0x6080]  }
0x1e8: {  	v16 =	vmul.f32 $1.000000010e-01, v16;
	v17 =	vmul.f32 $1.000000010e-01, v17;
	v11 =	vadd.f32 v42, v12;
	v24 =	vld [tilespmem:s17+$0x6110]  }
0x1e9: {  	v23 =	vmul.f32 $1.000000010e-01, v23;
	v12 =	vadd.f32 v43, v13;
	v42 =	vmul.f32 $1.000000010e-01, v53;
	v53 =	vld [tilespmem:s17+$0x6100]  }
0x1ea: {  	v13 =	vadd.f32 v15, v16;
	v14 =	vadd.f32 v14, v17;
	v20 =	vmul.f32 $1.000000010e-01, v20;
	v55 =	vld [tilespmem:s17+$0x61A0]  }
0x1eb: {  	v15 =	vadd.f32 v44, v23;
	v19 =	vmul.f32 $1.000000010e-01, v19;
	v17 =	vadd.f32 v46, v42  }
.Ltmp1:
0x1ec: {  	v16 =	vadd.f32 v45, v20;
	v45 =	vmul.f32 $1.000000010e-01, v49;
	v22 =	vmul.f32 $1.000000010e-01, v22;
	v44 =	vld [tilespmem:s17+$0x6220];
	(pc) =	sbr.rel @p0 .LBB2_4-.Ltmp1, $4  }
0x1ed: {  	v20 =	vadd.f32 v47, v19;
	v42 =	vmul.f32 v17, v17;
	v47 =	vmul.f32 $1.000000010e-01, v54;
	v43 =	vld [tilespmem:s17+$0x6190]  }
0x1ee: {  	v23 =	vadd.f32 v48, v22;
	v22 =	vmul.f32 $1.000000010e-01, v53;
	v53 =	vmul.f32 $1.000000010e-01, v24;
	v46 =	vld [tilespmem:s17+$0x6180]  }
0x1ef: {  	v19 =	vadd.f32 v50, v45;
	v48 =	vmul.f32 v20, v20;
	v49 =	vmul.f32 $1.000000010e-01, v55  }
0x1f0: {  	s18 =	sadd.s32 $0x800, s18;
	v50 =	vmul.f32 v23, v23;
	v24 =	vadd.f32 v51, v22;
	v22 =	vadd.f32 v52, v53;
	v45 =	vld [tilespmem:s17+$0x6210]  }
0x1f1: {  	v44 =	vmul.f32 $1.000000010e-01, v44;
	v62 =	vmul.f32 v14, v14  }
0x1f2: {  	v34 =	vadd.f32 v34, v47;
	v60 =	vmul.f32 v24, v24;
	v61 =	vmul.f32 v22, v22  }
0x1f3: {  	v51 =	vld [tilespmem:s17+$0x6200];
	v32 =	vadd.f32 v32, v49;
	v43 =	vmul.f32 $1.000000010e-01, v43;
	v46 =	vmul.f32 $1.000000010e-01, v46  }
0x1f4: {  	v56 =	vmul.f32 v15, v15;
	v59 =	vadd.f32 v48, v50;
	v52 =	vadd.f32 v61, v60  }
0x1f5: {  	v53 =	vmul.f32 v34, v34;
	v37 =	vadd.f32 v37, v43;
	v36 =	vadd.f32 v36, v46  }
0x1f6: {  	v30 =	vadd.f32 v30, v44;
	v42 =	vadd.f32 v42, v59;
	v45 =	vmul.f32 $1.000000010e-01, v45  }
0x1f7: {  	v55 =	vmul.f32 v37, v37;
	v57 =	vadd.f32 v53, v52;
	v54 =	vmul.f32 v36, v36  }
0x1f8: {  	v63 =	vmul.f32 $1.000000010e-01, v51;
	v42 =	vadd.f32 v62, v42;
	v35 =	vadd.f32 v35, v45  }
0x1f9: {  	v61 =	vmul.f32 v32, v32;
	v62 =	vadd.f32 v56, v57;
	v60 =	vadd.f32 v55, v54  }
0x1fa: {  	v31 =	vadd.f32 v31, v63;
	v41 =	vadd.f32 v41, v42  }
0x1fb: {  	v50 =	vmul.f32 v16, v16;
	v40 =	vadd.f32 v40, v62;
	v49 =	vadd.f32 v61, v60  }
0x1fc: {  	v59 =	vmul.f32 v35, v35;
	v58 =	vmul.f32 v31, v31;
	v39 =	vadd.f32 v39, v41  }
0x1fd: {  	v54 =	vmul.f32 v12, v12;
	v38 =	vadd.f32 v38, v40;
	v53 =	vadd.f32 v50, v49  }
0x1fe: {  	v63 =	vadd.f32 v59, v58;
	v29 =	vadd.f32 v29, v39  }
0x1ff: {  	v58 =	vmul.f32 v10, v10;
	v28 =	vadd.f32 v28, v38;
	v57 =	vadd.f32 v54, v53  }
0x200: {  	v48 =	vmul.f32 v30, v30;
	v27 =	vadd.f32 v27, v29  }
0x201: {  	v61 =	vmul.f32 v7, v7;
	v25 =	vadd.f32 v25, v28;
	v29 =	vadd.f32 v58, v57  }
0x202: {  	v52 =	vmul.f32 v19, v19;
	v51 =	vadd.f32 v48, v63;
	(xrf2) =	vadd.scan.msk.f32 $0xffff, v27  }
0x203: {  	v38 =	vmul.f32 v3, v3;
	(xrf2) =	vadd.scan.msk.f32 $0xffff, v25;
	v63 =	vadd.f32 v61, v29  }
0x204: {  	v56 =	vmul.f32 v13, v13;
	v55 =	vadd.f32 v52, v51  }
0x205: {  	v41 =	vadd.f32 v38, v63  }
0x206: {  	v21 =	vadd.f32 v21, v33;
	v60 =	vmul.f32 v11, v11;
	v59 =	vadd.f32 v56, v55  }
0x207: {  	(xrf2) =	vadd.scan.msk.f32 $0xffff, v41  }
0x208: {  	v18 =	vadd.f32 v18, v26;
	v62 =	vmul.f32 v21, v21;
	v33 =	vadd.f32 v60, v59;
	_ =	sdelay $0x1  }
0x209: {  	v40 =	vmul.f32 v18, v18;
	v39 =	vadd.f32 v62, v33;
	_ =	sdelay $0x1  }
0x20a: {  	v42 =	vadd.f32 v40, v39;
	v43, _, _ =	vpop (xrf2)  }
0x20b: {  	v44, _, _ =	vpop (xrf2)  }
0x20c: {  	(xrf2) =	vadd.scan.msk.f32 $0xffff, v42;
	v26 =	vbroadcast v44, $0xF;
	_ =	sdelay $0x1  }
0x20d: {  	v25 =	vbroadcast v43, $0xF;
	v47 =	vshra.s32 v26, $0x1;
	v26 =	vmul.f32 $5.000000000e-01, v26  }
0x20e: {  	v29 =	vsub.s32 $0x5F3759DF, v47;
	v46, _, _ =	vpop (xrf2)  }
0x20f: {  	v45 =	vshra.s32 v25, $0x1;
	v50 =	vmul.f32 v29, v26;
	v28 =	vbroadcast v46, $0xF  }
0x210: {  	v25 =	vmul.f32 $5.000000000e-01, v25;
	v27 =	vsub.s32 $0x5F3759DF, v45  }
0x211: {  	v39 =	vmul.f32 v29, v50;
	v51 =	vshra.s32 v28, $0x1;
	v28 =	vmul.f32 $5.000000000e-01, v28  }
0x212: {  	v49 =	vmul.f32 v27, v25;
	v40 =	vsub.s32 $0x5F3759DF, v51  }
0x213: {  	v39 =	vsub.f32 $1.500000000e+00, v39;
	v53 =	vmul.f32 v40, v28  }
0x214: {  	v38 =	vmul.f32 v27, v49  }
0x215: {  	v48, _, _ =	vpop (xrf2);
	v29 =	vmul.f32 v29, v39;
	v42 =	vmul.f32 v40, v53  }
0x216: {  	v38 =	vsub.f32 $1.500000000e+00, v38;
	v33 =	vbroadcast v48, $0xF  }
0x217: {  	v58 =	vmul.f32 v29, v26;
	v55 =	vsub.f32 $1.500000000e+00, v42  }
0x218: {  	v27 =	vmul.f32 v27, v38;
	v52 =	vshra.s32 v33, $0x1;
	v33 =	vmul.f32 $5.000000000e-01, v33  }
0x219: {  	v38 =	vmul.f32 v40, v55;
	v40 =	vmul.f32 v58, v29  }
0x21a: {  	v41 =	vsub.s32 $0x5F3759DF, v52  }
0x21b: {  	v54 =	vmul.f32 v41, v33;
	v40 =	vsub.f32 $1.500000000e+00, v40;
	_ =	sdelay $0x1  }
0x21c: {  	v43 =	vmul.f32 v41, v54;
	v29 =	vmul.f32 v40, v29  }
0x21d: {  	v57 =	vmul.f32 v27, v25  }
0x21e: {  	v56 =	vsub.f32 $1.500000000e+00, v43;
	v26 =	vmul.f32 v29, v26  }
0x21f: {  	v59 =	vmul.f32 v57, v27  }
0x220: {  	v39 =	vmul.f32 v41, v56;
	v26 =	vmul.f32 v26, v29  }
0x221: {  	v41 =	vsub.f32 $1.500000000e+00, v59  }
0x222: {  	v61 =	vmul.f32 v39, v33;
	v26 =	vsub.f32 $1.500000000e+00, v26  }
0x223: {  	v27 =	vmul.f32 v41, v27  }
0x224: {  	v43 =	vmul.f32 v61, v39;
	v26 =	vmul.f32 v26, v29  }
0x225: {  	v60 =	vmul.f32 v38, v28  }
0x226: {  	v25 =	vmul.f32 v27, v25;
	v63 =	vsub.f32 $1.500000000e+00, v43;
	v43 =	vmul.f32 v26, v24  }
0x227: {  	v42 =	vmul.f32 v60, v38;
	v48 =	vmul.f32 v26, v22  }
0x228: {  	v25 =	vmul.f32 v25, v27;
	v51 =	vmul.f32 v26, v34;
	[tilespmem:s17+$0x6100] =	vst v43  }
0x229: {  	v62 =	vsub.f32 $1.500000000e+00, v42;
	v54 =	vmul.f32 v26, v15;
	[tilespmem:s17+$0x6110] =	vst v48  }
0x22a: {  	v25 =	vsub.f32 $1.500000000e+00, v25;
	v9 =	vmul.f32 v26, v9;
	[tilespmem:s17+$0x6120] =	vst v51  }
0x22b: {  	v38 =	vmul.f32 v62, v38;
	v6 =	vmul.f32 v26, v6;
	[tilespmem:s17+$0x6130] =	vst v54  }
0x22c: {  	v25 =	vmul.f32 v25, v27;
	v4 =	vmul.f32 v26, v4;
	[tilespmem:s17+$0x6140] =	vst v9  }
0x22d: {  	v1 =	vmul.f32 v26, v1;
	[tilespmem:s17+$0x6150] =	vst v6  }
0x22e: {  	v28 =	vmul.f32 v38, v28;
	v23 =	vmul.f32 v25, v23;
	[tilespmem:s17+$0x6160] =	vst v4  }
0x22f: {  	v20 =	vmul.f32 v25, v20;
	[tilespmem:s17+$0x6170] =	vst v1  }
0x230: {  	v28 =	vmul.f32 v28, v38;
	v17 =	vmul.f32 v25, v17;
	[tilespmem:s17+$0x6080] =	vst v23  }
0x231: {  	v55 =	vmul.f32 v25, v14;
	[tilespmem:s17+$0x6090] =	vst v20  }
0x232: {  	v41 =	vsub.f32 $1.500000000e+00, v28;
	v8 =	vmul.f32 v25, v8;
	[tilespmem:s17+$0x60A0] =	vst v17  }
0x233: {  	v39 =	vmul.f32 v63, v39;
	v5 =	vmul.f32 v25, v5;
	[tilespmem:s17+$0x60B0] =	vst v55  }
0x234: {  	v2 =	vmul.f32 v25, v2;
	v27 =	vmul.f32 v41, v38;
	[tilespmem:s17+$0x60C0] =	vst v8  }
0x235: {  	v0 =	vmul.f32 v25, v0;
	[tilespmem:s17+$0x60D0] =	vst v5  }
0x236: {  	v33 =	vmul.f32 v39, v33;
	[tilespmem:s17+$0x60E0] =	vst v2;
	v44 =	vmul.f32 v27, v36  }
0x237: {  	[tilespmem:s17+$0x60F0] =	vst v0;
	v47 =	vmul.f32 v27, v37  }
0x238: {  	v33 =	vmul.f32 v33, v39;
	v50 =	vmul.f32 v27, v32;
	[tilespmem:s17+$0x6180] =	vst v44  }
0x239: {  	v53 =	vmul.f32 v27, v16;
	[tilespmem:s17+$0x6190] =	vst v47  }
0x23a: {  	v42 =	vsub.f32 $1.500000000e+00, v33;
	v57 =	vmul.f32 v27, v12;
	[tilespmem:s17+$0x61A0] =	vst v50  }
0x23b: {  	v59 =	vmul.f32 v27, v10;
	[tilespmem:s17+$0x61B0] =	vst v53  }
0x23c: {  	v61 =	vmul.f32 v27, v7;
	v28 =	vmul.f32 v42, v39;
	[tilespmem:s17+$0x61C0] =	vst v57  }
0x23d: {  	v63 =	vmul.f32 v27, v3;
	[tilespmem:s17+$0x61D0] =	vst v59  }
0x23e: {  	[tilespmem:s17+$0x61E0] =	vst v61;
	v45 =	vmul.f32 v28, v31  }
0x23f: {  	[tilespmem:s17+$0x61F0] =	vst v63;
	v46 =	vmul.f32 v28, v35  }
0x240: {  	v49 =	vmul.f32 v28, v30;
	[tilespmem:s17+$0x6200] =	vst v45  }
0x241: {  	v52 =	vmul.f32 v28, v19;
	[tilespmem:s17+$0x6210] =	vst v46  }
0x242: {  	v56 =	vmul.f32 v28, v13;
	[tilespmem:s17+$0x6220] =	vst v49  }
0x243: {  	v58 =	vmul.f32 v28, v11;
	[tilespmem:s17+$0x6230] =	vst v52  }
0x244: {  	v60 =	vmul.f32 v28, v21;
	[tilespmem:s17+$0x6240] =	vst v56  }
0x245: {  	s16 =	sadd.s32 $0x1, s16;
	v62 =	vmul.f32 v28, v18;
	[tilespmem:s17+$0x6250] =	vst v58  }
0x246: {  	p0 =	sne.s32 s16, s7;
	[tilespmem:s17+$0x6260] =	vst v60  }
.Ltmp2:
0x247: {  	[tilespmem:s17+$0x6270] =	vst v62;
	(pc) =	sbr.rel @p0 .LBB2_1-.Ltmp2, $4  }
0x248: {  	[hbm4b:s2+s8] =	stream.indirect.scatter [tilespmem:s11], [sflag:$0x1], $0x80, s4, s8, $0xb8;
	[tilespmem:$0x8080] =	vst v63  }
0x249: {  	_ =	swait.ge [sflag:s13], $0x4000  }
0x24a: {  	[sflag:s13] =	ssyncset.done $0x0  }
0x24b: {  	[sflag:s13] =	ssyncadd.s32 $0xFFFFC000  }
0x24c: {  	_ =	sfence.sel $0x180000  }
0x24d: {  	[bflag:$0x0] =	sbarrier.arrive $0xFFFF  }
0x24e: {  	p0 =	sne.s32 s3, $0x0;
	_ =	strace $0x90000047  }
0x24f: {  	s0 =	sadd.s32 @!p0 $0x100000, s0;
	[bflag:$0x2] =	sbarrier.arrive $0xFFFF  }
0x250: {  	[sflag:s0] =	ssyncadd.tile.s32 @!p0 $0x1;
	_ =	shalt  }
.Lfunc_end2:
_tile_overlayer_lowered:
.L_overlay_start_2:
0x251: {  	(tag) =	ssettag $0x2  }
0x252: {  	s0 =	rddreg [dreg:$0x0];
	s2 =	stileid.u32  }
0x253: {  	s1 =	rddreg [dreg:$0x1];
	p0 =	sne.s32 s2, $0x0  }
0x254: {  	s3 =	rddreg [dreg:$0x2];
	[bflag:$0x3] =	sbarrier.arrive $0xFFFF;
	s2 =	simm.s32 @!p0 $0x1C04  }
0x255: {  	[timem:s3], [sflag:s2] =	dma.local @!p0 [hbm:s0], s1  }
0x256: {  	s0 =	simm.s32 @!p0 $0x4  }
0x257: {  	_ =	swait.ge @!p0 [sflag:s0], s1  }
0x258: {  	s1 =	ssub.s32 @!p0 $0x0, s1;
	[sflag:s0] =	ssyncset.done @!p0 $0x0  }
0x259: {  	[sflag:s0] =	ssyncadd.s32 @!p0 s1  }
0x25a: {  	[bflag:$0x3] =	sbarrier.arrive $0xFFFF  }
0x25b: {  	_ =	shalt  }

</sc_bundles>
